<compile_context>
chip_gen: v7x
topology: tpu7x:2x2x1
jax: 0.10.2.dev20260603
libtpu: 0.0.44.dev20260713+nightly
codegen_flags: <defaults>
</compile_context>

<pallas_src>
import functools

import jax
import jax.numpy as jnp
from jax import lax
from jax.experimental import pallas as pl
from jax.experimental.pallas import tpu as pltpu
from jax.experimental.pallas import tpu_sc as plsc

K = 10
LLE_PERCENT = 0.5
BIG = 1e30
BIGI = 2 ** 30



def _thresh_body(n_db, qt_ref, db_ref, t_out_ref, bmin_scr):
    j = pl.program_id(0)
    nb = pl.num_programs(0)
    nblk = db_ref.shape[0]
    n_q = qt_ref.shape[1]

    qt = qt_ref[...]
    db = db_ref[...]
    dbn = jnp.sum(db * db, axis=1)

    @pl.when(j == 0)
    def _init():
        bmin_scr[...] = jnp.full((16, n_q), jnp.float32(BIG), jnp.float32)

    prod = lax.dot_general(db, qt, (((1,), (0,)), ((), ())),
                           preferred_element_type=jnp.float32)
    d = dbn[:, None] - 2.0 * prod
    d3 = d.reshape(nblk // 16, 16, n_q)
    bmin_scr[...] = jnp.minimum(bmin_scr[...], jnp.min(d3, axis=0))

    @pl.when(j == nb - 1)
    def _emit():
        b = bmin_scr[...]
        cur = jnp.min(b, axis=0, keepdims=True)
        for _ in range(K - 1):
            b = jnp.where(b == cur, jnp.float32(BIG), b)
            cur = jnp.min(b, axis=0, keepdims=True)
        t = cur * (1.0 + 1e-6) + 1e-3
        t_out_ref[...] = jnp.broadcast_to(t, (8, n_q))


def _collect_body(n_db, qt_ref, db_ref, t_ref, idx_out_ref,
                  vals_scr, idxs_scr, dist_scr):
    j = pl.program_id(0)
    nb = pl.num_programs(0)
    nblk = db_ref.shape[0]
    n_q = qt_ref.shape[1]

    srow = lax.broadcasted_iota(jnp.int32, (16, n_q), 0)

    @pl.when(j == 0)
    def _init():
        vals_scr[...] = jnp.full((16, n_q), jnp.float32(BIG), jnp.float32)
        idxs_scr[...] = jnp.zeros((16, n_q), jnp.int32)

    qt = qt_ref[...]
    db = db_ref[...]
    tq = t_ref[0:1, :]
    dbn = jnp.sum(db * db, axis=1)
    prod = lax.dot_general(db, qt, (((1,), (0,)), ((), ())),
                           preferred_element_type=jnp.float32)
    riota = lax.broadcasted_iota(jnp.int32, (nblk, n_q), 0)
    d = dbn[:, None] - 2.0 * prod
    bmin0 = jnp.min(d, axis=0, keepdims=True)

    def _go(bmin, bmax):
        return jnp.min(jnp.where(bmin < bmax, bmin - tq,
                                 jnp.float32(BIG))) <= 0.0

    go0 = _go(bmin0, jnp.max(vals_scr[...], axis=0, keepdims=True))

    @pl.when(go0)
    def _collect():
        dist_scr[...] = d

        def _cond(c):
            return c[0]

        def _body(c):
            _, bmin = c
            dd = dist_scr[...]
            sel = jnp.min(jnp.where(dd == bmin, riota, BIGI), axis=0,
                          keepdims=True)
            bv = vals_scr[...]
            bmax = jnp.max(bv, axis=0, keepdims=True)
            wr = jnp.min(jnp.where(bv == bmax, srow, BIGI), axis=0,
                         keepdims=True)
            take = (bmin <= tq) & (bmin < bmax)
            hit = take & (srow == wr)
            bv2 = jnp.where(hit, jnp.broadcast_to(bmin, bv.shape), bv)
            vals_scr[...] = bv2
            idxs_scr[...] = jnp.where(
                hit, jnp.broadcast_to(sel + j * nblk, bv.shape), idxs_scr[...])
            dm = jnp.where(riota == sel, jnp.float32(BIG), dd)
            dist_scr[...] = dm
            nbmin = jnp.min(dm, axis=0, keepdims=True)
            bmax2 = jnp.max(bv2, axis=0, keepdims=True)
            return _go(nbmin, bmax2), nbmin

        lax.while_loop(_cond, _body, (go0, bmin0))

    @pl.when(j == nb - 1)
    def _out():
        bv = vals_scr[...]
        bi = idxs_scr[...]
        out_i = jnp.zeros((16, n_q), jnp.int32)
        for t in range(K):
            cur = jnp.min(bv, axis=0, keepdims=True)
            imin = jnp.min(jnp.where(bv == cur, bi, BIGI), axis=0,
                           keepdims=True)
            out_i = jnp.where(srow == t, jnp.broadcast_to(imin, bi.shape),
                              out_i)
            bv = jnp.where((bv == cur) & (bi == imin), jnp.float32(BIG), bv)
        idx_out_ref[...] = out_i


def _topk_indices(feats, db, nblk_a=2048, nblk_b=512, interpret=False):
    n_q, d = feats.shape
    n_db = db.shape[0]
    npad = (-n_db) % nblk_a
    if npad:
        pad = jnp.zeros((npad, d), db.dtype).at[:, 0].set(1e6)
        db = jnp.concatenate([db, pad], axis=0)
        n_db = db.shape[0]
    feats_t = feats.T
    t_arr = pl.pallas_call(
        functools.partial(_thresh_body, n_db),
        grid=(pl.cdiv(n_db, nblk_a),),
        in_specs=[
            pl.BlockSpec((d, n_q), lambda j: (0, 0)),
            pl.BlockSpec((nblk_a, d), lambda j: (j, 0)),
        ],
        out_specs=pl.BlockSpec((8, n_q), lambda j: (0, 0)),
        out_shape=jax.ShapeDtypeStruct((8, n_q), jnp.float32),
        scratch_shapes=[
            pltpu.VMEM((16, n_q), jnp.float32),
        ],
        interpret=interpret,
    )(feats_t, db)
    return pl.pallas_call(
        functools.partial(_collect_body, n_db),
        grid=(pl.cdiv(n_db, nblk_b),),
        in_specs=[
            pl.BlockSpec((d, n_q), lambda j: (0, 0)),
            pl.BlockSpec((nblk_b, d), lambda j: (j, 0)),
            pl.BlockSpec((8, n_q), lambda j: (0, 0)),
        ],
        out_specs=pl.BlockSpec((16, n_q), lambda j: (0, 0)),
        out_shape=jax.ShapeDtypeStruct((16, n_q), jnp.int32),
        scratch_shapes=[
            pltpu.VMEM((16, n_q), jnp.float32),
            pltpu.VMEM((16, n_q), jnp.int32),
            pltpu.VMEM((nblk_b, n_q), jnp.float32),
        ],
        interpret=interpret,
    )(feats_t, db, t_arr)



def _make_sc_gather(n_db, d, b):
    info = plsc.get_sparse_core_info()
    nw = info.num_cores * info.num_subcores
    b_per_w = b // nw
    ch = 128
    n_ch = b_per_w // ch
    mesh = plsc.VectorSubcoreMesh(core_axis_name="c", subcore_axis_name="s")

    @functools.partial(
        pl.kernel, mesh=mesh,
        out_type=jax.ShapeDtypeStruct((b, d), jnp.float32),
        scratch_types=[
            pltpu.VMEM((ch,), jnp.int32),
            pltpu.VMEM((ch, d), jnp.float32),
            pltpu.SemaphoreType.DMA,
        ],
    )
    def _gather(table_hbm, idx_hbm, out_hbm, idx_v, rows_v, sem):
        wid = lax.axis_index("s") * info.num_cores + lax.axis_index("c")
        base = wid * b_per_w
        for ci in range(n_ch):
            off = base + ci * ch
            pltpu.sync_copy(idx_hbm.at[pl.ds(off, ch)], idx_v)
            pltpu.async_copy(table_hbm.at[idx_v], rows_v, sem).wait()
            pltpu.sync_copy(rows_v, out_hbm.at[pl.ds(off, ch)])

    return _gather



def _lle_body(d, f_ref, g_ref, o_ref):
    f = f_ref[...]
    g = [g_ref[:, k * d:(k + 1) * d] for k in range(K)]
    f0 = g[0]
    a = [g[k] - f0 for k in range(1, K)]
    bvec = f - f0
    km1 = K - 1

    m = [[None] * km1 for _ in range(km1)]
    for i in range(km1):
        for jj in range(i, km1):
            v = jnp.sum(a[i] * a[jj], axis=1, keepdims=True)
            m[i][jj] = v
            m[jj][i] = v
    rhs = [jnp.sum(a[i] * bvec, axis=1, keepdims=True) for i in range(km1)]

    for c in range(km1):
        inv = 1.0 / m[c][c]
        for r in range(km1):
            if r == c:
                continue
            fct = m[r][c] * inv
            for cc in range(c + 1, km1):
                m[r][cc] = m[r][cc] - fct * m[c][cc]
            rhs[r] = rhs[r] - fct * rhs[c]
    w = [rhs[i] / m[i][i] for i in range(km1)]

    w0 = 1.0
    for i in range(km1):
        w0 = w0 - w[i]
    fuse = w0 * f0
    for i in range(km1):
        fuse = fuse + w[i] * g[i + 1]
    o_ref[...] = f * (1.0 - LLE_PERCENT) + fuse * LLE_PERCENT


def _lle_solve(feats, gflat, mb=256, interpret=False):
    n_q, d = feats.shape
    return pl.pallas_call(
        functools.partial(_lle_body, d),
        grid=(pl.cdiv(n_q, mb),),
        in_specs=[
            pl.BlockSpec((mb, d), lambda i: (i, 0)),
            pl.BlockSpec((mb, K * d), lambda i: (i, 0)),
        ],
        out_specs=pl.BlockSpec((mb, d), lambda i: (i, 0)),
        out_shape=jax.ShapeDtypeStruct((n_q, d), jnp.float32),
        interpret=interpret,
    )(feats, gflat)



def kernel(audio_features, feature_database):
    feats = audio_features
    if feats.ndim == 3:
        feats = feats[0]
    n_q, d = feats.shape
    n_db = feature_database.shape[0]

    idx_full = _topk_indices(feats, feature_database)
    idx = idx_full[:K, :].T.reshape(-1)

    gather = _make_sc_gather(n_db, d, n_q * K)
    rows = gather(feature_database, idx)

    gflat = rows.reshape(n_q, K * d)
    return _lle_solve(feats, gflat)

# --- scband reference (transcript-rebuilt; emitter-appended) ---
"""Pipeline reference for scband-manifold-projection-24945170055751 (READ-ONLY COPY).

The authoritative reference and input builder live on the scoring server;
editing this copy changes nothing except your own understanding.
"""

import jax, jax.numpy as jnp
import numpy as np

LLE_PERCENT = 0.5
K = 10


def setup_inputs(seed: int = 0) -> dict:
    key = jax.random.key(seed)
    k1, k2 = jax.random.split(key)
    audio_features = jax.random.normal(k1, (2048, 256), dtype=jnp.float32)
    # learned/stored parameter: the feature database normally loaded via torch.load
    feature_database = jax.random.normal(k2, (100000, 256), dtype=jnp.float32)
    return {"audio_features": audio_features, "feature_database": feature_database}


def reference(audio_features, feature_database):
    feats = audio_features
    if feats.ndim == 3:
        feats = feats[0]
    # KNN_torch: squared euclidean distances + smallest-K via top_k on negated distances
    feat_base_norm = (feature_database ** 2).sum(-1)
    feats_norm = (feats ** 2).sum(-1)
    diss = feats_norm[:, None] + feat_base_norm[None, :] - 2.0 * (feats @ feature_database.T)
    _, ind = jax.lax.top_k(-diss, K)  # [nframe, K] indices of nearest neighbors
    # LLE_projection, vectorized over frames (original loops per frame)
    feat_base = feature_database[ind]            # [N, K, d] gather
    f0 = feat_base[:, 0, :]                      # [N, d]
    B = feats - f0                               # [N, d]
    A = jnp.transpose(feat_base[:, 1:, :] - f0[:, None, :], (0, 2, 1))  # [N, d, K-1]
    AT = jnp.transpose(A, (0, 2, 1))             # [N, K-1, d]
    ATA = AT @ A                                 # [N, K-1, K-1]
    ATB = jnp.einsum('nkd,nd->nk', AT, B)        # [N, K-1]
    w_rest = jnp.linalg.solve(ATA, ATB[..., None])[..., 0]  # [N, K-1]
    w0 = 1.0 - w_rest.sum(-1, keepdims=True)
    w = jnp.concatenate([w0, w_rest], axis=-1)   # [N, K], sums to 1
    feat_fuse = jnp.einsum('nk,nkd->nd', w, feat_base)       # [N, d]
    # project
    out = feats * (1.0 - LLE_PERCENT) + feat_fuse * LLE_PERCENT
    return out

if __name__ == "__main__":
    import jax
    _d = setup_inputs()
    print(jax.jit(kernel)(*tuple(_d.values())))

</pallas_src>

<mosaic_0001>
#map = affine_map<(d0, d1) -> (0, 0)>
#map1 = affine_map<(d0, d1) -> (0)>
module attributes {stable_mosaic.version = 14 : i64} {
  func.func @_gather(%arg0: i32, %arg1: i32, %arg2: memref<100000x256xf32, #tpu.memory_space<hbm>>, %arg3: memref<20480xi32, #tpu.memory_space<hbm>>, %arg4: memref<20480x256xf32, #tpu.memory_space<hbm>>, %arg5: memref<128xi32, #tpu.memory_space<vmem>>, %arg6: memref<128x256xf32, #tpu.memory_space<vmem>>, %arg7: memref<!tpu.dma_semaphore, #tpu.memory_space<semaphore_mem>>) attributes {dimension_semantics = [#tpu.dimension_semantics<core_parallel>, #tpu.dimension_semantics<subcore_parallel>], iteration_bounds = array<i64: 2, 16>, scalar_prefetch = 0 : i64, scratch_operands = 3 : i64, tpu.core_type = #tpu.core_type<sc_vector_subcore>, window_params = [{transform_indices = #map}, {transform_indices = #map1}, {transform_indices = #map}]} {
    %mul3A = arith.constant 2 : i32
    %mul3A_0 = arith.muli %arg1, %mul3A : i32
    %add3A = arith.addi %mul3A_0, %arg0 : i32
    %mul3A_1 = arith.constant 640 : i32
    %mul3A_2 = arith.muli %add3A, %mul3A_1 : i32
    %add3A_3 = arith.constant 0 : i32
    %add3A_4 = arith.addi %mul3A_2, %add3A_3 : i32
    "tpu.region"() ({
      %run_scoped3A = tpu.sem_alloc : memref<!tpu.dma_semaphore, #tpu.memory_space<semaphore_mem>>
      %dma_start3A_41 = tpu.memref_slice %arg3[%add3A_4] : memref<20480xi32, #tpu.memory_space<hbm>> -> memref<128xi32, #tpu.memory_space<hbm>>
      %dma_start3A_42 = tpu.memref_slice %arg3[%add3A_4] : memref<20480xi32, #tpu.memory_space<hbm>> -> memref<128xi32, #tpu.memory_space<hbm>>
      tpu.enqueue_dma source(%dma_start3A_42 : memref<128xi32, #tpu.memory_space<hbm>>) target(%arg5 : memref<128xi32, #tpu.memory_space<vmem>>) target_semaphore(%run_scoped3A : memref<!tpu.dma_semaphore, #tpu.memory_space<semaphore_mem>>)
      %dma_wait3A_43 = tpu.memref_slice %arg3[%add3A_4] : memref<20480xi32, #tpu.memory_space<hbm>> -> memref<128xi32, #tpu.memory_space<hbm>>
      %dma_wait3A_44 = tpu.memref_slice %arg3[%add3A_4] : memref<20480xi32, #tpu.memory_space<hbm>> -> memref<128xi32, #tpu.memory_space<hbm>>
      tpu.wait_dma2 semaphore(%run_scoped3A : memref<!tpu.dma_semaphore, #tpu.memory_space<semaphore_mem>>) src(%dma_wait3A_44 : memref<128xi32, #tpu.memory_space<hbm>>) dst(%arg5 : memref<128xi32, #tpu.memory_space<vmem>>)
      tpu.yield
    }) : () -> ()
    %dma_start3A = arith.constant 0 : i32
    %dma_start3A_5 = arith.constant 0 : i32
    %dma_start3A_6 = tpu.memref_slice %arg2[%dma_start3A, %dma_start3A_5] : memref<100000x256xf32, #tpu.memory_space<hbm>> -> memref<100000x256xf32, #tpu.memory_space<hbm>>
    tpu.enqueue_indirect_dma source(%dma_start3A_6 : memref<100000x256xf32, #tpu.memory_space<hbm>>) target(%arg6 : memref<128x256xf32, #tpu.memory_space<vmem>>) offsets(%arg5 : memref<128xi32, #tpu.memory_space<vmem>>) semaphore(%arg7 : memref<!tpu.dma_semaphore, #tpu.memory_space<semaphore_mem>>)
    %dma_wait3A = arith.constant 0 : i32
    %dma_wait3A_7 = arith.constant 0 : i32
    %dma_wait3A_8 = tpu.memref_slice %arg2[%dma_wait3A, %dma_wait3A_7] : memref<100000x256xf32, #tpu.memory_space<hbm>> -> memref<100000x256xf32, #tpu.memory_space<hbm>>
    tpu.wait_indirect_dma semaphore(%arg7 : memref<!tpu.dma_semaphore, #tpu.memory_space<semaphore_mem>>) src(%dma_wait3A_8 : memref<100000x256xf32, #tpu.memory_space<hbm>>) dst(%arg6 : memref<128x256xf32, #tpu.memory_space<vmem>>)
    "tpu.region"() ({
      %run_scoped3A = tpu.sem_alloc : memref<!tpu.dma_semaphore, #tpu.memory_space<semaphore_mem>>
      %dma_start3A_41 = arith.constant 0 : i32
      %dma_start3A_42 = tpu.memref_slice %arg4[%add3A_4, %dma_start3A_41] : memref<20480x256xf32, #tpu.memory_space<hbm>> -> memref<128x256xf32, #tpu.memory_space<hbm>>
      %dma_start3A_43 = arith.constant 0 : i32
      %dma_start3A_44 = tpu.memref_slice %arg4[%add3A_4, %dma_start3A_43] : memref<20480x256xf32, #tpu.memory_space<hbm>> -> memref<128x256xf32, #tpu.memory_space<hbm>>
      tpu.enqueue_dma source(%arg6 : memref<128x256xf32, #tpu.memory_space<vmem>>) target(%dma_start3A_44 : memref<128x256xf32, #tpu.memory_space<hbm>>) target_semaphore(%run_scoped3A : memref<!tpu.dma_semaphore, #tpu.memory_space<semaphore_mem>>)
      %dma_wait3A_45 = arith.constant 0 : i32
      %dma_wait3A_46 = tpu.memref_slice %arg4[%add3A_4, %dma_wait3A_45] : memref<20480x256xf32, #tpu.memory_space<hbm>> -> memref<128x256xf32, #tpu.memory_space<hbm>>
      %dma_wait3A_47 = arith.constant 0 : i32
      %dma_wait3A_48 = tpu.memref_slice %arg4[%add3A_4, %dma_wait3A_47] : memref<20480x256xf32, #tpu.memory_space<hbm>> -> memref<128x256xf32, #tpu.memory_space<hbm>>
      tpu.wait_dma2 semaphore(%run_scoped3A : memref<!tpu.dma_semaphore, #tpu.memory_space<semaphore_mem>>) src(%arg6 : memref<128x256xf32, #tpu.memory_space<vmem>>) dst(%dma_wait3A_48 : memref<128x256xf32, #tpu.memory_space<hbm>>)
      tpu.yield
    }) : () -> ()
    %add3A_9 = arith.constant 128 : i32
    %add3A_10 = arith.addi %mul3A_2, %add3A_9 : i32
    "tpu.region"() ({
      %run_scoped3A = tpu.sem_alloc : memref<!tpu.dma_semaphore, #tpu.memory_space<semaphore_mem>>
      %dma_start3A_41 = tpu.memref_slice %arg3[%add3A_10] : memref<20480xi32, #tpu.memory_space<hbm>> -> memref<128xi32, #tpu.memory_space<hbm>>
      %dma_start3A_42 = tpu.memref_slice %arg3[%add3A_10] : memref<20480xi32, #tpu.memory_space<hbm>> -> memref<128xi32, #tpu.memory_space<hbm>>
      tpu.enqueue_dma source(%dma_start3A_42 : memref<128xi32, #tpu.memory_space<hbm>>) target(%arg5 : memref<128xi32, #tpu.memory_space<vmem>>) target_semaphore(%run_scoped3A : memref<!tpu.dma_semaphore, #tpu.memory_space<semaphore_mem>>)
      %dma_wait3A_43 = tpu.memref_slice %arg3[%add3A_10] : memref<20480xi32, #tpu.memory_space<hbm>> -> memref<128xi32, #tpu.memory_space<hbm>>
      %dma_wait3A_44 = tpu.memref_slice %arg3[%add3A_10] : memref<20480xi32, #tpu.memory_space<hbm>> -> memref<128xi32, #tpu.memory_space<hbm>>
      tpu.wait_dma2 semaphore(%run_scoped3A : memref<!tpu.dma_semaphore, #tpu.memory_space<semaphore_mem>>) src(%dma_wait3A_44 : memref<128xi32, #tpu.memory_space<hbm>>) dst(%arg5 : memref<128xi32, #tpu.memory_space<vmem>>)
      tpu.yield
    }) : () -> ()
    %dma_start3A_11 = arith.constant 0 : i32
    %dma_start3A_12 = arith.constant 0 : i32
    %dma_start3A_13 = tpu.memref_slice %arg2[%dma_start3A_11, %dma_start3A_12] : memref<100000x256xf32, #tpu.memory_space<hbm>> -> memref<100000x256xf32, #tpu.memory_space<hbm>>
    tpu.enqueue_indirect_dma source(%dma_start3A_13 : memref<100000x256xf32, #tpu.memory_space<hbm>>) target(%arg6 : memref<128x256xf32, #tpu.memory_space<vmem>>) offsets(%arg5 : memref<128xi32, #tpu.memory_space<vmem>>) semaphore(%arg7 : memref<!tpu.dma_semaphore, #tpu.memory_space<semaphore_mem>>)
    %dma_wait3A_14 = arith.constant 0 : i32
    %dma_wait3A_15 = arith.constant 0 : i32
    %dma_wait3A_16 = tpu.memref_slice %arg2[%dma_wait3A_14, %dma_wait3A_15] : memref<100000x256xf32, #tpu.memory_space<hbm>> -> memref<100000x256xf32, #tpu.memory_space<hbm>>
    tpu.wait_indirect_dma semaphore(%arg7 : memref<!tpu.dma_semaphore, #tpu.memory_space<semaphore_mem>>) src(%dma_wait3A_16 : memref<100000x256xf32, #tpu.memory_space<hbm>>) dst(%arg6 : memref<128x256xf32, #tpu.memory_space<vmem>>)
    "tpu.region"() ({
      %run_scoped3A = tpu.sem_alloc : memref<!tpu.dma_semaphore, #tpu.memory_space<semaphore_mem>>
      %dma_start3A_41 = arith.constant 0 : i32
      %dma_start3A_42 = tpu.memref_slice %arg4[%add3A_10, %dma_start3A_41] : memref<20480x256xf32, #tpu.memory_space<hbm>> -> memref<128x256xf32, #tpu.memory_space<hbm>>
      %dma_start3A_43 = arith.constant 0 : i32
      %dma_start3A_44 = tpu.memref_slice %arg4[%add3A_10, %dma_start3A_43] : memref<20480x256xf32, #tpu.memory_space<hbm>> -> memref<128x256xf32, #tpu.memory_space<hbm>>
      tpu.enqueue_dma source(%arg6 : memref<128x256xf32, #tpu.memory_space<vmem>>) target(%dma_start3A_44 : memref<128x256xf32, #tpu.memory_space<hbm>>) target_semaphore(%run_scoped3A : memref<!tpu.dma_semaphore, #tpu.memory_space<semaphore_mem>>)
      %dma_wait3A_45 = arith.constant 0 : i32
      %dma_wait3A_46 = tpu.memref_slice %arg4[%add3A_10, %dma_wait3A_45] : memref<20480x256xf32, #tpu.memory_space<hbm>> -> memref<128x256xf32, #tpu.memory_space<hbm>>
      %dma_wait3A_47 = arith.constant 0 : i32
      %dma_wait3A_48 = tpu.memref_slice %arg4[%add3A_10, %dma_wait3A_47] : memref<20480x256xf32, #tpu.memory_space<hbm>> -> memref<128x256xf32, #tpu.memory_space<hbm>>
      tpu.wait_dma2 semaphore(%run_scoped3A : memref<!tpu.dma_semaphore, #tpu.memory_space<semaphore_mem>>) src(%arg6 : memref<128x256xf32, #tpu.memory_space<vmem>>) dst(%dma_wait3A_48 : memref<128x256xf32, #tpu.memory_space<hbm>>)
      tpu.yield
    }) : () -> ()
    %add3A_17 = arith.constant 256 : i32
    %add3A_18 = arith.addi %mul3A_2, %add3A_17 : i32
    "tpu.region"() ({
      %run_scoped3A = tpu.sem_alloc : memref<!tpu.dma_semaphore, #tpu.memory_space<semaphore_mem>>
      %dma_start3A_41 = tpu.memref_slice %arg3[%add3A_18] : memref<20480xi32, #tpu.memory_space<hbm>> -> memref<128xi32, #tpu.memory_space<hbm>>
      %dma_start3A_42 = tpu.memref_slice %arg3[%add3A_18] : memref<20480xi32, #tpu.memory_space<hbm>> -> memref<128xi32, #tpu.memory_space<hbm>>
      tpu.enqueue_dma source(%dma_start3A_42 : memref<128xi32, #tpu.memory_space<hbm>>) target(%arg5 : memref<128xi32, #tpu.memory_space<vmem>>) target_semaphore(%run_scoped3A : memref<!tpu.dma_semaphore, #tpu.memory_space<semaphore_mem>>)
      %dma_wait3A_43 = tpu.memref_slice %arg3[%add3A_18] : memref<20480xi32, #tpu.memory_space<hbm>> -> memref<128xi32, #tpu.memory_space<hbm>>
      %dma_wait3A_44 = tpu.memref_slice %arg3[%add3A_18] : memref<20480xi32, #tpu.memory_space<hbm>> -> memref<128xi32, #tpu.memory_space<hbm>>
      tpu.wait_dma2 semaphore(%run_scoped3A : memref<!tpu.dma_semaphore, #tpu.memory_space<semaphore_mem>>) src(%dma_wait3A_44 : memref<128xi32, #tpu.memory_space<hbm>>) dst(%arg5 : memref<128xi32, #tpu.memory_space<vmem>>)
      tpu.yield
    }) : () -> ()
    %dma_start3A_19 = arith.constant 0 : i32
    %dma_start3A_20 = arith.constant 0 : i32
    %dma_start3A_21 = tpu.memref_slice %arg2[%dma_start3A_19, %dma_start3A_20] : memref<100000x256xf32, #tpu.memory_space<hbm>> -> memref<100000x256xf32, #tpu.memory_space<hbm>>
    tpu.enqueue_indirect_dma source(%dma_start3A_21 : memref<100000x256xf32, #tpu.memory_space<hbm>>) target(%arg6 : memref<128x256xf32, #tpu.memory_space<vmem>>) offsets(%arg5 : memref<128xi32, #tpu.memory_space<vmem>>) semaphore(%arg7 : memref<!tpu.dma_semaphore, #tpu.memory_space<semaphore_mem>>)
    %dma_wait3A_22 = arith.constant 0 : i32
    %dma_wait3A_23 = arith.constant 0 : i32
    %dma_wait3A_24 = tpu.memref_slice %arg2[%dma_wait3A_22, %dma_wait3A_23] : memref<100000x256xf32, #tpu.memory_space<hbm>> -> memref<100000x256xf32, #tpu.memory_space<hbm>>
    tpu.wait_indirect_dma semaphore(%arg7 : memref<!tpu.dma_semaphore, #tpu.memory_space<semaphore_mem>>) src(%dma_wait3A_24 : memref<100000x256xf32, #tpu.memory_space<hbm>>) dst(%arg6 : memref<128x256xf32, #tpu.memory_space<vmem>>)
    "tpu.region"() ({
      %run_scoped3A = tpu.sem_alloc : memref<!tpu.dma_semaphore, #tpu.memory_space<semaphore_mem>>
      %dma_start3A_41 = arith.constant 0 : i32
      %dma_start3A_42 = tpu.memref_slice %arg4[%add3A_18, %dma_start3A_41] : memref<20480x256xf32, #tpu.memory_space<hbm>> -> memref<128x256xf32, #tpu.memory_space<hbm>>
      %dma_start3A_43 = arith.constant 0 : i32
      %dma_start3A_44 = tpu.memref_slice %arg4[%add3A_18, %dma_start3A_43] : memref<20480x256xf32, #tpu.memory_space<hbm>> -> memref<128x256xf32, #tpu.memory_space<hbm>>
      tpu.enqueue_dma source(%arg6 : memref<128x256xf32, #tpu.memory_space<vmem>>) target(%dma_start3A_44 : memref<128x256xf32, #tpu.memory_space<hbm>>) target_semaphore(%run_scoped3A : memref<!tpu.dma_semaphore, #tpu.memory_space<semaphore_mem>>)
      %dma_wait3A_45 = arith.constant 0 : i32
      %dma_wait3A_46 = tpu.memref_slice %arg4[%add3A_18, %dma_wait3A_45] : memref<20480x256xf32, #tpu.memory_space<hbm>> -> memref<128x256xf32, #tpu.memory_space<hbm>>
      %dma_wait3A_47 = arith.constant 0 : i32
      %dma_wait3A_48 = tpu.memref_slice %arg4[%add3A_18, %dma_wait3A_47] : memref<20480x256xf32, #tpu.memory_space<hbm>> -> memref<128x256xf32, #tpu.memory_space<hbm>>
      tpu.wait_dma2 semaphore(%run_scoped3A : memref<!tpu.dma_semaphore, #tpu.memory_space<semaphore_mem>>) src(%arg6 : memref<128x256xf32, #tpu.memory_space<vmem>>) dst(%dma_wait3A_48 : memref<128x256xf32, #tpu.memory_space<hbm>>)
      tpu.yield
    }) : () -> ()
    %add3A_25 = arith.constant 384 : i32
    %add3A_26 = arith.addi %mul3A_2, %add3A_25 : i32
    "tpu.region"() ({
      %run_scoped3A = tpu.sem_alloc : memref<!tpu.dma_semaphore, #tpu.memory_space<semaphore_mem>>
      %dma_start3A_41 = tpu.memref_slice %arg3[%add3A_26] : memref<20480xi32, #tpu.memory_space<hbm>> -> memref<128xi32, #tpu.memory_space<hbm>>
      %dma_start3A_42 = tpu.memref_slice %arg3[%add3A_26] : memref<20480xi32, #tpu.memory_space<hbm>> -> memref<128xi32, #tpu.memory_space<hbm>>
      tpu.enqueue_dma source(%dma_start3A_42 : memref<128xi32, #tpu.memory_space<hbm>>) target(%arg5 : memref<128xi32, #tpu.memory_space<vmem>>) target_semaphore(%run_scoped3A : memref<!tpu.dma_semaphore, #tpu.memory_space<semaphore_mem>>)
      %dma_wait3A_43 = tpu.memref_slice %arg3[%add3A_26] : memref<20480xi32, #tpu.memory_space<hbm>> -> memref<128xi32, #tpu.memory_space<hbm>>
      %dma_wait3A_44 = tpu.memref_slice %arg3[%add3A_26] : memref<20480xi32, #tpu.memory_space<hbm>> -> memref<128xi32, #tpu.memory_space<hbm>>
      tpu.wait_dma2 semaphore(%run_scoped3A : memref<!tpu.dma_semaphore, #tpu.memory_space<semaphore_mem>>) src(%dma_wait3A_44 : memref<128xi32, #tpu.memory_space<hbm>>) dst(%arg5 : memref<128xi32, #tpu.memory_space<vmem>>)
      tpu.yield
    }) : () -> ()
    %dma_start3A_27 = arith.constant 0 : i32
    %dma_start3A_28 = arith.constant 0 : i32
    %dma_start3A_29 = tpu.memref_slice %arg2[%dma_start3A_27, %dma_start3A_28] : memref<100000x256xf32, #tpu.memory_space<hbm>> -> memref<100000x256xf32, #tpu.memory_space<hbm>>
    tpu.enqueue_indirect_dma source(%dma_start3A_29 : memref<100000x256xf32, #tpu.memory_space<hbm>>) target(%arg6 : memref<128x256xf32, #tpu.memory_space<vmem>>) offsets(%arg5 : memref<128xi32, #tpu.memory_space<vmem>>) semaphore(%arg7 : memref<!tpu.dma_semaphore, #tpu.memory_space<semaphore_mem>>)
    %dma_wait3A_30 = arith.constant 0 : i32
    %dma_wait3A_31 = arith.constant 0 : i32
    %dma_wait3A_32 = tpu.memref_slice %arg2[%dma_wait3A_30, %dma_wait3A_31] : memref<100000x256xf32, #tpu.memory_space<hbm>> -> memref<100000x256xf32, #tpu.memory_space<hbm>>
    tpu.wait_indirect_dma semaphore(%arg7 : memref<!tpu.dma_semaphore, #tpu.memory_space<semaphore_mem>>) src(%dma_wait3A_32 : memref<100000x256xf32, #tpu.memory_space<hbm>>) dst(%arg6 : memref<128x256xf32, #tpu.memory_space<vmem>>)
    "tpu.region"() ({
      %run_scoped3A = tpu.sem_alloc : memref<!tpu.dma_semaphore, #tpu.memory_space<semaphore_mem>>
      %dma_start3A_41 = arith.constant 0 : i32
      %dma_start3A_42 = tpu.memref_slice %arg4[%add3A_26, %dma_start3A_41] : memref<20480x256xf32, #tpu.memory_space<hbm>> -> memref<128x256xf32, #tpu.memory_space<hbm>>
      %dma_start3A_43 = arith.constant 0 : i32
      %dma_start3A_44 = tpu.memref_slice %arg4[%add3A_26, %dma_start3A_43] : memref<20480x256xf32, #tpu.memory_space<hbm>> -> memref<128x256xf32, #tpu.memory_space<hbm>>
      tpu.enqueue_dma source(%arg6 : memref<128x256xf32, #tpu.memory_space<vmem>>) target(%dma_start3A_44 : memref<128x256xf32, #tpu.memory_space<hbm>>) target_semaphore(%run_scoped3A : memref<!tpu.dma_semaphore, #tpu.memory_space<semaphore_mem>>)
      %dma_wait3A_45 = arith.constant 0 : i32
      %dma_wait3A_46 = tpu.memref_slice %arg4[%add3A_26, %dma_wait3A_45] : memref<20480x256xf32, #tpu.memory_space<hbm>> -> memref<128x256xf32, #tpu.memory_space<hbm>>
      %dma_wait3A_47 = arith.constant 0 : i32
      %dma_wait3A_48 = tpu.memref_slice %arg4[%add3A_26, %dma_wait3A_47] : memref<20480x256xf32, #tpu.memory_space<hbm>> -> memref<128x256xf32, #tpu.memory_space<hbm>>
      tpu.wait_dma2 semaphore(%run_scoped3A : memref<!tpu.dma_semaphore, #tpu.memory_space<semaphore_mem>>) src(%arg6 : memref<128x256xf32, #tpu.memory_space<vmem>>) dst(%dma_wait3A_48 : memref<128x256xf32, #tpu.memory_space<hbm>>)
      tpu.yield
    }) : () -> ()
    %add3A_33 = arith.constant 512 : i32
    %add3A_34 = arith.addi %mul3A_2, %add3A_33 : i32
    "tpu.region"() ({
      %run_scoped3A = tpu.sem_alloc : memref<!tpu.dma_semaphore, #tpu.memory_space<semaphore_mem>>
      %dma_start3A_41 = tpu.memref_slice %arg3[%add3A_34] : memref<20480xi32, #tpu.memory_space<hbm>> -> memref<128xi32, #tpu.memory_space<hbm>>
      %dma_start3A_42 = tpu.memref_slice %arg3[%add3A_34] : memref<20480xi32, #tpu.memory_space<hbm>> -> memref<128xi32, #tpu.memory_space<hbm>>
      tpu.enqueue_dma source(%dma_start3A_42 : memref<128xi32, #tpu.memory_space<hbm>>) target(%arg5 : memref<128xi32, #tpu.memory_space<vmem>>) target_semaphore(%run_scoped3A : memref<!tpu.dma_semaphore, #tpu.memory_space<semaphore_mem>>)
      %dma_wait3A_43 = tpu.memref_slice %arg3[%add3A_34] : memref<20480xi32, #tpu.memory_space<hbm>> -> memref<128xi32, #tpu.memory_space<hbm>>
      %dma_wait3A_44 = tpu.memref_slice %arg3[%add3A_34] : memref<20480xi32, #tpu.memory_space<hbm>> -> memref<128xi32, #tpu.memory_space<hbm>>
      tpu.wait_dma2 semaphore(%run_scoped3A : memref<!tpu.dma_semaphore, #tpu.memory_space<semaphore_mem>>) src(%dma_wait3A_44 : memref<128xi32, #tpu.memory_space<hbm>>) dst(%arg5 : memref<128xi32, #tpu.memory_space<vmem>>)
      tpu.yield
    }) : () -> ()
    %dma_start3A_35 = arith.constant 0 : i32
    %dma_start3A_36 = arith.constant 0 : i32
    %dma_start3A_37 = tpu.memref_slice %arg2[%dma_start3A_35, %dma_start3A_36] : memref<100000x256xf32, #tpu.memory_space<hbm>> -> memref<100000x256xf32, #tpu.memory_space<hbm>>
    tpu.enqueue_indirect_dma source(%dma_start3A_37 : memref<100000x256xf32, #tpu.memory_space<hbm>>) target(%arg6 : memref<128x256xf32, #tpu.memory_space<vmem>>) offsets(%arg5 : memref<128xi32, #tpu.memory_space<vmem>>) semaphore(%arg7 : memref<!tpu.dma_semaphore, #tpu.memory_space<semaphore_mem>>)
    %dma_wait3A_38 = arith.constant 0 : i32
    %dma_wait3A_39 = arith.constant 0 : i32
    %dma_wait3A_40 = tpu.memref_slice %arg2[%dma_wait3A_38, %dma_wait3A_39] : memref<100000x256xf32, #tpu.memory_space<hbm>> -> memref<100000x256xf32, #tpu.memory_space<hbm>>
    tpu.wait_indirect_dma semaphore(%arg7 : memref<!tpu.dma_semaphore, #tpu.memory_space<semaphore_mem>>) src(%dma_wait3A_40 : memref<100000x256xf32, #tpu.memory_space<hbm>>) dst(%arg6 : memref<128x256xf32, #tpu.memory_space<vmem>>)
    "tpu.region"() ({
      %run_scoped3A = tpu.sem_alloc : memref<!tpu.dma_semaphore, #tpu.memory_space<semaphore_mem>>
      %dma_start3A_41 = arith.constant 0 : i32
      %dma_start3A_42 = tpu.memref_slice %arg4[%add3A_34, %dma_start3A_41] : memref<20480x256xf32, #tpu.memory_space<hbm>> -> memref<128x256xf32, #tpu.memory_space<hbm>>
      %dma_start3A_43 = arith.constant 0 : i32
      %dma_start3A_44 = tpu.memref_slice %arg4[%add3A_34, %dma_start3A_43] : memref<20480x256xf32, #tpu.memory_space<hbm>> -> memref<128x256xf32, #tpu.memory_space<hbm>>
      tpu.enqueue_dma source(%arg6 : memref<128x256xf32, #tpu.memory_space<vmem>>) target(%dma_start3A_44 : memref<128x256xf32, #tpu.memory_space<hbm>>) target_semaphore(%run_scoped3A : memref<!tpu.dma_semaphore, #tpu.memory_space<semaphore_mem>>)
      %dma_wait3A_45 = arith.constant 0 : i32
      %dma_wait3A_46 = tpu.memref_slice %arg4[%add3A_34, %dma_wait3A_45] : memref<20480x256xf32, #tpu.memory_space<hbm>> -> memref<128x256xf32, #tpu.memory_space<hbm>>
      %dma_wait3A_47 = arith.constant 0 : i32
      %dma_wait3A_48 = tpu.memref_slice %arg4[%add3A_34, %dma_wait3A_47] : memref<20480x256xf32, #tpu.memory_space<hbm>> -> memref<128x256xf32, #tpu.memory_space<hbm>>
      tpu.wait_dma2 semaphore(%run_scoped3A : memref<!tpu.dma_semaphore, #tpu.memory_space<semaphore_mem>>) src(%arg6 : memref<128x256xf32, #tpu.memory_space<vmem>>) dst(%dma_wait3A_48 : memref<128x256xf32, #tpu.memory_space<hbm>>)
      tpu.yield
    }) : () -> ()
    return
  }
}

module attributes {stable_mosaic.version = 14 : i64} {
  func.func @_collect_body(%arg0: i32, %arg1: memref<256x2048xf32, #tpu.memory_space<vmem>>, %arg2: memref<512x256xf32, #tpu.memory_space<vmem>>, %arg3: memref<8x2048xf32, #tpu.memory_space<vmem>>, %arg4: memref<16x2048xi32, #tpu.memory_space<vmem>>, %arg5: memref<16x2048xf32, #tpu.memory_space<vmem>>, %arg6: memref<16x2048xi32, #tpu.memory_space<vmem>>, %arg7: memref<512x2048xf32, #tpu.memory_space<vmem>>) attributes {dimension_semantics = [#tpu.dimension_semantics<arbitrary>], iteration_bounds = array<i64: 196>, scalar_prefetch = 0 : i64, scratch_operands = 3 : i64, tpu.core_type = #tpu.core_type<tc>, window_params = [{pipeline_mode = #tpu.pipeline_mode<synchronous>, transform_indices = @transform_0, window_bounds = array<i64: 256, 2048>}, {transform_indices = @transform_1, window_bounds = array<i64: 512, 256>}, {pipeline_mode = #tpu.pipeline_mode<synchronous>, transform_indices = @transform_2, window_bounds = array<i64: 8, 2048>}, {pipeline_mode = #tpu.pipeline_mode<synchronous>, transform_indices = @transform_3, window_bounds = array<i64: 16, 2048>}]} {
    %iota3A = tpu.iota {dimensions = array<i32: 0>} : vector<16x2048xi32>
    %eq3A = arith.constant 0 : i32
    %eq3A_0 = arith.cmpi eq, %arg0, %eq3A : i32
    %convert_element_type3A = arith.extui %eq3A_0 : i1 to i32
    %cond3A = arith.constant 0 : i32
    %cond3A_1 = arith.cmpi ne, %convert_element_type3A, %cond3A : i32
    scf.if %cond3A_1 {
      %broadcast_in_dim3A_40 = arith.constant 1.000000e+30 : f32
      %broadcast_in_dim3A_41 = vector.broadcast %broadcast_in_dim3A_40 : f32 to vector<16x2048xf32>
      %swap3A = arith.constant 0 : index
      %swap3A_42 = arith.constant 0 : index
      %swap3A_43 = vector.load %arg5[%swap3A, %swap3A_42] : memref<16x2048xf32, #tpu.memory_space<vmem>>, vector<16x2048xf32>
      tpu.vector_store %arg5[%swap3A, %swap3A_42], %broadcast_in_dim3A_41 {strides = array<i32>} : memref<16x2048xf32, #tpu.memory_space<vmem>>, vector<16x2048xf32>,
      %broadcast_in_dim3A_44 = arith.constant 0 : i32
      %broadcast_in_dim3A_45 = vector.broadcast %broadcast_in_dim3A_44 : i32 to vector<16x2048xi32>
      %swap3A_46 = arith.constant 0 : index
      %swap3A_47 = arith.constant 0 : index
      %swap3A_48 = vector.load %arg6[%swap3A_46, %swap3A_47] : memref<16x2048xi32, #tpu.memory_space<vmem>>, vector<16x2048xi32>
      tpu.vector_store %arg6[%swap3A_46, %swap3A_47], %broadcast_in_dim3A_45 {strides = array<i32>} : memref<16x2048xi32, #tpu.memory_space<vmem>>, vector<16x2048xi32>,
    } else {
    }
    %get3A = arith.constant 0 : index
    %get3A_2 = arith.constant 0 : index
    %get3A_3 = vector.load %arg1[%get3A, %get3A_2] : memref<256x2048xf32, #tpu.memory_space<vmem>>, vector<256x2048xf32>
    %get3A_4 = arith.constant 0 : index
    %get3A_5 = arith.constant 0 : index
    %get3A_6 = vector.load %arg2[%get3A_4, %get3A_5] : memref<512x256xf32, #tpu.memory_space<vmem>>, vector<512x256xf32>
    %get3A_7 = arith.constant 0 : index
    %get3A_8 = arith.constant 0 : index
    %get3A_9 = vector.load %arg3[%get3A_7, %get3A_8] : memref<8x2048xf32, #tpu.memory_space<vmem>>, vector<1x2048xf32>
    %mul3A = arith.mulf %get3A_6, %get3A_6 : vector<512x256xf32>
    %reduce_sum3A = arith.constant dense<0.000000e+00> : vector<512xf32>
    %reduce_sum3A_10 = vector.multi_reduction <add>, %mul3A, %reduce_sum3A [1] : vector<512x256xf32> to vector<512xf32>
    %dot_general3A = arith.constant dense<0.000000e+00> : vector<512x2048xf32>
    %dot_general3A_11 = tpu.matmul %get3A_6, %get3A_3, %dot_general3A {dimension_numbers = #tpu.dot_dimension_numbers<[1], [0], [0], [1], [0, 0, 1, 1], [], []>, transpose_lhs_hint = false} : vector<512x256xf32>, vector<256x2048xf32>, vector<512x2048xf32> -> vector<512x2048xf32>
    %iota3A_12 = tpu.iota {dimensions = array<i32: 0>} : vector<512x2048xi32>
    %broadcast_in_dim3A = vector.shape_cast %reduce_sum3A_10 : vector<512xf32> to vector<512x1xf32>
    %mul3A_13 = arith.constant 2.000000e+00 : f32
    %mul3A_14 = vector.broadcast %mul3A_13 : f32 to vector<512x2048xf32>
    %mul3A_15 = arith.mulf %mul3A_14, %dot_general3A_11 : vector<512x2048xf32>
    %sub3A = vector.broadcast %broadcast_in_dim3A : vector<512x1xf32> to vector<512x2048xf32>
    %sub3A_16 = arith.subf %sub3A, %mul3A_15 : vector<512x2048xf32>
    %reduce_min3A = arith.constant dense<0x7F800000> : vector<2048xf32>
    %reduce_min3A_17 = vector.multi_reduction <minimumf>, %sub3A_16, %reduce_min3A [0] : vector<512x2048xf32> to vector<2048xf32>
    %broadcast_in_dim3A_18 = vector.shape_cast %reduce_min3A_17 : vector<2048xf32> to vector<1x2048xf32>
    %get3A_19 = arith.constant 0 : index
    %get3A_20 = arith.constant 0 : index
    %get3A_21 = vector.load %arg5[%get3A_19, %get3A_20] : memref<16x2048xf32, #tpu.memory_space<vmem>>, vector<16x2048xf32>
    %reduce_max3A = arith.constant dense<0xFF800000> : vector<2048xf32>
    %reduce_max3A_22 = vector.multi_reduction <maximumf>, %get3A_21, %reduce_max3A [0] : vector<16x2048xf32> to vector<2048xf32>
    %broadcast_in_dim3A_23 = vector.shape_cast %reduce_max3A_22 : vector<2048xf32> to vector<1x2048xf32>
    %lt3A = arith.cmpf olt, %broadcast_in_dim3A_18, %broadcast_in_dim3A_23 : vector<1x2048xf32>
    %sub3A_24 = arith.subf %broadcast_in_dim3A_18, %get3A_9 : vector<1x2048xf32>
    %jit3A = arith.constant 1.000000e+30 : f32
    %broadcast_in_dim3A_25 = vector.broadcast %jit3A : f32 to vector<1x2048xf32>
    %select_n3A = arith.select %lt3A, %sub3A_24, %broadcast_in_dim3A_25 : vector<1x2048xi1>, vector<1x2048xf32>
    %reduce_min3A_26 = vector.shape_cast %select_n3A : vector<1x2048xf32> to vector<1x1x2048xf32>
    %reduce_min3A_27 = arith.constant dense<0x7F800000> : vector<1xf32>
    %reduce_min3A_28 = vector.multi_reduction <minimumf>, %reduce_min3A_26, %reduce_min3A_27 [1, 2] : vector<1x1x2048xf32> to vector<1xf32>
    %reduce_min3A_29 = vector.shape_cast %reduce_min3A_28 : vector<1xf32> to vector<1x1x1xf32>
    %reduce_min3A_30 = vector.extract %reduce_min3A_29[0, 0, 0] : f32 from vector<1x1x1xf32>
    %le3A = arith.constant 0.000000e+00 : f32
    %le3A_31 = arith.cmpf ole, %reduce_min3A_30, %le3A : f32
    %convert_element_type3A_32 = arith.extui %le3A_31 : i1 to i32
    %cond3A_33 = arith.constant 0 : i32
    %cond3A_34 = arith.cmpi ne, %convert_element_type3A_32, %cond3A_33 : i32
    scf.if %cond3A_34 {
      %swap3A = arith.constant 0 : index
      %swap3A_40 = arith.constant 0 : index
      %swap3A_41 = vector.load %arg7[%swap3A, %swap3A_40] : memref<512x2048xf32, #tpu.memory_space<vmem>>, vector<512x2048xf32>
      tpu.vector_store %arg7[%swap3A, %swap3A_40], %sub3A_16 {strides = array<i32>} : memref<512x2048xf32, #tpu.memory_space<vmem>>, vector<512x2048xf32>,
      %while3A:2 = scf.while (%while3A_42 = %le3A_31, %while3A_43 = %broadcast_in_dim3A_18) : (i1, vector<1x2048xf32>) -> (i1, vector<1x2048xf32>) {
        scf.condition(%while3A_42) %while3A_42, %while3A_43 : i1, vector<1x2048xf32>
      } do {
      ^bb0(%while3A_42: i1, %while3A_43: vector<1x2048xf32>):
        %get3A_44 = arith.constant 0 : index
        %get3A_45 = arith.constant 0 : index
        %get3A_46 = vector.load %arg7[%get3A_44, %get3A_45] : memref<512x2048xf32, #tpu.memory_space<vmem>>, vector<512x2048xf32>
        %eq3A_47 = vector.broadcast %while3A_43 : vector<1x2048xf32> to vector<512x2048xf32>
        %eq3A_48 = arith.cmpf oeq, %get3A_46, %eq3A_47 : vector<512x2048xf32>
        %jit3A_49 = arith.constant 1073741824 : i32
        %broadcast_in_dim3A_50 = vector.broadcast %jit3A_49 : i32 to vector<512x2048xi32>
        %select_n3A_51 = arith.select %eq3A_48, %iota3A_12, %broadcast_in_dim3A_50 : vector<512x2048xi1>, vector<512x2048xi32>
        %reduce_min3A_52 = arith.constant dense<2147483647> : vector<2048xi32>
        %reduce_min3A_53 = vector.multi_reduction <minsi>, %select_n3A_51, %reduce_min3A_52 [0] : vector<512x2048xi32> to vector<2048xi32>
        %broadcast_in_dim3A_54 = vector.shape_cast %reduce_min3A_53 : vector<2048xi32> to vector<1x2048xi32>
        %get3A_55 = arith.constant 0 : index
        %get3A_56 = arith.constant 0 : index
        %get3A_57 = vector.load %arg5[%get3A_55, %get3A_56] : memref<16x2048xf32, #tpu.memory_space<vmem>>, vector<16x2048xf32>
        %reduce_max3A_58 = arith.constant dense<0xFF800000> : vector<2048xf32>
        %reduce_max3A_59 = vector.multi_reduction <maximumf>, %get3A_57, %reduce_max3A_58 [0] : vector<16x2048xf32> to vector<2048xf32>
        %broadcast_in_dim3A_60 = vector.shape_cast %reduce_max3A_59 : vector<2048xf32> to vector<1x2048xf32>
        %eq3A_61 = vector.broadcast %broadcast_in_dim3A_60 : vector<1x2048xf32> to vector<16x2048xf32>
        %eq3A_62 = arith.cmpf oeq, %get3A_57, %eq3A_61 : vector<16x2048xf32>
        %jit3A_63 = arith.constant 1073741824 : i32
        %broadcast_in_dim3A_64 = vector.broadcast %jit3A_63 : i32 to vector<16x2048xi32>
        %select_n3A_65 = arith.select %eq3A_62, %iota3A, %broadcast_in_dim3A_64 : vector<16x2048xi1>, vector<16x2048xi32>
        %reduce_min3A_66 = arith.constant dense<2147483647> : vector<2048xi32>
        %reduce_min3A_67 = vector.multi_reduction <minsi>, %select_n3A_65, %reduce_min3A_66 [0] : vector<16x2048xi32> to vector<2048xi32>
        %broadcast_in_dim3A_68 = vector.shape_cast %reduce_min3A_67 : vector<2048xi32> to vector<1x2048xi32>
        %le3A_69 = arith.cmpf ole, %while3A_43, %get3A_9 : vector<1x2048xf32>
        %lt3A_70 = arith.cmpf olt, %while3A_43, %broadcast_in_dim3A_60 : vector<1x2048xf32>
        %and3A = arith.andi %le3A_69, %lt3A_70 : vector<1x2048xi1>
        %eq3A_71 = vector.broadcast %broadcast_in_dim3A_68 : vector<1x2048xi32> to vector<16x2048xi32>
        %eq3A_72 = arith.cmpi eq, %iota3A, %eq3A_71 : vector<16x2048xi32>
        %and3A_73 = vector.broadcast %and3A : vector<1x2048xi1> to vector<16x2048xi1>
        %and3A_74 = arith.andi %and3A_73, %eq3A_72 : vector<16x2048xi1>
        %broadcast_in_dim3A_75 = vector.shape_cast %while3A_43 : vector<1x2048xf32> to vector<1x2048xf32>
        %broadcast_in_dim3A_76 = vector.broadcast %broadcast_in_dim3A_75 : vector<1x2048xf32> to vector<16x2048xf32>
        %select_n3A_77 = arith.select %and3A_74, %broadcast_in_dim3A_76, %get3A_57 : vector<16x2048xi1>, vector<16x2048xf32>
        %swap3A_78 = arith.constant 0 : index
        %swap3A_79 = arith.constant 0 : index
        %swap3A_80 = vector.load %arg5[%swap3A_78, %swap3A_79] : memref<16x2048xf32, #tpu.memory_space<vmem>>, vector<16x2048xf32>
        tpu.vector_store %arg5[%swap3A_78, %swap3A_79], %select_n3A_77 {strides = array<i32>} : memref<16x2048xf32, #tpu.memory_space<vmem>>, vector<16x2048xf32>,
        %mul3A_81 = arith.constant 512 : i32
        %mul3A_82 = arith.muli %arg0, %mul3A_81 : i32
        %add3A = vector.broadcast %mul3A_82 : i32 to vector<1x2048xi32>
        %add3A_83 = arith.addi %broadcast_in_dim3A_54, %add3A : vector<1x2048xi32>
        %broadcast_in_dim3A_84 = vector.shape_cast %add3A_83 : vector<1x2048xi32> to vector<1x2048xi32>
        %broadcast_in_dim3A_85 = vector.broadcast %broadcast_in_dim3A_84 : vector<1x2048xi32> to vector<16x2048xi32>
        %get3A_86 = arith.constant 0 : index
        %get3A_87 = arith.constant 0 : index
        %get3A_88 = vector.load %arg6[%get3A_86, %get3A_87] : memref<16x2048xi32, #tpu.memory_space<vmem>>, vector<16x2048xi32>
        %select_n3A_89 = arith.select %and3A_74, %broadcast_in_dim3A_85, %get3A_88 : vector<16x2048xi1>, vector<16x2048xi32>
        %swap3A_90 = arith.constant 0 : index
        %swap3A_91 = arith.constant 0 : index
        %swap3A_92 = vector.load %arg6[%swap3A_90, %swap3A_91] : memref<16x2048xi32, #tpu.memory_space<vmem>>, vector<16x2048xi32>
        tpu.vector_store %arg6[%swap3A_90, %swap3A_91], %select_n3A_89 {strides = array<i32>} : memref<16x2048xi32, #tpu.memory_space<vmem>>, vector<16x2048xi32>,
        %eq3A_93 = vector.broadcast %broadcast_in_dim3A_54 : vector<1x2048xi32> to vector<512x2048xi32>
        %eq3A_94 = arith.cmpi eq, %iota3A_12, %eq3A_93 : vector<512x2048xi32>
        %jit3A_95 = arith.constant 1.000000e+30 : f32
        %broadcast_in_dim3A_96 = vector.broadcast %jit3A_95 : f32 to vector<512x2048xf32>
        %select_n3A_97 = arith.select %eq3A_94, %broadcast_in_dim3A_96, %get3A_46 : vector<512x2048xi1>, vector<512x2048xf32>
        %swap3A_98 = arith.constant 0 : index
        %swap3A_99 = arith.constant 0 : index
        %swap3A_100 = vector.load %arg7[%swap3A_98, %swap3A_99] : memref<512x2048xf32, #tpu.memory_space<vmem>>, vector<512x2048xf32>
        tpu.vector_store %arg7[%swap3A_98, %swap3A_99], %select_n3A_97 {strides = array<i32>} : memref<512x2048xf32, #tpu.memory_space<vmem>>, vector<512x2048xf32>,
        %reduce_min3A_101 = arith.constant dense<0x7F800000> : vector<2048xf32>
        %reduce_min3A_102 = vector.multi_reduction <minimumf>, %select_n3A_97, %reduce_min3A_101 [0] : vector<512x2048xf32> to vector<2048xf32>
        %broadcast_in_dim3A_103 = vector.shape_cast %reduce_min3A_102 : vector<2048xf32> to vector<1x2048xf32>
        %reduce_max3A_104 = arith.constant dense<0xFF800000> : vector<2048xf32>
        %reduce_max3A_105 = vector.multi_reduction <maximumf>, %select_n3A_77, %reduce_max3A_104 [0] : vector<16x2048xf32> to vector<2048xf32>
        %broadcast_in_dim3A_106 = vector.shape_cast %reduce_max3A_105 : vector<2048xf32> to vector<1x2048xf32>
        %lt3A_107 = arith.cmpf olt, %broadcast_in_dim3A_103, %broadcast_in_dim3A_106 : vector<1x2048xf32>
        %sub3A_108 = arith.subf %broadcast_in_dim3A_103, %get3A_9 : vector<1x2048xf32>
        %jit3A_109 = arith.constant 1.000000e+30 : f32
        %broadcast_in_dim3A_110 = vector.broadcast %jit3A_109 : f32 to vector<1x2048xf32>
        %select_n3A_111 = arith.select %lt3A_107, %sub3A_108, %broadcast_in_dim3A_110 : vector<1x2048xi1>, vector<1x2048xf32>
        %reduce_min3A_112 = vector.shape_cast %select_n3A_111 : vector<1x2048xf32> to vector<1x1x2048xf32>
        %reduce_min3A_113 = arith.constant dense<0x7F800000> : vector<1xf32>
        %reduce_min3A_114 = vector.multi_reduction <minimumf>, %reduce_min3A_112, %reduce_min3A_113 [1, 2] : vector<1x1x2048xf32> to vector<1xf32>
        %reduce_min3A_115 = vector.shape_cast %reduce_min3A_114 : vector<1xf32> to vector<1x1x1xf32>
        %reduce_min3A_116 = vector.extract %reduce_min3A_115[0, 0, 0] : f32 from vector<1x1x1xf32>
        %le3A_117 = arith.constant 0.000000e+00 : f32
        %le3A_118 = arith.cmpf ole, %reduce_min3A_116, %le3A_117 : f32
        scf.yield %le3A_118, %broadcast_in_dim3A_103 : i1, vector<1x2048xf32>
      }
    } else {
    }
    %eq3A_35 = arith.constant 195 : i32
    %eq3A_36 = arith.cmpi eq, %arg0, %eq3A_35 : i32
    %convert_element_type3A_37 = arith.extui %eq3A_36 : i1 to i32
    %cond3A_38 = arith.constant 0 : i32
    %cond3A_39 = arith.cmpi ne, %convert_element_type3A_37, %cond3A_38 : i32
    scf.if %cond3A_39 {
      %get3A_40 = arith.constant 0 : index
      %get3A_41 = arith.constant 0 : index
      %get3A_42 = vector.load %arg5[%get3A_40, %get3A_41] : memref<16x2048xf32, #tpu.memory_space<vmem>>, vector<16x2048xf32>
      %get3A_43 = arith.constant 0 : index
      %get3A_44 = arith.constant 0 : index
      %get3A_45 = vector.load %arg6[%get3A_43, %get3A_44] : memref<16x2048xi32, #tpu.memory_space<vmem>>, vector<16x2048xi32>
      %broadcast_in_dim3A_46 = arith.constant 0 : i32
      %broadcast_in_dim3A_47 = vector.broadcast %broadcast_in_dim3A_46 : i32 to vector<16x2048xi32>
      %reduce_min3A_48 = arith.constant dense<0x7F800000> : vector<2048xf32>
      %reduce_min3A_49 = vector.multi_reduction <minimumf>, %get3A_42, %reduce_min3A_48 [0] : vector<16x2048xf32> to vector<2048xf32>
      %broadcast_in_dim3A_50 = vector.shape_cast %reduce_min3A_49 : vector<2048xf32> to vector<1x2048xf32>
      %eq3A_51 = vector.broadcast %broadcast_in_dim3A_50 : vector<1x2048xf32> to vector<16x2048xf32>
      %eq3A_52 = arith.cmpf oeq, %get3A_42, %eq3A_51 : vector<16x2048xf32>
      %jit3A_53 = arith.constant 1073741824 : i32
      %broadcast_in_dim3A_54 = vector.broadcast %jit3A_53 : i32 to vector<16x2048xi32>
      %select_n3A_55 = arith.select %eq3A_52, %get3A_45, %broadcast_in_dim3A_54 : vector<16x2048xi1>, vector<16x2048xi32>
      %reduce_min3A_56 = arith.constant dense<2147483647> : vector<2048xi32>
      %reduce_min3A_57 = vector.multi_reduction <minsi>, %select_n3A_55, %reduce_min3A_56 [0] : vector<16x2048xi32> to vector<2048xi32>
      %broadcast_in_dim3A_58 = vector.shape_cast %reduce_min3A_57 : vector<2048xi32> to vector<1x2048xi32>
      %eq3A_59 = arith.constant 0 : i32
      %eq3A_60 = vector.broadcast %eq3A_59 : i32 to vector<16x2048xi32>
      %eq3A_61 = arith.cmpi eq, %iota3A, %eq3A_60 : vector<16x2048xi32>
      %broadcast_in_dim3A_62 = vector.shape_cast %broadcast_in_dim3A_58 : vector<1x2048xi32> to vector<1x2048xi32>
      %broadcast_in_dim3A_63 = vector.broadcast %broadcast_in_dim3A_62 : vector<1x2048xi32> to vector<16x2048xi32>
      %select_n3A_64 = arith.select %eq3A_61, %broadcast_in_dim3A_63, %broadcast_in_dim3A_47 : vector<16x2048xi1>, vector<16x2048xi32>
      %eq3A_65 = vector.broadcast %broadcast_in_dim3A_50 : vector<1x2048xf32> to vector<16x2048xf32>
      %eq3A_66 = arith.cmpf oeq, %get3A_42, %eq3A_65 : vector<16x2048xf32>
      %eq3A_67 = vector.broadcast %broadcast_in_dim3A_58 : vector<1x2048xi32> to vector<16x2048xi32>
      %eq3A_68 = arith.cmpi eq, %get3A_45, %eq3A_67 : vector<16x2048xi32>
      %and3A = arith.andi %eq3A_66, %eq3A_68 : vector<16x2048xi1>
      %jit3A_69 = arith.constant 1.000000e+30 : f32
      %broadcast_in_dim3A_70 = vector.broadcast %jit3A_69 : f32 to vector<16x2048xf32>
      %select_n3A_71 = arith.select %and3A, %broadcast_in_dim3A_70, %get3A_42 : vector<16x2048xi1>, vector<16x2048xf32>
      %reduce_min3A_72 = arith.constant dense<0x7F800000> : vector<2048xf32>
      %reduce_min3A_73 = vector.multi_reduction <minimumf>, %select_n3A_71, %reduce_min3A_72 [0] : vector<16x2048xf32> to vector<2048xf32>
      %broadcast_in_dim3A_74 = vector.shape_cast %reduce_min3A_73 : vector<2048xf32> to vector<1x2048xf32>
      %eq3A_75 = vector.broadcast %broadcast_in_dim3A_74 : vector<1x2048xf32> to vector<16x2048xf32>
      %eq3A_76 = arith.cmpf oeq, %select_n3A_71, %eq3A_75 : vector<16x2048xf32>
      %jit3A_77 = arith.constant 1073741824 : i32
      %broadcast_in_dim3A_78 = vector.broadcast %jit3A_77 : i32 to vector<16x2048xi32>
      %select_n3A_79 = arith.select %eq3A_76, %get3A_45, %broadcast_in_dim3A_78 : vector<16x2048xi1>, vector<16x2048xi32>
      %reduce_min3A_80 = arith.constant dense<2147483647> : vector<2048xi32>
      %reduce_min3A_81 = vector.multi_reduction <minsi>, %select_n3A_79, %reduce_min3A_80 [0] : vector<16x2048xi32> to vector<2048xi32>
      %broadcast_in_dim3A_82 = vector.shape_cast %reduce_min3A_81 : vector<2048xi32> to vector<1x2048xi32>
      %eq3A_83 = arith.constant 1 : i32
      %eq3A_84 = vector.broadcast %eq3A_83 : i32 to vector<16x2048xi32>
      %eq3A_85 = arith.cmpi eq, %iota3A, %eq3A_84 : vector<16x2048xi32>
      %broadcast_in_dim3A_86 = vector.shape_cast %broadcast_in_dim3A_82 : vector<1x2048xi32> to vector<1x2048xi32>
      %broadcast_in_dim3A_87 = vector.broadcast %broadcast_in_dim3A_86 : vector<1x2048xi32> to vector<16x2048xi32>
      %select_n3A_88 = arith.select %eq3A_85, %broadcast_in_dim3A_87, %select_n3A_64 : vector<16x2048xi1>, vector<16x2048xi32>
      %eq3A_89 = vector.broadcast %broadcast_in_dim3A_74 : vector<1x2048xf32> to vector<16x2048xf32>
      %eq3A_90 = arith.cmpf oeq, %select_n3A_71, %eq3A_89 : vector<16x2048xf32>
      %eq3A_91 = vector.broadcast %broadcast_in_dim3A_82 : vector<1x2048xi32> to vector<16x2048xi32>
      %eq3A_92 = arith.cmpi eq, %get3A_45, %eq3A_91 : vector<16x2048xi32>
      %and3A_93 = arith.andi %eq3A_90, %eq3A_92 : vector<16x2048xi1>
      %jit3A_94 = arith.constant 1.000000e+30 : f32
      %broadcast_in_dim3A_95 = vector.broadcast %jit3A_94 : f32 to vector<16x2048xf32>
      %select_n3A_96 = arith.select %and3A_93, %broadcast_in_dim3A_95, %select_n3A_71 : vector<16x2048xi1>, vector<16x2048xf32>
      %reduce_min3A_97 = arith.constant dense<0x7F800000> : vector<2048xf32>
      %reduce_min3A_98 = vector.multi_reduction <minimumf>, %select_n3A_96, %reduce_min3A_97 [0] : vector<16x2048xf32> to vector<2048xf32>
      %broadcast_in_dim3A_99 = vector.shape_cast %reduce_min3A_98 : vector<2048xf32> to vector<1x2048xf32>
      %eq3A_100 = vector.broadcast %broadcast_in_dim3A_99 : vector<1x2048xf32> to vector<16x2048xf32>
      %eq3A_101 = arith.cmpf oeq, %select_n3A_96, %eq3A_100 : vector<16x2048xf32>
      %jit3A_102 = arith.constant 1073741824 : i32
      %broadcast_in_dim3A_103 = vector.broadcast %jit3A_102 : i32 to vector<16x2048xi32>
      %select_n3A_104 = arith.select %eq3A_101, %get3A_45, %broadcast_in_dim3A_103 : vector<16x2048xi1>, vector<16x2048xi32>
      %reduce_min3A_105 = arith.constant dense<2147483647> : vector<2048xi32>
      %reduce_min3A_106 = vector.multi_reduction <minsi>, %select_n3A_104, %reduce_min3A_105 [0] : vector<16x2048xi32> to vector<2048xi32>
      %broadcast_in_dim3A_107 = vector.shape_cast %reduce_min3A_106 : vector<2048xi32> to vector<1x2048xi32>
      %eq3A_108 = arith.constant 2 : i32
      %eq3A_109 = vector.broadcast %eq3A_108 : i32 to vector<16x2048xi32>
      %eq3A_110 = arith.cmpi eq, %iota3A, %eq3A_109 : vector<16x2048xi32>
      %broadcast_in_dim3A_111 = vector.shape_cast %broadcast_in_dim3A_107 : vector<1x2048xi32> to vector<1x2048xi32>
      %broadcast_in_dim3A_112 = vector.broadcast %broadcast_in_dim3A_111 : vector<1x2048xi32> to vector<16x2048xi32>
      %select_n3A_113 = arith.select %eq3A_110, %broadcast_in_dim3A_112, %select_n3A_88 : vector<16x2048xi1>, vector<16x2048xi32>
      %eq3A_114 = vector.broadcast %broadcast_in_dim3A_99 : vector<1x2048xf32> to vector<16x2048xf32>
      %eq3A_115 = arith.cmpf oeq, %select_n3A_96, %eq3A_114 : vector<16x2048xf32>
      %eq3A_116 = vector.broadcast %broadcast_in_dim3A_107 : vector<1x2048xi32> to vector<16x2048xi32>
      %eq3A_117 = arith.cmpi eq, %get3A_45, %eq3A_116 : vector<16x2048xi32>
      %and3A_118 = arith.andi %eq3A_115, %eq3A_117 : vector<16x2048xi1>
      %jit3A_119 = arith.constant 1.000000e+30 : f32
      %broadcast_in_dim3A_120 = vector.broadcast %jit3A_119 : f32 to vector<16x2048xf32>
      %select_n3A_121 = arith.select %and3A_118, %broadcast_in_dim3A_120, %select_n3A_96 : vector<16x2048xi1>, vector<16x2048xf32>
      %reduce_min3A_122 = arith.constant dense<0x7F800000> : vector<2048xf32>
      %reduce_min3A_123 = vector.multi_reduction <minimumf>, %select_n3A_121, %reduce_min3A_122 [0] : vector<16x2048xf32> to vector<2048xf32>
      %broadcast_in_dim3A_124 = vector.shape_cast %reduce_min3A_123 : vector<2048xf32> to vector<1x2048xf32>
      %eq3A_125 = vector.broadcast %broadcast_in_dim3A_124 : vector<1x2048xf32> to vector<16x2048xf32>
      %eq3A_126 = arith.cmpf oeq, %select_n3A_121, %eq3A_125 : vector<16x2048xf32>
      %jit3A_127 = arith.constant 1073741824 : i32
      %broadcast_in_dim3A_128 = vector.broadcast %jit3A_127 : i32 to vector<16x2048xi32>
      %select_n3A_129 = arith.select %eq3A_126, %get3A_45, %broadcast_in_dim3A_128 : vector<16x2048xi1>, vector<16x2048xi32>
      %reduce_min3A_130 = arith.constant dense<2147483647> : vector<2048xi32>
      %reduce_min3A_131 = vector.multi_reduction <minsi>, %select_n3A_129, %reduce_min3A_130 [0] : vector<16x2048xi32> to vector<2048xi32>
      %broadcast_in_dim3A_132 = vector.shape_cast %reduce_min3A_131 : vector<2048xi32> to vector<1x2048xi32>
      %eq3A_133 = arith.constant 3 : i32
      %eq3A_134 = vector.broadcast %eq3A_133 : i32 to vector<16x2048xi32>
      %eq3A_135 = arith.cmpi eq, %iota3A, %eq3A_134 : vector<16x2048xi32>
      %broadcast_in_dim3A_136 = vector.shape_cast %broadcast_in_dim3A_132 : vector<1x2048xi32> to vector<1x2048xi32>
      %broadcast_in_dim3A_137 = vector.broadcast %broadcast_in_dim3A_136 : vector<1x2048xi32> to vector<16x2048xi32>
      %select_n3A_138 = arith.select %eq3A_135, %broadcast_in_dim3A_137, %select_n3A_113 : vector<16x2048xi1>, vector<16x2048xi32>
      %eq3A_139 = vector.broadcast %broadcast_in_dim3A_124 : vector<1x2048xf32> to vector<16x2048xf32>
      %eq3A_140 = arith.cmpf oeq, %select_n3A_121, %eq3A_139 : vector<16x2048xf32>
      %eq3A_141 = vector.broadcast %broadcast_in_dim3A_132 : vector<1x2048xi32> to vector<16x2048xi32>
      %eq3A_142 = arith.cmpi eq, %get3A_45, %eq3A_141 : vector<16x2048xi32>
      %and3A_143 = arith.andi %eq3A_140, %eq3A_142 : vector<16x2048xi1>
      %jit3A_144 = arith.constant 1.000000e+30 : f32
      %broadcast_in_dim3A_145 = vector.broadcast %jit3A_144 : f32 to vector<16x2048xf32>
      %select_n3A_146 = arith.select %and3A_143, %broadcast_in_dim3A_145, %select_n3A_121 : vector<16x2048xi1>, vector<16x2048xf32>
      %reduce_min3A_147 = arith.constant dense<0x7F800000> : vector<2048xf32>
      %reduce_min3A_148 = vector.multi_reduction <minimumf>, %select_n3A_146, %reduce_min3A_147 [0] : vector<16x2048xf32> to vector<2048xf32>
      %broadcast_in_dim3A_149 = vector.shape_cast %reduce_min3A_148 : vector<2048xf32> to vector<1x2048xf32>
      %eq3A_150 = vector.broadcast %broadcast_in_dim3A_149 : vector<1x2048xf32> to vector<16x2048xf32>
      %eq3A_151 = arith.cmpf oeq, %select_n3A_146, %eq3A_150 : vector<16x2048xf32>
      %jit3A_152 = arith.constant 1073741824 : i32
      %broadcast_in_dim3A_153 = vector.broadcast %jit3A_152 : i32 to vector<16x2048xi32>
      %select_n3A_154 = arith.select %eq3A_151, %get3A_45, %broadcast_in_dim3A_153 : vector<16x2048xi1>, vector<16x2048xi32>
      %reduce_min3A_155 = arith.constant dense<2147483647> : vector<2048xi32>
      %reduce_min3A_156 = vector.multi_reduction <minsi>, %select_n3A_154, %reduce_min3A_155 [0] : vector<16x2048xi32> to vector<2048xi32>
      %broadcast_in_dim3A_157 = vector.shape_cast %reduce_min3A_156 : vector<2048xi32> to vector<1x2048xi32>
      %eq3A_158 = arith.constant 4 : i32
      %eq3A_159 = vector.broadcast %eq3A_158 : i32 to vector<16x2048xi32>
      %eq3A_160 = arith.cmpi eq, %iota3A, %eq3A_159 : vector<16x2048xi32>
      %broadcast_in_dim3A_161 = vector.shape_cast %broadcast_in_dim3A_157 : vector<1x2048xi32> to vector<1x2048xi32>
      %broadcast_in_dim3A_162 = vector.broadcast %broadcast_in_dim3A_161 : vector<1x2048xi32> to vector<16x2048xi32>
      %select_n3A_163 = arith.select %eq3A_160, %broadcast_in_dim3A_162, %select_n3A_138 : vector<16x2048xi1>, vector<16x2048xi32>
      %eq3A_164 = vector.broadcast %broadcast_in_dim3A_149 : vector<1x2048xf32> to vector<16x2048xf32>
      %eq3A_165 = arith.cmpf oeq, %select_n3A_146, %eq3A_164 : vector<16x2048xf32>
      %eq3A_166 = vector.broadcast %broadcast_in_dim3A_157 : vector<1x2048xi32> to vector<16x2048xi32>
      %eq3A_167 = arith.cmpi eq, %get3A_45, %eq3A_166 : vector<16x2048xi32>
      %and3A_168 = arith.andi %eq3A_165, %eq3A_167 : vector<16x2048xi1>
      %jit3A_169 = arith.constant 1.000000e+30 : f32
      %broadcast_in_dim3A_170 = vector.broadcast %jit3A_169 : f32 to vector<16x2048xf32>
      %select_n3A_171 = arith.select %and3A_168, %broadcast_in_dim3A_170, %select_n3A_146 : vector<16x2048xi1>, vector<16x2048xf32>
      %reduce_min3A_172 = arith.constant dense<0x7F800000> : vector<2048xf32>
      %reduce_min3A_173 = vector.multi_reduction <minimumf>, %select_n3A_171, %reduce_min3A_172 [0] : vector<16x2048xf32> to vector<2048xf32>
      %broadcast_in_dim3A_174 = vector.shape_cast %reduce_min3A_173 : vector<2048xf32> to vector<1x2048xf32>
      %eq3A_175 = vector.broadcast %broadcast_in_dim3A_174 : vector<1x2048xf32> to vector<16x2048xf32>
      %eq3A_176 = arith.cmpf oeq, %select_n3A_171, %eq3A_175 : vector<16x2048xf32>
      %jit3A_177 = arith.constant 1073741824 : i32
      %broadcast_in_dim3A_178 = vector.broadcast %jit3A_177 : i32 to vector<16x2048xi32>
      %select_n3A_179 = arith.select %eq3A_176, %get3A_45, %broadcast_in_dim3A_178 : vector<16x2048xi1>, vector<16x2048xi32>
      %reduce_min3A_180 = arith.constant dense<2147483647> : vector<2048xi32>
      %reduce_min3A_181 = vector.multi_reduction <minsi>, %select_n3A_179, %reduce_min3A_180 [0] : vector<16x2048xi32> to vector<2048xi32>
      %broadcast_in_dim3A_182 = vector.shape_cast %reduce_min3A_181 : vector<2048xi32> to vector<1x2048xi32>
      %eq3A_183 = arith.constant 5 : i32
      %eq3A_184 = vector.broadcast %eq3A_183 : i32 to vector<16x2048xi32>
      %eq3A_185 = arith.cmpi eq, %iota3A, %eq3A_184 : vector<16x2048xi32>
      %broadcast_in_dim3A_186 = vector.shape_cast %broadcast_in_dim3A_182 : vector<1x2048xi32> to vector<1x2048xi32>
      %broadcast_in_dim3A_187 = vector.broadcast %broadcast_in_dim3A_186 : vector<1x2048xi32> to vector<16x2048xi32>
      %select_n3A_188 = arith.select %eq3A_185, %broadcast_in_dim3A_187, %select_n3A_163 : vector<16x2048xi1>, vector<16x2048xi32>
      %eq3A_189 = vector.broadcast %broadcast_in_dim3A_174 : vector<1x2048xf32> to vector<16x2048xf32>
      %eq3A_190 = arith.cmpf oeq, %select_n3A_171, %eq3A_189 : vector<16x2048xf32>
      %eq3A_191 = vector.broadcast %broadcast_in_dim3A_182 : vector<1x2048xi32> to vector<16x2048xi32>
      %eq3A_192 = arith.cmpi eq, %get3A_45, %eq3A_191 : vector<16x2048xi32>
      %and3A_193 = arith.andi %eq3A_190, %eq3A_192 : vector<16x2048xi1>
      %jit3A_194 = arith.constant 1.000000e+30 : f32
      %broadcast_in_dim3A_195 = vector.broadcast %jit3A_194 : f32 to vector<16x2048xf32>
      %select_n3A_196 = arith.select %and3A_193, %broadcast_in_dim3A_195, %select_n3A_171 : vector<16x2048xi1>, vector<16x2048xf32>
      %reduce_min3A_197 = arith.constant dense<0x7F800000> : vector<2048xf32>
      %reduce_min3A_198 = vector.multi_reduction <minimumf>, %select_n3A_196, %reduce_min3A_197 [0] : vector<16x2048xf32> to vector<2048xf32>
      %broadcast_in_dim3A_199 = vector.shape_cast %reduce_min3A_198 : vector<2048xf32> to vector<1x2048xf32>
      %eq3A_200 = vector.broadcast %broadcast_in_dim3A_199 : vector<1x2048xf32> to vector<16x2048xf32>
      %eq3A_201 = arith.cmpf oeq, %select_n3A_196, %eq3A_200 : vector<16x2048xf32>
      %jit3A_202 = arith.constant 1073741824 : i32
      %broadcast_in_dim3A_203 = vector.broadcast %jit3A_202 : i32 to vector<16x2048xi32>
      %select_n3A_204 = arith.select %eq3A_201, %get3A_45, %broadcast_in_dim3A_203 : vector<16x2048xi1>, vector<16x2048xi32>
      %reduce_min3A_205 = arith.constant dense<2147483647> : vector<2048xi32>
      %reduce_min3A_206 = vector.multi_reduction <minsi>, %select_n3A_204, %reduce_min3A_205 [0] : vector<16x2048xi32> to vector<2048xi32>
      %broadcast_in_dim3A_207 = vector.shape_cast %reduce_min3A_206 : vector<2048xi32> to vector<1x2048xi32>
      %eq3A_208 = arith.constant 6 : i32
      %eq3A_209 = vector.broadcast %eq3A_208 : i32 to vector<16x2048xi32>
      %eq3A_210 = arith.cmpi eq, %iota3A, %eq3A_209 : vector<16x2048xi32>
      %broadcast_in_dim3A_211 = vector.shape_cast %broadcast_in_dim3A_207 : vector<1x2048xi32> to vector<1x2048xi32>
      %broadcast_in_dim3A_212 = vector.broadcast %broadcast_in_dim3A_211 : vector<1x2048xi32> to vector<16x2048xi32>
      %select_n3A_213 = arith.select %eq3A_210, %broadcast_in_dim3A_212, %select_n3A_188 : vector<16x2048xi1>, vector<16x2048xi32>
      %eq3A_214 = vector.broadcast %broadcast_in_dim3A_199 : vector<1x2048xf32> to vector<16x2048xf32>
      %eq3A_215 = arith.cmpf oeq, %select_n3A_196, %eq3A_214 : vector<16x2048xf32>
      %eq3A_216 = vector.broadcast %broadcast_in_dim3A_207 : vector<1x2048xi32> to vector<16x2048xi32>
      %eq3A_217 = arith.cmpi eq, %get3A_45, %eq3A_216 : vector<16x2048xi32>
      %and3A_218 = arith.andi %eq3A_215, %eq3A_217 : vector<16x2048xi1>
      %jit3A_219 = arith.constant 1.000000e+30 : f32
      %broadcast_in_dim3A_220 = vector.broadcast %jit3A_219 : f32 to vector<16x2048xf32>
      %select_n3A_221 = arith.select %and3A_218, %broadcast_in_dim3A_220, %select_n3A_196 : vector<16x2048xi1>, vector<16x2048xf32>
      %reduce_min3A_222 = arith.constant dense<0x7F800000> : vector<2048xf32>
      %reduce_min3A_223 = vector.multi_reduction <minimumf>, %select_n3A_221, %reduce_min3A_222 [0] : vector<16x2048xf32> to vector<2048xf32>
      %broadcast_in_dim3A_224 = vector.shape_cast %reduce_min3A_223 : vector<2048xf32> to vector<1x2048xf32>
      %eq3A_225 = vector.broadcast %broadcast_in_dim3A_224 : vector<1x2048xf32> to vector<16x2048xf32>
      %eq3A_226 = arith.cmpf oeq, %select_n3A_221, %eq3A_225 : vector<16x2048xf32>
      %jit3A_227 = arith.constant 1073741824 : i32
      %broadcast_in_dim3A_228 = vector.broadcast %jit3A_227 : i32 to vector<16x2048xi32>
      %select_n3A_229 = arith.select %eq3A_226, %get3A_45, %broadcast_in_dim3A_228 : vector<16x2048xi1>, vector<16x2048xi32>
      %reduce_min3A_230 = arith.constant dense<2147483647> : vector<2048xi32>
      %reduce_min3A_231 = vector.multi_reduction <minsi>, %select_n3A_229, %reduce_min3A_230 [0] : vector<16x2048xi32> to vector<2048xi32>
      %broadcast_in_dim3A_232 = vector.shape_cast %reduce_min3A_231 : vector<2048xi32> to vector<1x2048xi32>
      %eq3A_233 = arith.constant 7 : i32
      %eq3A_234 = vector.broadcast %eq3A_233 : i32 to vector<16x2048xi32>
      %eq3A_235 = arith.cmpi eq, %iota3A, %eq3A_234 : vector<16x2048xi32>
      %broadcast_in_dim3A_236 = vector.shape_cast %broadcast_in_dim3A_232 : vector<1x2048xi32> to vector<1x2048xi32>
      %broadcast_in_dim3A_237 = vector.broadcast %broadcast_in_dim3A_236 : vector<1x2048xi32> to vector<16x2048xi32>
      %select_n3A_238 = arith.select %eq3A_235, %broadcast_in_dim3A_237, %select_n3A_213 : vector<16x2048xi1>, vector<16x2048xi32>
      %eq3A_239 = vector.broadcast %broadcast_in_dim3A_224 : vector<1x2048xf32> to vector<16x2048xf32>
      %eq3A_240 = arith.cmpf oeq, %select_n3A_221, %eq3A_239 : vector<16x2048xf32>
      %eq3A_241 = vector.broadcast %broadcast_in_dim3A_232 : vector<1x2048xi32> to vector<16x2048xi32>
      %eq3A_242 = arith.cmpi eq, %get3A_45, %eq3A_241 : vector<16x2048xi32>
      %and3A_243 = arith.andi %eq3A_240, %eq3A_242 : vector<16x2048xi1>
      %jit3A_244 = arith.constant 1.000000e+30 : f32
      %broadcast_in_dim3A_245 = vector.broadcast %jit3A_244 : f32 to vector<16x2048xf32>
      %select_n3A_246 = arith.select %and3A_243, %broadcast_in_dim3A_245, %select_n3A_221 : vector<16x2048xi1>, vector<16x2048xf32>
      %reduce_min3A_247 = arith.constant dense<0x7F800000> : vector<2048xf32>
      %reduce_min3A_248 = vector.multi_reduction <minimumf>, %select_n3A_246, %reduce_min3A_247 [0] : vector<16x2048xf32> to vector<2048xf32>
      %broadcast_in_dim3A_249 = vector.shape_cast %reduce_min3A_248 : vector<2048xf32> to vector<1x2048xf32>
      %eq3A_250 = vector.broadcast %broadcast_in_dim3A_249 : vector<1x2048xf32> to vector<16x2048xf32>
      %eq3A_251 = arith.cmpf oeq, %select_n3A_246, %eq3A_250 : vector<16x2048xf32>
      %jit3A_252 = arith.constant 1073741824 : i32
      %broadcast_in_dim3A_253 = vector.broadcast %jit3A_252 : i32 to vector<16x2048xi32>
      %select_n3A_254 = arith.select %eq3A_251, %get3A_45, %broadcast_in_dim3A_253 : vector<16x2048xi1>, vector<16x2048xi32>
      %reduce_min3A_255 = arith.constant dense<2147483647> : vector<2048xi32>
      %reduce_min3A_256 = vector.multi_reduction <minsi>, %select_n3A_254, %reduce_min3A_255 [0] : vector<16x2048xi32> to vector<2048xi32>
      %broadcast_in_dim3A_257 = vector.shape_cast %reduce_min3A_256 : vector<2048xi32> to vector<1x2048xi32>
      %eq3A_258 = arith.constant 8 : i32
      %eq3A_259 = vector.broadcast %eq3A_258 : i32 to vector<16x2048xi32>
      %eq3A_260 = arith.cmpi eq, %iota3A, %eq3A_259 : vector<16x2048xi32>
      %broadcast_in_dim3A_261 = vector.shape_cast %broadcast_in_dim3A_257 : vector<1x2048xi32> to vector<1x2048xi32>
      %broadcast_in_dim3A_262 = vector.broadcast %broadcast_in_dim3A_261 : vector<1x2048xi32> to vector<16x2048xi32>
      %select_n3A_263 = arith.select %eq3A_260, %broadcast_in_dim3A_262, %select_n3A_238 : vector<16x2048xi1>, vector<16x2048xi32>
      %eq3A_264 = vector.broadcast %broadcast_in_dim3A_249 : vector<1x2048xf32> to vector<16x2048xf32>
      %eq3A_265 = arith.cmpf oeq, %select_n3A_246, %eq3A_264 : vector<16x2048xf32>
      %eq3A_266 = vector.broadcast %broadcast_in_dim3A_257 : vector<1x2048xi32> to vector<16x2048xi32>
      %eq3A_267 = arith.cmpi eq, %get3A_45, %eq3A_266 : vector<16x2048xi32>
      %and3A_268 = arith.andi %eq3A_265, %eq3A_267 : vector<16x2048xi1>
      %jit3A_269 = arith.constant 1.000000e+30 : f32
      %broadcast_in_dim3A_270 = vector.broadcast %jit3A_269 : f32 to vector<16x2048xf32>
      %select_n3A_271 = arith.select %and3A_268, %broadcast_in_dim3A_270, %select_n3A_246 : vector<16x2048xi1>, vector<16x2048xf32>
      %reduce_min3A_272 = arith.constant dense<0x7F800000> : vector<2048xf32>
      %reduce_min3A_273 = vector.multi_reduction <minimumf>, %select_n3A_271, %reduce_min3A_272 [0] : vector<16x2048xf32> to vector<2048xf32>
      %broadcast_in_dim3A_274 = vector.shape_cast %reduce_min3A_273 : vector<2048xf32> to vector<1x2048xf32>
      %eq3A_275 = vector.broadcast %broadcast_in_dim3A_274 : vector<1x2048xf32> to vector<16x2048xf32>
      %eq3A_276 = arith.cmpf oeq, %select_n3A_271, %eq3A_275 : vector<16x2048xf32>
      %jit3A_277 = arith.constant 1073741824 : i32
      %broadcast_in_dim3A_278 = vector.broadcast %jit3A_277 : i32 to vector<16x2048xi32>
      %select_n3A_279 = arith.select %eq3A_276, %get3A_45, %broadcast_in_dim3A_278 : vector<16x2048xi1>, vector<16x2048xi32>
      %reduce_min3A_280 = arith.constant dense<2147483647> : vector<2048xi32>
      %reduce_min3A_281 = vector.multi_reduction <minsi>, %select_n3A_279, %reduce_min3A_280 [0] : vector<16x2048xi32> to vector<2048xi32>
      %broadcast_in_dim3A_282 = vector.shape_cast %reduce_min3A_281 : vector<2048xi32> to vector<1x2048xi32>
      %eq3A_283 = arith.constant 9 : i32
      %eq3A_284 = vector.broadcast %eq3A_283 : i32 to vector<16x2048xi32>
      %eq3A_285 = arith.cmpi eq, %iota3A, %eq3A_284 : vector<16x2048xi32>
      %broadcast_in_dim3A_286 = vector.shape_cast %broadcast_in_dim3A_282 : vector<1x2048xi32> to vector<1x2048xi32>
      %broadcast_in_dim3A_287 = vector.broadcast %broadcast_in_dim3A_286 : vector<1x2048xi32> to vector<16x2048xi32>
      %select_n3A_288 = arith.select %eq3A_285, %broadcast_in_dim3A_287, %select_n3A_263 : vector<16x2048xi1>, vector<16x2048xi32>
      %swap3A = arith.constant 0 : index
      %swap3A_289 = arith.constant 0 : index
      %swap3A_290 = vector.load %arg4[%swap3A, %swap3A_289] : memref<16x2048xi32, #tpu.memory_space<vmem>>, vector<16x2048xi32>
      tpu.vector_store %arg4[%swap3A, %swap3A_289], %select_n3A_288 {strides = array<i32>} : memref<16x2048xi32, #tpu.memory_space<vmem>>, vector<16x2048xi32>,
    } else {
    }
    return
  }
  func.func @transform_0(%arg0: i32) -> (i32, i32) {
    %c0_i32 = arith.constant 0 : i32
    %c0_i32_0 = arith.constant 0 : i32
    %c0_i32_1 = arith.constant 0 : i32
    return %c0_i32, %c0_i32_0 : i32, i32
  }
  func.func @transform_1(%arg0: i32) -> (i32, i32) {
    %c0_i32 = arith.constant 0 : i32
    %c0_i32_0 = arith.constant 0 : i32
    return %arg0, %c0_i32 : i32, i32
  }
  func.func @transform_2(%arg0: i32) -> (i32, i32) {
    %c0_i32 = arith.constant 0 : i32
    %c0_i32_0 = arith.constant 0 : i32
    %c0_i32_1 = arith.constant 0 : i32
    return %c0_i32, %c0_i32_0 : i32, i32
  }
  func.func @transform_3(%arg0: i32) -> (i32, i32) {
    %c0_i32 = arith.constant 0 : i32
    %c0_i32_0 = arith.constant 0 : i32
    %c0_i32_1 = arith.constant 0 : i32
    return %c0_i32, %c0_i32_0 : i32, i32
  }
}

module attributes {stable_mosaic.version = 14 : i64} {
  func.func @_thresh_body(%arg0: i32, %arg1: memref<256x2048xf32, #tpu.memory_space<vmem>>, %arg2: memref<2048x256xf32, #tpu.memory_space<vmem>>, %arg3: memref<8x2048xf32, #tpu.memory_space<vmem>>, %arg4: memref<16x2048xf32, #tpu.memory_space<vmem>>) attributes {dimension_semantics = [#tpu.dimension_semantics<arbitrary>], iteration_bounds = array<i64: 49>, scalar_prefetch = 0 : i64, scratch_operands = 1 : i64, tpu.core_type = #tpu.core_type<tc>, window_params = [{pipeline_mode = #tpu.pipeline_mode<synchronous>, transform_indices = @transform_0, window_bounds = array<i64: 256, 2048>}, {transform_indices = @transform_1, window_bounds = array<i64: 2048, 256>}, {pipeline_mode = #tpu.pipeline_mode<synchronous>, transform_indices = @transform_2, window_bounds = array<i64: 8, 2048>}]} {
    %get3A = arith.constant 0 : index
    %get3A_0 = arith.constant 0 : index
    %get3A_1 = vector.load %arg1[%get3A, %get3A_0] : memref<256x2048xf32, #tpu.memory_space<vmem>>, vector<256x2048xf32>
    %get3A_2 = arith.constant 0 : index
    %get3A_3 = arith.constant 0 : index
    %get3A_4 = vector.load %arg2[%get3A_2, %get3A_3] : memref<2048x256xf32, #tpu.memory_space<vmem>>, vector<2048x256xf32>
    %mul3A = arith.mulf %get3A_4, %get3A_4 : vector<2048x256xf32>
    %reduce_sum3A = arith.constant dense<0.000000e+00> : vector<2048xf32>
    %reduce_sum3A_5 = vector.multi_reduction <add>, %mul3A, %reduce_sum3A [1] : vector<2048x256xf32> to vector<2048xf32>
    %eq3A = arith.constant 0 : i32
    %eq3A_6 = arith.cmpi eq, %arg0, %eq3A : i32
    %convert_element_type3A = arith.extui %eq3A_6 : i1 to i32
    %cond3A = arith.constant 0 : i32
    %cond3A_7 = arith.cmpi ne, %convert_element_type3A, %cond3A : i32
    scf.if %cond3A_7 {
      %broadcast_in_dim3A_24 = arith.constant 1.000000e+30 : f32
      %broadcast_in_dim3A_25 = vector.broadcast %broadcast_in_dim3A_24 : f32 to vector<16x2048xf32>
      %swap3A_26 = arith.constant 0 : index
      %swap3A_27 = arith.constant 0 : index
      %swap3A_28 = vector.load %arg4[%swap3A_26, %swap3A_27] : memref<16x2048xf32, #tpu.memory_space<vmem>>, vector<16x2048xf32>
      tpu.vector_store %arg4[%swap3A_26, %swap3A_27], %broadcast_in_dim3A_25 {strides = array<i32>} : memref<16x2048xf32, #tpu.memory_space<vmem>>, vector<16x2048xf32>,
    } else {
    }
    %dot_general3A = arith.constant dense<0.000000e+00> : vector<2048x2048xf32>
    %dot_general3A_8 = tpu.matmul %get3A_4, %get3A_1, %dot_general3A {dimension_numbers = #tpu.dot_dimension_numbers<[1], [0], [0], [1], [0, 0, 1, 1], [], []>, transpose_lhs_hint = false} : vector<2048x256xf32>, vector<256x2048xf32>, vector<2048x2048xf32> -> vector<2048x2048xf32>
    %broadcast_in_dim3A = vector.shape_cast %reduce_sum3A_5 : vector<2048xf32> to vector<2048x1xf32>
    %mul3A_9 = arith.constant 2.000000e+00 : f32
    %mul3A_10 = vector.broadcast %mul3A_9 : f32 to vector<2048x2048xf32>
    %mul3A_11 = arith.mulf %mul3A_10, %dot_general3A_8 : vector<2048x2048xf32>
    %sub3A = vector.broadcast %broadcast_in_dim3A : vector<2048x1xf32> to vector<2048x2048xf32>
    %sub3A_12 = arith.subf %sub3A, %mul3A_11 : vector<2048x2048xf32>
    %reshape3A = vector.shape_cast %sub3A_12 : vector<2048x2048xf32> to vector<128x16x2048xf32>
    %get3A_13 = arith.constant 0 : index
    %get3A_14 = arith.constant 0 : index
    %get3A_15 = vector.load %arg4[%get3A_13, %get3A_14] : memref<16x2048xf32, #tpu.memory_space<vmem>>, vector<16x2048xf32>
    %reduce_min3A = arith.constant dense<0x7F800000> : vector<16x2048xf32>
    %reduce_min3A_16 = vector.multi_reduction <minimumf>, %reshape3A, %reduce_min3A [0] : vector<128x16x2048xf32> to vector<16x2048xf32>
    %min3A = arith.minimumf %get3A_15, %reduce_min3A_16 : vector<16x2048xf32>
    %swap3A = arith.constant 0 : index
    %swap3A_17 = arith.constant 0 : index
    %swap3A_18 = vector.load %arg4[%swap3A, %swap3A_17] : memref<16x2048xf32, #tpu.memory_space<vmem>>, vector<16x2048xf32>
    tpu.vector_store %arg4[%swap3A, %swap3A_17], %min3A {strides = array<i32>} : memref<16x2048xf32, #tpu.memory_space<vmem>>, vector<16x2048xf32>,
    %eq3A_19 = arith.constant 48 : i32
    %eq3A_20 = arith.cmpi eq, %arg0, %eq3A_19 : i32
    %convert_element_type3A_21 = arith.extui %eq3A_20 : i1 to i32
    %cond3A_22 = arith.constant 0 : i32
    %cond3A_23 = arith.cmpi ne, %convert_element_type3A_21, %cond3A_22 : i32
    scf.if %cond3A_23 {
      %get3A_24 = arith.constant 0 : index
      %get3A_25 = arith.constant 0 : index
      %get3A_26 = vector.load %arg4[%get3A_24, %get3A_25] : memref<16x2048xf32, #tpu.memory_space<vmem>>, vector<16x2048xf32>
      %reduce_min3A_27 = arith.constant dense<0x7F800000> : vector<2048xf32>
      %reduce_min3A_28 = vector.multi_reduction <minimumf>, %get3A_26, %reduce_min3A_27 [0] : vector<16x2048xf32> to vector<2048xf32>
      %broadcast_in_dim3A_29 = vector.shape_cast %reduce_min3A_28 : vector<2048xf32> to vector<1x2048xf32>
      %eq3A_30 = vector.broadcast %broadcast_in_dim3A_29 : vector<1x2048xf32> to vector<16x2048xf32>
      %eq3A_31 = arith.cmpf oeq, %get3A_26, %eq3A_30 : vector<16x2048xf32>
      %jit3A = arith.constant 1.000000e+30 : f32
      %broadcast_in_dim3A_32 = vector.broadcast %jit3A : f32 to vector<16x2048xf32>
      %select_n3A = arith.select %eq3A_31, %broadcast_in_dim3A_32, %get3A_26 : vector<16x2048xi1>, vector<16x2048xf32>
      %reduce_min3A_33 = arith.constant dense<0x7F800000> : vector<2048xf32>
      %reduce_min3A_34 = vector.multi_reduction <minimumf>, %select_n3A, %reduce_min3A_33 [0] : vector<16x2048xf32> to vector<2048xf32>
      %broadcast_in_dim3A_35 = vector.shape_cast %reduce_min3A_34 : vector<2048xf32> to vector<1x2048xf32>
      %eq3A_36 = vector.broadcast %broadcast_in_dim3A_35 : vector<1x2048xf32> to vector<16x2048xf32>
      %eq3A_37 = arith.cmpf oeq, %select_n3A, %eq3A_36 : vector<16x2048xf32>
      %jit3A_38 = arith.constant 1.000000e+30 : f32
      %broadcast_in_dim3A_39 = vector.broadcast %jit3A_38 : f32 to vector<16x2048xf32>
      %select_n3A_40 = arith.select %eq3A_37, %broadcast_in_dim3A_39, %select_n3A : vector<16x2048xi1>, vector<16x2048xf32>
      %reduce_min3A_41 = arith.constant dense<0x7F800000> : vector<2048xf32>
      %reduce_min3A_42 = vector.multi_reduction <minimumf>, %select_n3A_40, %reduce_min3A_41 [0] : vector<16x2048xf32> to vector<2048xf32>
      %broadcast_in_dim3A_43 = vector.shape_cast %reduce_min3A_42 : vector<2048xf32> to vector<1x2048xf32>
      %eq3A_44 = vector.broadcast %broadcast_in_dim3A_43 : vector<1x2048xf32> to vector<16x2048xf32>
      %eq3A_45 = arith.cmpf oeq, %select_n3A_40, %eq3A_44 : vector<16x2048xf32>
      %jit3A_46 = arith.constant 1.000000e+30 : f32
      %broadcast_in_dim3A_47 = vector.broadcast %jit3A_46 : f32 to vector<16x2048xf32>
      %select_n3A_48 = arith.select %eq3A_45, %broadcast_in_dim3A_47, %select_n3A_40 : vector<16x2048xi1>, vector<16x2048xf32>
      %reduce_min3A_49 = arith.constant dense<0x7F800000> : vector<2048xf32>
      %reduce_min3A_50 = vector.multi_reduction <minimumf>, %select_n3A_48, %reduce_min3A_49 [0] : vector<16x2048xf32> to vector<2048xf32>
      %broadcast_in_dim3A_51 = vector.shape_cast %reduce_min3A_50 : vector<2048xf32> to vector<1x2048xf32>
      %eq3A_52 = vector.broadcast %broadcast_in_dim3A_51 : vector<1x2048xf32> to vector<16x2048xf32>
      %eq3A_53 = arith.cmpf oeq, %select_n3A_48, %eq3A_52 : vector<16x2048xf32>
      %jit3A_54 = arith.constant 1.000000e+30 : f32
      %broadcast_in_dim3A_55 = vector.broadcast %jit3A_54 : f32 to vector<16x2048xf32>
      %select_n3A_56 = arith.select %eq3A_53, %broadcast_in_dim3A_55, %select_n3A_48 : vector<16x2048xi1>, vector<16x2048xf32>
      %reduce_min3A_57 = arith.constant dense<0x7F800000> : vector<2048xf32>
      %reduce_min3A_58 = vector.multi_reduction <minimumf>, %select_n3A_56, %reduce_min3A_57 [0] : vector<16x2048xf32> to vector<2048xf32>
      %broadcast_in_dim3A_59 = vector.shape_cast %reduce_min3A_58 : vector<2048xf32> to vector<1x2048xf32>
      %eq3A_60 = vector.broadcast %broadcast_in_dim3A_59 : vector<1x2048xf32> to vector<16x2048xf32>
      %eq3A_61 = arith.cmpf oeq, %select_n3A_56, %eq3A_60 : vector<16x2048xf32>
      %jit3A_62 = arith.constant 1.000000e+30 : f32
      %broadcast_in_dim3A_63 = vector.broadcast %jit3A_62 : f32 to vector<16x2048xf32>
      %select_n3A_64 = arith.select %eq3A_61, %broadcast_in_dim3A_63, %select_n3A_56 : vector<16x2048xi1>, vector<16x2048xf32>
      %reduce_min3A_65 = arith.constant dense<0x7F800000> : vector<2048xf32>
      %reduce_min3A_66 = vector.multi_reduction <minimumf>, %select_n3A_64, %reduce_min3A_65 [0] : vector<16x2048xf32> to vector<2048xf32>
      %broadcast_in_dim3A_67 = vector.shape_cast %reduce_min3A_66 : vector<2048xf32> to vector<1x2048xf32>
      %eq3A_68 = vector.broadcast %broadcast_in_dim3A_67 : vector<1x2048xf32> to vector<16x2048xf32>
      %eq3A_69 = arith.cmpf oeq, %select_n3A_64, %eq3A_68 : vector<16x2048xf32>
      %jit3A_70 = arith.constant 1.000000e+30 : f32
      %broadcast_in_dim3A_71 = vector.broadcast %jit3A_70 : f32 to vector<16x2048xf32>
      %select_n3A_72 = arith.select %eq3A_69, %broadcast_in_dim3A_71, %select_n3A_64 : vector<16x2048xi1>, vector<16x2048xf32>
      %reduce_min3A_73 = arith.constant dense<0x7F800000> : vector<2048xf32>
      %reduce_min3A_74 = vector.multi_reduction <minimumf>, %select_n3A_72, %reduce_min3A_73 [0] : vector<16x2048xf32> to vector<2048xf32>
      %broadcast_in_dim3A_75 = vector.shape_cast %reduce_min3A_74 : vector<2048xf32> to vector<1x2048xf32>
      %eq3A_76 = vector.broadcast %broadcast_in_dim3A_75 : vector<1x2048xf32> to vector<16x2048xf32>
      %eq3A_77 = arith.cmpf oeq, %select_n3A_72, %eq3A_76 : vector<16x2048xf32>
      %jit3A_78 = arith.constant 1.000000e+30 : f32
      %broadcast_in_dim3A_79 = vector.broadcast %jit3A_78 : f32 to vector<16x2048xf32>
      %select_n3A_80 = arith.select %eq3A_77, %broadcast_in_dim3A_79, %select_n3A_72 : vector<16x2048xi1>, vector<16x2048xf32>
      %reduce_min3A_81 = arith.constant dense<0x7F800000> : vector<2048xf32>
      %reduce_min3A_82 = vector.multi_reduction <minimumf>, %select_n3A_80, %reduce_min3A_81 [0] : vector<16x2048xf32> to vector<2048xf32>
      %broadcast_in_dim3A_83 = vector.shape_cast %reduce_min3A_82 : vector<2048xf32> to vector<1x2048xf32>
      %eq3A_84 = vector.broadcast %broadcast_in_dim3A_83 : vector<1x2048xf32> to vector<16x2048xf32>
      %eq3A_85 = arith.cmpf oeq, %select_n3A_80, %eq3A_84 : vector<16x2048xf32>
      %jit3A_86 = arith.constant 1.000000e+30 : f32
      %broadcast_in_dim3A_87 = vector.broadcast %jit3A_86 : f32 to vector<16x2048xf32>
      %select_n3A_88 = arith.select %eq3A_85, %broadcast_in_dim3A_87, %select_n3A_80 : vector<16x2048xi1>, vector<16x2048xf32>
      %reduce_min3A_89 = arith.constant dense<0x7F800000> : vector<2048xf32>
      %reduce_min3A_90 = vector.multi_reduction <minimumf>, %select_n3A_88, %reduce_min3A_89 [0] : vector<16x2048xf32> to vector<2048xf32>
      %broadcast_in_dim3A_91 = vector.shape_cast %reduce_min3A_90 : vector<2048xf32> to vector<1x2048xf32>
      %eq3A_92 = vector.broadcast %broadcast_in_dim3A_91 : vector<1x2048xf32> to vector<16x2048xf32>
      %eq3A_93 = arith.cmpf oeq, %select_n3A_88, %eq3A_92 : vector<16x2048xf32>
      %jit3A_94 = arith.constant 1.000000e+30 : f32
      %broadcast_in_dim3A_95 = vector.broadcast %jit3A_94 : f32 to vector<16x2048xf32>
      %select_n3A_96 = arith.select %eq3A_93, %broadcast_in_dim3A_95, %select_n3A_88 : vector<16x2048xi1>, vector<16x2048xf32>
      %reduce_min3A_97 = arith.constant dense<0x7F800000> : vector<2048xf32>
      %reduce_min3A_98 = vector.multi_reduction <minimumf>, %select_n3A_96, %reduce_min3A_97 [0] : vector<16x2048xf32> to vector<2048xf32>
      %broadcast_in_dim3A_99 = vector.shape_cast %reduce_min3A_98 : vector<2048xf32> to vector<1x2048xf32>
      %mul3A_100 = arith.constant 1.00000095 : f32
      %mul3A_101 = vector.broadcast %mul3A_100 : f32 to vector<1x2048xf32>
      %mul3A_102 = arith.mulf %broadcast_in_dim3A_99, %mul3A_101 : vector<1x2048xf32>
      %add3A = arith.constant 1.000000e-03 : f32
      %add3A_103 = vector.broadcast %add3A : f32 to vector<1x2048xf32>
      %add3A_104 = arith.addf %mul3A_102, %add3A_103 : vector<1x2048xf32>
      %broadcast_in_dim3A_105 = vector.shape_cast %add3A_104 : vector<1x2048xf32> to vector<1x2048xf32>
      %broadcast_in_dim3A_106 = vector.broadcast %broadcast_in_dim3A_105 : vector<1x2048xf32> to vector<8x2048xf32>
      %swap3A_107 = arith.constant 0 : index
      %swap3A_108 = arith.constant 0 : index
      %swap3A_109 = vector.load %arg3[%swap3A_107, %swap3A_108] : memref<8x2048xf32, #tpu.memory_space<vmem>>, vector<8x2048xf32>
      tpu.vector_store %arg3[%swap3A_107, %swap3A_108], %broadcast_in_dim3A_106 {strides = array<i32>} : memref<8x2048xf32, #tpu.memory_space<vmem>>, vector<8x2048xf32>,
    } else {
    }
    return
  }
  func.func @transform_0(%arg0: i32) -> (i32, i32) {
    %c0_i32 = arith.constant 0 : i32
    %c0_i32_0 = arith.constant 0 : i32
    %c0_i32_1 = arith.constant 0 : i32
    return %c0_i32, %c0_i32_0 : i32, i32
  }
  func.func @transform_1(%arg0: i32) -> (i32, i32) {
    %c0_i32 = arith.constant 0 : i32
    %c0_i32_0 = arith.constant 0 : i32
    return %arg0, %c0_i32 : i32, i32
  }
  func.func @transform_2(%arg0: i32) -> (i32, i32) {
    %c0_i32 = arith.constant 0 : i32
    %c0_i32_0 = arith.constant 0 : i32
    %c0_i32_1 = arith.constant 0 : i32
    return %c0_i32, %c0_i32_0 : i32, i32
  }
}

module attributes {stable_mosaic.version = 14 : i64} {
  func.func @_lle_body(%arg0: i32, %arg1: memref<256x256xf32, #tpu.memory_space<vmem>>, %arg2: memref<256x2560xf32, #tpu.memory_space<vmem>>, %arg3: memref<256x256xf32, #tpu.memory_space<vmem>>) attributes {dimension_semantics = [#tpu.dimension_semantics<arbitrary>], iteration_bounds = array<i64: 8>, scalar_prefetch = 0 : i64, scratch_operands = 0 : i64, tpu.core_type = #tpu.core_type<tc>, window_params = [{transform_indices = @transform_0, window_bounds = array<i64: 256, 256>}, {transform_indices = @transform_1, window_bounds = array<i64: 256, 2560>}, {transform_indices = @transform_2, window_bounds = array<i64: 256, 256>}]} {
    %get3A = arith.constant 0 : index
    %get3A_0 = arith.constant 0 : index
    %get3A_1 = vector.load %arg1[%get3A, %get3A_0] : memref<256x256xf32, #tpu.memory_space<vmem>>, vector<256x256xf32>
    %get3A_2 = arith.constant 0 : index
    %get3A_3 = arith.constant 0 : index
    %get3A_4 = vector.load %arg2[%get3A_2, %get3A_3] : memref<256x2560xf32, #tpu.memory_space<vmem>>, vector<256x256xf32>
    %get3A_5 = arith.constant 0 : index
    %get3A_6 = arith.constant 256 : index
    %get3A_7 = vector.load %arg2[%get3A_5, %get3A_6] : memref<256x2560xf32, #tpu.memory_space<vmem>>, vector<256x256xf32>
    %get3A_8 = arith.constant 0 : index
    %get3A_9 = arith.constant 512 : index
    %get3A_10 = vector.load %arg2[%get3A_8, %get3A_9] : memref<256x2560xf32, #tpu.memory_space<vmem>>, vector<256x256xf32>
    %get3A_11 = arith.constant 0 : index
    %get3A_12 = arith.constant 768 : index
    %get3A_13 = vector.load %arg2[%get3A_11, %get3A_12] : memref<256x2560xf32, #tpu.memory_space<vmem>>, vector<256x256xf32>
    %get3A_14 = arith.constant 0 : index
    %get3A_15 = arith.constant 1024 : index
    %get3A_16 = vector.load %arg2[%get3A_14, %get3A_15] : memref<256x2560xf32, #tpu.memory_space<vmem>>, vector<256x256xf32>
    %get3A_17 = arith.constant 0 : index
    %get3A_18 = arith.constant 1280 : index
    %get3A_19 = vector.load %arg2[%get3A_17, %get3A_18] : memref<256x2560xf32, #tpu.memory_space<vmem>>, vector<256x256xf32>
    %get3A_20 = arith.constant 0 : index
    %get3A_21 = arith.constant 1536 : index
    %get3A_22 = vector.load %arg2[%get3A_20, %get3A_21] : memref<256x2560xf32, #tpu.memory_space<vmem>>, vector<256x256xf32>
    %get3A_23 = arith.constant 0 : index
    %get3A_24 = arith.constant 1792 : index
    %get3A_25 = vector.load %arg2[%get3A_23, %get3A_24] : memref<256x2560xf32, #tpu.memory_space<vmem>>, vector<256x256xf32>
    %get3A_26 = arith.constant 0 : index
    %get3A_27 = arith.constant 2048 : index
    %get3A_28 = vector.load %arg2[%get3A_26, %get3A_27] : memref<256x2560xf32, #tpu.memory_space<vmem>>, vector<256x256xf32>
    %get3A_29 = arith.constant 0 : index
    %get3A_30 = arith.constant 2304 : index
    %get3A_31 = vector.load %arg2[%get3A_29, %get3A_30] : memref<256x2560xf32, #tpu.memory_space<vmem>>, vector<256x256xf32>
    %sub3A = arith.subf %get3A_7, %get3A_4 : vector<256x256xf32>
    %sub3A_32 = arith.subf %get3A_10, %get3A_4 : vector<256x256xf32>
    %sub3A_33 = arith.subf %get3A_13, %get3A_4 : vector<256x256xf32>
    %sub3A_34 = arith.subf %get3A_16, %get3A_4 : vector<256x256xf32>
    %sub3A_35 = arith.subf %get3A_19, %get3A_4 : vector<256x256xf32>
    %sub3A_36 = arith.subf %get3A_22, %get3A_4 : vector<256x256xf32>
    %sub3A_37 = arith.subf %get3A_25, %get3A_4 : vector<256x256xf32>
    %sub3A_38 = arith.subf %get3A_28, %get3A_4 : vector<256x256xf32>
    %sub3A_39 = arith.subf %get3A_31, %get3A_4 : vector<256x256xf32>
    %sub3A_40 = arith.subf %get3A_1, %get3A_4 : vector<256x256xf32>
    %mul3A = arith.mulf %sub3A, %sub3A : vector<256x256xf32>
    %reduce_sum3A = arith.constant dense<0.000000e+00> : vector<256xf32>
    %reduce_sum3A_41 = vector.multi_reduction <add>, %mul3A, %reduce_sum3A [1] : vector<256x256xf32> to vector<256xf32>
    %broadcast_in_dim3A = vector.shape_cast %reduce_sum3A_41 : vector<256xf32> to vector<256x1xf32>
    %mul3A_42 = arith.mulf %sub3A, %sub3A_32 : vector<256x256xf32>
    %reduce_sum3A_43 = arith.constant dense<0.000000e+00> : vector<256xf32>
    %reduce_sum3A_44 = vector.multi_reduction <add>, %mul3A_42, %reduce_sum3A_43 [1] : vector<256x256xf32> to vector<256xf32>
    %broadcast_in_dim3A_45 = vector.shape_cast %reduce_sum3A_44 : vector<256xf32> to vector<256x1xf32>
    %mul3A_46 = arith.mulf %sub3A, %sub3A_33 : vector<256x256xf32>
    %reduce_sum3A_47 = arith.constant dense<0.000000e+00> : vector<256xf32>
    %reduce_sum3A_48 = vector.multi_reduction <add>, %mul3A_46, %reduce_sum3A_47 [1] : vector<256x256xf32> to vector<256xf32>
    %broadcast_in_dim3A_49 = vector.shape_cast %reduce_sum3A_48 : vector<256xf32> to vector<256x1xf32>
    %mul3A_50 = arith.mulf %sub3A, %sub3A_34 : vector<256x256xf32>
    %reduce_sum3A_51 = arith.constant dense<0.000000e+00> : vector<256xf32>
    %reduce_sum3A_52 = vector.multi_reduction <add>, %mul3A_50, %reduce_sum3A_51 [1] : vector<256x256xf32> to vector<256xf32>
    %broadcast_in_dim3A_53 = vector.shape_cast %reduce_sum3A_52 : vector<256xf32> to vector<256x1xf32>
    %mul3A_54 = arith.mulf %sub3A, %sub3A_35 : vector<256x256xf32>
    %reduce_sum3A_55 = arith.constant dense<0.000000e+00> : vector<256xf32>
    %reduce_sum3A_56 = vector.multi_reduction <add>, %mul3A_54, %reduce_sum3A_55 [1] : vector<256x256xf32> to vector<256xf32>
    %broadcast_in_dim3A_57 = vector.shape_cast %reduce_sum3A_56 : vector<256xf32> to vector<256x1xf32>
    %mul3A_58 = arith.mulf %sub3A, %sub3A_36 : vector<256x256xf32>
    %reduce_sum3A_59 = arith.constant dense<0.000000e+00> : vector<256xf32>
    %reduce_sum3A_60 = vector.multi_reduction <add>, %mul3A_58, %reduce_sum3A_59 [1] : vector<256x256xf32> to vector<256xf32>
    %broadcast_in_dim3A_61 = vector.shape_cast %reduce_sum3A_60 : vector<256xf32> to vector<256x1xf32>
    %mul3A_62 = arith.mulf %sub3A, %sub3A_37 : vector<256x256xf32>
    %reduce_sum3A_63 = arith.constant dense<0.000000e+00> : vector<256xf32>
    %reduce_sum3A_64 = vector.multi_reduction <add>, %mul3A_62, %reduce_sum3A_63 [1] : vector<256x256xf32> to vector<256xf32>
    %broadcast_in_dim3A_65 = vector.shape_cast %reduce_sum3A_64 : vector<256xf32> to vector<256x1xf32>
    %mul3A_66 = arith.mulf %sub3A, %sub3A_38 : vector<256x256xf32>
    %reduce_sum3A_67 = arith.constant dense<0.000000e+00> : vector<256xf32>
    %reduce_sum3A_68 = vector.multi_reduction <add>, %mul3A_66, %reduce_sum3A_67 [1] : vector<256x256xf32> to vector<256xf32>
    %broadcast_in_dim3A_69 = vector.shape_cast %reduce_sum3A_68 : vector<256xf32> to vector<256x1xf32>
    %mul3A_70 = arith.mulf %sub3A, %sub3A_39 : vector<256x256xf32>
    %reduce_sum3A_71 = arith.constant dense<0.000000e+00> : vector<256xf32>
    %reduce_sum3A_72 = vector.multi_reduction <add>, %mul3A_70, %reduce_sum3A_71 [1] : vector<256x256xf32> to vector<256xf32>
    %broadcast_in_dim3A_73 = vector.shape_cast %reduce_sum3A_72 : vector<256xf32> to vector<256x1xf32>
    %mul3A_74 = arith.mulf %sub3A_32, %sub3A_32 : vector<256x256xf32>
    %reduce_sum3A_75 = arith.constant dense<0.000000e+00> : vector<256xf32>
    %reduce_sum3A_76 = vector.multi_reduction <add>, %mul3A_74, %reduce_sum3A_75 [1] : vector<256x256xf32> to vector<256xf32>
    %broadcast_in_dim3A_77 = vector.shape_cast %reduce_sum3A_76 : vector<256xf32> to vector<256x1xf32>
    %mul3A_78 = arith.mulf %sub3A_32, %sub3A_33 : vector<256x256xf32>
    %reduce_sum3A_79 = arith.constant dense<0.000000e+00> : vector<256xf32>
    %reduce_sum3A_80 = vector.multi_reduction <add>, %mul3A_78, %reduce_sum3A_79 [1] : vector<256x256xf32> to vector<256xf32>
    %broadcast_in_dim3A_81 = vector.shape_cast %reduce_sum3A_80 : vector<256xf32> to vector<256x1xf32>
    %mul3A_82 = arith.mulf %sub3A_32, %sub3A_34 : vector<256x256xf32>
    %reduce_sum3A_83 = arith.constant dense<0.000000e+00> : vector<256xf32>
    %reduce_sum3A_84 = vector.multi_reduction <add>, %mul3A_82, %reduce_sum3A_83 [1] : vector<256x256xf32> to vector<256xf32>
    %broadcast_in_dim3A_85 = vector.shape_cast %reduce_sum3A_84 : vector<256xf32> to vector<256x1xf32>
    %mul3A_86 = arith.mulf %sub3A_32, %sub3A_35 : vector<256x256xf32>
    %reduce_sum3A_87 = arith.constant dense<0.000000e+00> : vector<256xf32>
    %reduce_sum3A_88 = vector.multi_reduction <add>, %mul3A_86, %reduce_sum3A_87 [1] : vector<256x256xf32> to vector<256xf32>
    %broadcast_in_dim3A_89 = vector.shape_cast %reduce_sum3A_88 : vector<256xf32> to vector<256x1xf32>
    %mul3A_90 = arith.mulf %sub3A_32, %sub3A_36 : vector<256x256xf32>
    %reduce_sum3A_91 = arith.constant dense<0.000000e+00> : vector<256xf32>
    %reduce_sum3A_92 = vector.multi_reduction <add>, %mul3A_90, %reduce_sum3A_91 [1] : vector<256x256xf32> to vector<256xf32>
    %broadcast_in_dim3A_93 = vector.shape_cast %reduce_sum3A_92 : vector<256xf32> to vector<256x1xf32>
    %mul3A_94 = arith.mulf %sub3A_32, %sub3A_37 : vector<256x256xf32>
    %reduce_sum3A_95 = arith.constant dense<0.000000e+00> : vector<256xf32>
    %reduce_sum3A_96 = vector.multi_reduction <add>, %mul3A_94, %reduce_sum3A_95 [1] : vector<256x256xf32> to vector<256xf32>
    %broadcast_in_dim3A_97 = vector.shape_cast %reduce_sum3A_96 : vector<256xf32> to vector<256x1xf32>
    %mul3A_98 = arith.mulf %sub3A_32, %sub3A_38 : vector<256x256xf32>
    %reduce_sum3A_99 = arith.constant dense<0.000000e+00> : vector<256xf32>
    %reduce_sum3A_100 = vector.multi_reduction <add>, %mul3A_98, %reduce_sum3A_99 [1] : vector<256x256xf32> to vector<256xf32>
    %broadcast_in_dim3A_101 = vector.shape_cast %reduce_sum3A_100 : vector<256xf32> to vector<256x1xf32>
    %mul3A_102 = arith.mulf %sub3A_32, %sub3A_39 : vector<256x256xf32>
    %reduce_sum3A_103 = arith.constant dense<0.000000e+00> : vector<256xf32>
    %reduce_sum3A_104 = vector.multi_reduction <add>, %mul3A_102, %reduce_sum3A_103 [1] : vector<256x256xf32> to vector<256xf32>
    %broadcast_in_dim3A_105 = vector.shape_cast %reduce_sum3A_104 : vector<256xf32> to vector<256x1xf32>
    %mul3A_106 = arith.mulf %sub3A_33, %sub3A_33 : vector<256x256xf32>
    %reduce_sum3A_107 = arith.constant dense<0.000000e+00> : vector<256xf32>
    %reduce_sum3A_108 = vector.multi_reduction <add>, %mul3A_106, %reduce_sum3A_107 [1] : vector<256x256xf32> to vector<256xf32>
    %broadcast_in_dim3A_109 = vector.shape_cast %reduce_sum3A_108 : vector<256xf32> to vector<256x1xf32>
    %mul3A_110 = arith.mulf %sub3A_33, %sub3A_34 : vector<256x256xf32>
    %reduce_sum3A_111 = arith.constant dense<0.000000e+00> : vector<256xf32>
    %reduce_sum3A_112 = vector.multi_reduction <add>, %mul3A_110, %reduce_sum3A_111 [1] : vector<256x256xf32> to vector<256xf32>
    %broadcast_in_dim3A_113 = vector.shape_cast %reduce_sum3A_112 : vector<256xf32> to vector<256x1xf32>
    %mul3A_114 = arith.mulf %sub3A_33, %sub3A_35 : vector<256x256xf32>
    %reduce_sum3A_115 = arith.constant dense<0.000000e+00> : vector<256xf32>
    %reduce_sum3A_116 = vector.multi_reduction <add>, %mul3A_114, %reduce_sum3A_115 [1] : vector<256x256xf32> to vector<256xf32>
    %broadcast_in_dim3A_117 = vector.shape_cast %reduce_sum3A_116 : vector<256xf32> to vector<256x1xf32>
    %mul3A_118 = arith.mulf %sub3A_33, %sub3A_36 : vector<256x256xf32>
    %reduce_sum3A_119 = arith.constant dense<0.000000e+00> : vector<256xf32>
    %reduce_sum3A_120 = vector.multi_reduction <add>, %mul3A_118, %reduce_sum3A_119 [1] : vector<256x256xf32> to vector<256xf32>
    %broadcast_in_dim3A_121 = vector.shape_cast %reduce_sum3A_120 : vector<256xf32> to vector<256x1xf32>
    %mul3A_122 = arith.mulf %sub3A_33, %sub3A_37 : vector<256x256xf32>
    %reduce_sum3A_123 = arith.constant dense<0.000000e+00> : vector<256xf32>
    %reduce_sum3A_124 = vector.multi_reduction <add>, %mul3A_122, %reduce_sum3A_123 [1] : vector<256x256xf32> to vector<256xf32>
    %broadcast_in_dim3A_125 = vector.shape_cast %reduce_sum3A_124 : vector<256xf32> to vector<256x1xf32>
    %mul3A_126 = arith.mulf %sub3A_33, %sub3A_38 : vector<256x256xf32>
    %reduce_sum3A_127 = arith.constant dense<0.000000e+00> : vector<256xf32>
    %reduce_sum3A_128 = vector.multi_reduction <add>, %mul3A_126, %reduce_sum3A_127 [1] : vector<256x256xf32> to vector<256xf32>
    %broadcast_in_dim3A_129 = vector.shape_cast %reduce_sum3A_128 : vector<256xf32> to vector<256x1xf32>
    %mul3A_130 = arith.mulf %sub3A_33, %sub3A_39 : vector<256x256xf32>
    %reduce_sum3A_131 = arith.constant dense<0.000000e+00> : vector<256xf32>
    %reduce_sum3A_132 = vector.multi_reduction <add>, %mul3A_130, %reduce_sum3A_131 [1] : vector<256x256xf32> to vector<256xf32>
    %broadcast_in_dim3A_133 = vector.shape_cast %reduce_sum3A_132 : vector<256xf32> to vector<256x1xf32>
    %mul3A_134 = arith.mulf %sub3A_34, %sub3A_34 : vector<256x256xf32>
    %reduce_sum3A_135 = arith.constant dense<0.000000e+00> : vector<256xf32>
    %reduce_sum3A_136 = vector.multi_reduction <add>, %mul3A_134, %reduce_sum3A_135 [1] : vector<256x256xf32> to vector<256xf32>
    %broadcast_in_dim3A_137 = vector.shape_cast %reduce_sum3A_136 : vector<256xf32> to vector<256x1xf32>
    %mul3A_138 = arith.mulf %sub3A_34, %sub3A_35 : vector<256x256xf32>
    %reduce_sum3A_139 = arith.constant dense<0.000000e+00> : vector<256xf32>
    %reduce_sum3A_140 = vector.multi_reduction <add>, %mul3A_138, %reduce_sum3A_139 [1] : vector<256x256xf32> to vector<256xf32>
    %broadcast_in_dim3A_141 = vector.shape_cast %reduce_sum3A_140 : vector<256xf32> to vector<256x1xf32>
    %mul3A_142 = arith.mulf %sub3A_34, %sub3A_36 : vector<256x256xf32>
    %reduce_sum3A_143 = arith.constant dense<0.000000e+00> : vector<256xf32>
    %reduce_sum3A_144 = vector.multi_reduction <add>, %mul3A_142, %reduce_sum3A_143 [1] : vector<256x256xf32> to vector<256xf32>
    %broadcast_in_dim3A_145 = vector.shape_cast %reduce_sum3A_144 : vector<256xf32> to vector<256x1xf32>
    %mul3A_146 = arith.mulf %sub3A_34, %sub3A_37 : vector<256x256xf32>
    %reduce_sum3A_147 = arith.constant dense<0.000000e+00> : vector<256xf32>
    %reduce_sum3A_148 = vector.multi_reduction <add>, %mul3A_146, %reduce_sum3A_147 [1] : vector<256x256xf32> to vector<256xf32>
    %broadcast_in_dim3A_149 = vector.shape_cast %reduce_sum3A_148 : vector<256xf32> to vector<256x1xf32>
    %mul3A_150 = arith.mulf %sub3A_34, %sub3A_38 : vector<256x256xf32>
    %reduce_sum3A_151 = arith.constant dense<0.000000e+00> : vector<256xf32>
    %reduce_sum3A_152 = vector.multi_reduction <add>, %mul3A_150, %reduce_sum3A_151 [1] : vector<256x256xf32> to vector<256xf32>
    %broadcast_in_dim3A_153 = vector.shape_cast %reduce_sum3A_152 : vector<256xf32> to vector<256x1xf32>
    %mul3A_154 = arith.mulf %sub3A_34, %sub3A_39 : vector<256x256xf32>
    %reduce_sum3A_155 = arith.constant dense<0.000000e+00> : vector<256xf32>
    %reduce_sum3A_156 = vector.multi_reduction <add>, %mul3A_154, %reduce_sum3A_155 [1] : vector<256x256xf32> to vector<256xf32>
    %broadcast_in_dim3A_157 = vector.shape_cast %reduce_sum3A_156 : vector<256xf32> to vector<256x1xf32>
    %mul3A_158 = arith.mulf %sub3A_35, %sub3A_35 : vector<256x256xf32>
    %reduce_sum3A_159 = arith.constant dense<0.000000e+00> : vector<256xf32>
    %reduce_sum3A_160 = vector.multi_reduction <add>, %mul3A_158, %reduce_sum3A_159 [1] : vector<256x256xf32> to vector<256xf32>
    %broadcast_in_dim3A_161 = vector.shape_cast %reduce_sum3A_160 : vector<256xf32> to vector<256x1xf32>
    %mul3A_162 = arith.mulf %sub3A_35, %sub3A_36 : vector<256x256xf32>
    %reduce_sum3A_163 = arith.constant dense<0.000000e+00> : vector<256xf32>
    %reduce_sum3A_164 = vector.multi_reduction <add>, %mul3A_162, %reduce_sum3A_163 [1] : vector<256x256xf32> to vector<256xf32>
    %broadcast_in_dim3A_165 = vector.shape_cast %reduce_sum3A_164 : vector<256xf32> to vector<256x1xf32>
    %mul3A_166 = arith.mulf %sub3A_35, %sub3A_37 : vector<256x256xf32>
    %reduce_sum3A_167 = arith.constant dense<0.000000e+00> : vector<256xf32>
    %reduce_sum3A_168 = vector.multi_reduction <add>, %mul3A_166, %reduce_sum3A_167 [1] : vector<256x256xf32> to vector<256xf32>
    %broadcast_in_dim3A_169 = vector.shape_cast %reduce_sum3A_168 : vector<256xf32> to vector<256x1xf32>
    %mul3A_170 = arith.mulf %sub3A_35, %sub3A_38 : vector<256x256xf32>
    %reduce_sum3A_171 = arith.constant dense<0.000000e+00> : vector<256xf32>
    %reduce_sum3A_172 = vector.multi_reduction <add>, %mul3A_170, %reduce_sum3A_171 [1] : vector<256x256xf32> to vector<256xf32>
    %broadcast_in_dim3A_173 = vector.shape_cast %reduce_sum3A_172 : vector<256xf32> to vector<256x1xf32>
    %mul3A_174 = arith.mulf %sub3A_35, %sub3A_39 : vector<256x256xf32>
    %reduce_sum3A_175 = arith.constant dense<0.000000e+00> : vector<256xf32>
    %reduce_sum3A_176 = vector.multi_reduction <add>, %mul3A_174, %reduce_sum3A_175 [1] : vector<256x256xf32> to vector<256xf32>
    %broadcast_in_dim3A_177 = vector.shape_cast %reduce_sum3A_176 : vector<256xf32> to vector<256x1xf32>
    %mul3A_178 = arith.mulf %sub3A_36, %sub3A_36 : vector<256x256xf32>
    %reduce_sum3A_179 = arith.constant dense<0.000000e+00> : vector<256xf32>
    %reduce_sum3A_180 = vector.multi_reduction <add>, %mul3A_178, %reduce_sum3A_179 [1] : vector<256x256xf32> to vector<256xf32>
    %broadcast_in_dim3A_181 = vector.shape_cast %reduce_sum3A_180 : vector<256xf32> to vector<256x1xf32>
    %mul3A_182 = arith.mulf %sub3A_36, %sub3A_37 : vector<256x256xf32>
    %reduce_sum3A_183 = arith.constant dense<0.000000e+00> : vector<256xf32>
    %reduce_sum3A_184 = vector.multi_reduction <add>, %mul3A_182, %reduce_sum3A_183 [1] : vector<256x256xf32> to vector<256xf32>
    %broadcast_in_dim3A_185 = vector.shape_cast %reduce_sum3A_184 : vector<256xf32> to vector<256x1xf32>
    %mul3A_186 = arith.mulf %sub3A_36, %sub3A_38 : vector<256x256xf32>
    %reduce_sum3A_187 = arith.constant dense<0.000000e+00> : vector<256xf32>
    %reduce_sum3A_188 = vector.multi_reduction <add>, %mul3A_186, %reduce_sum3A_187 [1] : vector<256x256xf32> to vector<256xf32>
    %broadcast_in_dim3A_189 = vector.shape_cast %reduce_sum3A_188 : vector<256xf32> to vector<256x1xf32>
    %mul3A_190 = arith.mulf %sub3A_36, %sub3A_39 : vector<256x256xf32>
    %reduce_sum3A_191 = arith.constant dense<0.000000e+00> : vector<256xf32>
    %reduce_sum3A_192 = vector.multi_reduction <add>, %mul3A_190, %reduce_sum3A_191 [1] : vector<256x256xf32> to vector<256xf32>
    %broadcast_in_dim3A_193 = vector.shape_cast %reduce_sum3A_192 : vector<256xf32> to vector<256x1xf32>
    %mul3A_194 = arith.mulf %sub3A_37, %sub3A_37 : vector<256x256xf32>
    %reduce_sum3A_195 = arith.constant dense<0.000000e+00> : vector<256xf32>
    %reduce_sum3A_196 = vector.multi_reduction <add>, %mul3A_194, %reduce_sum3A_195 [1] : vector<256x256xf32> to vector<256xf32>
    %broadcast_in_dim3A_197 = vector.shape_cast %reduce_sum3A_196 : vector<256xf32> to vector<256x1xf32>
    %mul3A_198 = arith.mulf %sub3A_37, %sub3A_38 : vector<256x256xf32>
    %reduce_sum3A_199 = arith.constant dense<0.000000e+00> : vector<256xf32>
    %reduce_sum3A_200 = vector.multi_reduction <add>, %mul3A_198, %reduce_sum3A_199 [1] : vector<256x256xf32> to vector<256xf32>
    %broadcast_in_dim3A_201 = vector.shape_cast %reduce_sum3A_200 : vector<256xf32> to vector<256x1xf32>
    %mul3A_202 = arith.mulf %sub3A_37, %sub3A_39 : vector<256x256xf32>
    %reduce_sum3A_203 = arith.constant dense<0.000000e+00> : vector<256xf32>
    %reduce_sum3A_204 = vector.multi_reduction <add>, %mul3A_202, %reduce_sum3A_203 [1] : vector<256x256xf32> to vector<256xf32>
    %broadcast_in_dim3A_205 = vector.shape_cast %reduce_sum3A_204 : vector<256xf32> to vector<256x1xf32>
    %mul3A_206 = arith.mulf %sub3A_38, %sub3A_38 : vector<256x256xf32>
    %reduce_sum3A_207 = arith.constant dense<0.000000e+00> : vector<256xf32>
    %reduce_sum3A_208 = vector.multi_reduction <add>, %mul3A_206, %reduce_sum3A_207 [1] : vector<256x256xf32> to vector<256xf32>
    %broadcast_in_dim3A_209 = vector.shape_cast %reduce_sum3A_208 : vector<256xf32> to vector<256x1xf32>
    %mul3A_210 = arith.mulf %sub3A_38, %sub3A_39 : vector<256x256xf32>
    %reduce_sum3A_211 = arith.constant dense<0.000000e+00> : vector<256xf32>
    %reduce_sum3A_212 = vector.multi_reduction <add>, %mul3A_210, %reduce_sum3A_211 [1] : vector<256x256xf32> to vector<256xf32>
    %broadcast_in_dim3A_213 = vector.shape_cast %reduce_sum3A_212 : vector<256xf32> to vector<256x1xf32>
    %mul3A_214 = arith.mulf %sub3A_39, %sub3A_39 : vector<256x256xf32>
    %reduce_sum3A_215 = arith.constant dense<0.000000e+00> : vector<256xf32>
    %reduce_sum3A_216 = vector.multi_reduction <add>, %mul3A_214, %reduce_sum3A_215 [1] : vector<256x256xf32> to vector<256xf32>
    %broadcast_in_dim3A_217 = vector.shape_cast %reduce_sum3A_216 : vector<256xf32> to vector<256x1xf32>
    %mul3A_218 = arith.mulf %sub3A, %sub3A_40 : vector<256x256xf32>
    %reduce_sum3A_219 = arith.constant dense<0.000000e+00> : vector<256xf32>
    %reduce_sum3A_220 = vector.multi_reduction <add>, %mul3A_218, %reduce_sum3A_219 [1] : vector<256x256xf32> to vector<256xf32>
    %broadcast_in_dim3A_221 = vector.shape_cast %reduce_sum3A_220 : vector<256xf32> to vector<256x1xf32>
    %mul3A_222 = arith.mulf %sub3A_32, %sub3A_40 : vector<256x256xf32>
    %reduce_sum3A_223 = arith.constant dense<0.000000e+00> : vector<256xf32>
    %reduce_sum3A_224 = vector.multi_reduction <add>, %mul3A_222, %reduce_sum3A_223 [1] : vector<256x256xf32> to vector<256xf32>
    %broadcast_in_dim3A_225 = vector.shape_cast %reduce_sum3A_224 : vector<256xf32> to vector<256x1xf32>
    %mul3A_226 = arith.mulf %sub3A_33, %sub3A_40 : vector<256x256xf32>
    %reduce_sum3A_227 = arith.constant dense<0.000000e+00> : vector<256xf32>
    %reduce_sum3A_228 = vector.multi_reduction <add>, %mul3A_226, %reduce_sum3A_227 [1] : vector<256x256xf32> to vector<256xf32>
    %broadcast_in_dim3A_229 = vector.shape_cast %reduce_sum3A_228 : vector<256xf32> to vector<256x1xf32>
    %mul3A_230 = arith.mulf %sub3A_34, %sub3A_40 : vector<256x256xf32>
    %reduce_sum3A_231 = arith.constant dense<0.000000e+00> : vector<256xf32>
    %reduce_sum3A_232 = vector.multi_reduction <add>, %mul3A_230, %reduce_sum3A_231 [1] : vector<256x256xf32> to vector<256xf32>
    %broadcast_in_dim3A_233 = vector.shape_cast %reduce_sum3A_232 : vector<256xf32> to vector<256x1xf32>
    %mul3A_234 = arith.mulf %sub3A_35, %sub3A_40 : vector<256x256xf32>
    %reduce_sum3A_235 = arith.constant dense<0.000000e+00> : vector<256xf32>
    %reduce_sum3A_236 = vector.multi_reduction <add>, %mul3A_234, %reduce_sum3A_235 [1] : vector<256x256xf32> to vector<256xf32>
    %broadcast_in_dim3A_237 = vector.shape_cast %reduce_sum3A_236 : vector<256xf32> to vector<256x1xf32>
    %mul3A_238 = arith.mulf %sub3A_36, %sub3A_40 : vector<256x256xf32>
    %reduce_sum3A_239 = arith.constant dense<0.000000e+00> : vector<256xf32>
    %reduce_sum3A_240 = vector.multi_reduction <add>, %mul3A_238, %reduce_sum3A_239 [1] : vector<256x256xf32> to vector<256xf32>
    %broadcast_in_dim3A_241 = vector.shape_cast %reduce_sum3A_240 : vector<256xf32> to vector<256x1xf32>
    %mul3A_242 = arith.mulf %sub3A_37, %sub3A_40 : vector<256x256xf32>
    %reduce_sum3A_243 = arith.constant dense<0.000000e+00> : vector<256xf32>
    %reduce_sum3A_244 = vector.multi_reduction <add>, %mul3A_242, %reduce_sum3A_243 [1] : vector<256x256xf32> to vector<256xf32>
    %broadcast_in_dim3A_245 = vector.shape_cast %reduce_sum3A_244 : vector<256xf32> to vector<256x1xf32>
    %mul3A_246 = arith.mulf %sub3A_38, %sub3A_40 : vector<256x256xf32>
    %reduce_sum3A_247 = arith.constant dense<0.000000e+00> : vector<256xf32>
    %reduce_sum3A_248 = vector.multi_reduction <add>, %mul3A_246, %reduce_sum3A_247 [1] : vector<256x256xf32> to vector<256xf32>
    %broadcast_in_dim3A_249 = vector.shape_cast %reduce_sum3A_248 : vector<256xf32> to vector<256x1xf32>
    %mul3A_250 = arith.mulf %sub3A_39, %sub3A_40 : vector<256x256xf32>
    %reduce_sum3A_251 = arith.constant dense<0.000000e+00> : vector<256xf32>
    %reduce_sum3A_252 = vector.multi_reduction <add>, %mul3A_250, %reduce_sum3A_251 [1] : vector<256x256xf32> to vector<256xf32>
    %broadcast_in_dim3A_253 = vector.shape_cast %reduce_sum3A_252 : vector<256xf32> to vector<256x1xf32>
    %div3A = arith.constant 1.000000e+00 : f32
    %div3A_254 = vector.broadcast %div3A : f32 to vector<256x1xf32>
    %div3A_255 = arith.divf %div3A_254, %broadcast_in_dim3A : vector<256x1xf32>
    %mul3A_256 = arith.mulf %broadcast_in_dim3A_45, %div3A_255 : vector<256x1xf32>
    %mul3A_257 = arith.mulf %mul3A_256, %broadcast_in_dim3A_45 : vector<256x1xf32>
    %sub3A_258 = arith.subf %broadcast_in_dim3A_77, %mul3A_257 : vector<256x1xf32>
    %mul3A_259 = arith.mulf %mul3A_256, %broadcast_in_dim3A_49 : vector<256x1xf32>
    %sub3A_260 = arith.subf %broadcast_in_dim3A_81, %mul3A_259 : vector<256x1xf32>
    %mul3A_261 = arith.mulf %mul3A_256, %broadcast_in_dim3A_53 : vector<256x1xf32>
    %sub3A_262 = arith.subf %broadcast_in_dim3A_85, %mul3A_261 : vector<256x1xf32>
    %mul3A_263 = arith.mulf %mul3A_256, %broadcast_in_dim3A_57 : vector<256x1xf32>
    %sub3A_264 = arith.subf %broadcast_in_dim3A_89, %mul3A_263 : vector<256x1xf32>
    %mul3A_265 = arith.mulf %mul3A_256, %broadcast_in_dim3A_61 : vector<256x1xf32>
    %sub3A_266 = arith.subf %broadcast_in_dim3A_93, %mul3A_265 : vector<256x1xf32>
    %mul3A_267 = arith.mulf %mul3A_256, %broadcast_in_dim3A_65 : vector<256x1xf32>
    %sub3A_268 = arith.subf %broadcast_in_dim3A_97, %mul3A_267 : vector<256x1xf32>
    %mul3A_269 = arith.mulf %mul3A_256, %broadcast_in_dim3A_69 : vector<256x1xf32>
    %sub3A_270 = arith.subf %broadcast_in_dim3A_101, %mul3A_269 : vector<256x1xf32>
    %mul3A_271 = arith.mulf %mul3A_256, %broadcast_in_dim3A_73 : vector<256x1xf32>
    %sub3A_272 = arith.subf %broadcast_in_dim3A_105, %mul3A_271 : vector<256x1xf32>
    %mul3A_273 = arith.mulf %mul3A_256, %broadcast_in_dim3A_221 : vector<256x1xf32>
    %sub3A_274 = arith.subf %broadcast_in_dim3A_225, %mul3A_273 : vector<256x1xf32>
    %mul3A_275 = arith.mulf %broadcast_in_dim3A_49, %div3A_255 : vector<256x1xf32>
    %mul3A_276 = arith.mulf %mul3A_275, %broadcast_in_dim3A_45 : vector<256x1xf32>
    %sub3A_277 = arith.subf %broadcast_in_dim3A_81, %mul3A_276 : vector<256x1xf32>
    %mul3A_278 = arith.mulf %mul3A_275, %broadcast_in_dim3A_49 : vector<256x1xf32>
    %sub3A_279 = arith.subf %broadcast_in_dim3A_109, %mul3A_278 : vector<256x1xf32>
    %mul3A_280 = arith.mulf %mul3A_275, %broadcast_in_dim3A_53 : vector<256x1xf32>
    %sub3A_281 = arith.subf %broadcast_in_dim3A_113, %mul3A_280 : vector<256x1xf32>
    %mul3A_282 = arith.mulf %mul3A_275, %broadcast_in_dim3A_57 : vector<256x1xf32>
    %sub3A_283 = arith.subf %broadcast_in_dim3A_117, %mul3A_282 : vector<256x1xf32>
    %mul3A_284 = arith.mulf %mul3A_275, %broadcast_in_dim3A_61 : vector<256x1xf32>
    %sub3A_285 = arith.subf %broadcast_in_dim3A_121, %mul3A_284 : vector<256x1xf32>
    %mul3A_286 = arith.mulf %mul3A_275, %broadcast_in_dim3A_65 : vector<256x1xf32>
    %sub3A_287 = arith.subf %broadcast_in_dim3A_125, %mul3A_286 : vector<256x1xf32>
    %mul3A_288 = arith.mulf %mul3A_275, %broadcast_in_dim3A_69 : vector<256x1xf32>
    %sub3A_289 = arith.subf %broadcast_in_dim3A_129, %mul3A_288 : vector<256x1xf32>
    %mul3A_290 = arith.mulf %mul3A_275, %broadcast_in_dim3A_73 : vector<256x1xf32>
    %sub3A_291 = arith.subf %broadcast_in_dim3A_133, %mul3A_290 : vector<256x1xf32>
    %mul3A_292 = arith.mulf %mul3A_275, %broadcast_in_dim3A_221 : vector<256x1xf32>
    %sub3A_293 = arith.subf %broadcast_in_dim3A_229, %mul3A_292 : vector<256x1xf32>
    %mul3A_294 = arith.mulf %broadcast_in_dim3A_53, %div3A_255 : vector<256x1xf32>
    %mul3A_295 = arith.mulf %mul3A_294, %broadcast_in_dim3A_45 : vector<256x1xf32>
    %sub3A_296 = arith.subf %broadcast_in_dim3A_85, %mul3A_295 : vector<256x1xf32>
    %mul3A_297 = arith.mulf %mul3A_294, %broadcast_in_dim3A_49 : vector<256x1xf32>
    %sub3A_298 = arith.subf %broadcast_in_dim3A_113, %mul3A_297 : vector<256x1xf32>
    %mul3A_299 = arith.mulf %mul3A_294, %broadcast_in_dim3A_53 : vector<256x1xf32>
    %sub3A_300 = arith.subf %broadcast_in_dim3A_137, %mul3A_299 : vector<256x1xf32>
    %mul3A_301 = arith.mulf %mul3A_294, %broadcast_in_dim3A_57 : vector<256x1xf32>
    %sub3A_302 = arith.subf %broadcast_in_dim3A_141, %mul3A_301 : vector<256x1xf32>
    %mul3A_303 = arith.mulf %mul3A_294, %broadcast_in_dim3A_61 : vector<256x1xf32>
    %sub3A_304 = arith.subf %broadcast_in_dim3A_145, %mul3A_303 : vector<256x1xf32>
    %mul3A_305 = arith.mulf %mul3A_294, %broadcast_in_dim3A_65 : vector<256x1xf32>
    %sub3A_306 = arith.subf %broadcast_in_dim3A_149, %mul3A_305 : vector<256x1xf32>
    %mul3A_307 = arith.mulf %mul3A_294, %broadcast_in_dim3A_69 : vector<256x1xf32>
    %sub3A_308 = arith.subf %broadcast_in_dim3A_153, %mul3A_307 : vector<256x1xf32>
    %mul3A_309 = arith.mulf %mul3A_294, %broadcast_in_dim3A_73 : vector<256x1xf32>
    %sub3A_310 = arith.subf %broadcast_in_dim3A_157, %mul3A_309 : vector<256x1xf32>
    %mul3A_311 = arith.mulf %mul3A_294, %broadcast_in_dim3A_221 : vector<256x1xf32>
    %sub3A_312 = arith.subf %broadcast_in_dim3A_233, %mul3A_311 : vector<256x1xf32>
    %mul3A_313 = arith.mulf %broadcast_in_dim3A_57, %div3A_255 : vector<256x1xf32>
    %mul3A_314 = arith.mulf %mul3A_313, %broadcast_in_dim3A_45 : vector<256x1xf32>
    %sub3A_315 = arith.subf %broadcast_in_dim3A_89, %mul3A_314 : vector<256x1xf32>
    %mul3A_316 = arith.mulf %mul3A_313, %broadcast_in_dim3A_49 : vector<256x1xf32>
    %sub3A_317 = arith.subf %broadcast_in_dim3A_117, %mul3A_316 : vector<256x1xf32>
    %mul3A_318 = arith.mulf %mul3A_313, %broadcast_in_dim3A_53 : vector<256x1xf32>
    %sub3A_319 = arith.subf %broadcast_in_dim3A_141, %mul3A_318 : vector<256x1xf32>
    %mul3A_320 = arith.mulf %mul3A_313, %broadcast_in_dim3A_57 : vector<256x1xf32>
    %sub3A_321 = arith.subf %broadcast_in_dim3A_161, %mul3A_320 : vector<256x1xf32>
    %mul3A_322 = arith.mulf %mul3A_313, %broadcast_in_dim3A_61 : vector<256x1xf32>
    %sub3A_323 = arith.subf %broadcast_in_dim3A_165, %mul3A_322 : vector<256x1xf32>
    %mul3A_324 = arith.mulf %mul3A_313, %broadcast_in_dim3A_65 : vector<256x1xf32>
    %sub3A_325 = arith.subf %broadcast_in_dim3A_169, %mul3A_324 : vector<256x1xf32>
    %mul3A_326 = arith.mulf %mul3A_313, %broadcast_in_dim3A_69 : vector<256x1xf32>
    %sub3A_327 = arith.subf %broadcast_in_dim3A_173, %mul3A_326 : vector<256x1xf32>
    %mul3A_328 = arith.mulf %mul3A_313, %broadcast_in_dim3A_73 : vector<256x1xf32>
    %sub3A_329 = arith.subf %broadcast_in_dim3A_177, %mul3A_328 : vector<256x1xf32>
    %mul3A_330 = arith.mulf %mul3A_313, %broadcast_in_dim3A_221 : vector<256x1xf32>
    %sub3A_331 = arith.subf %broadcast_in_dim3A_237, %mul3A_330 : vector<256x1xf32>
    %mul3A_332 = arith.mulf %broadcast_in_dim3A_61, %div3A_255 : vector<256x1xf32>
    %mul3A_333 = arith.mulf %mul3A_332, %broadcast_in_dim3A_45 : vector<256x1xf32>
    %sub3A_334 = arith.subf %broadcast_in_dim3A_93, %mul3A_333 : vector<256x1xf32>
    %mul3A_335 = arith.mulf %mul3A_332, %broadcast_in_dim3A_49 : vector<256x1xf32>
    %sub3A_336 = arith.subf %broadcast_in_dim3A_121, %mul3A_335 : vector<256x1xf32>
    %mul3A_337 = arith.mulf %mul3A_332, %broadcast_in_dim3A_53 : vector<256x1xf32>
    %sub3A_338 = arith.subf %broadcast_in_dim3A_145, %mul3A_337 : vector<256x1xf32>
    %mul3A_339 = arith.mulf %mul3A_332, %broadcast_in_dim3A_57 : vector<256x1xf32>
    %sub3A_340 = arith.subf %broadcast_in_dim3A_165, %mul3A_339 : vector<256x1xf32>
    %mul3A_341 = arith.mulf %mul3A_332, %broadcast_in_dim3A_61 : vector<256x1xf32>
    %sub3A_342 = arith.subf %broadcast_in_dim3A_181, %mul3A_341 : vector<256x1xf32>
    %mul3A_343 = arith.mulf %mul3A_332, %broadcast_in_dim3A_65 : vector<256x1xf32>
    %sub3A_344 = arith.subf %broadcast_in_dim3A_185, %mul3A_343 : vector<256x1xf32>
    %mul3A_345 = arith.mulf %mul3A_332, %broadcast_in_dim3A_69 : vector<256x1xf32>
    %sub3A_346 = arith.subf %broadcast_in_dim3A_189, %mul3A_345 : vector<256x1xf32>
    %mul3A_347 = arith.mulf %mul3A_332, %broadcast_in_dim3A_73 : vector<256x1xf32>
    %sub3A_348 = arith.subf %broadcast_in_dim3A_193, %mul3A_347 : vector<256x1xf32>
    %mul3A_349 = arith.mulf %mul3A_332, %broadcast_in_dim3A_221 : vector<256x1xf32>
    %sub3A_350 = arith.subf %broadcast_in_dim3A_241, %mul3A_349 : vector<256x1xf32>
    %mul3A_351 = arith.mulf %broadcast_in_dim3A_65, %div3A_255 : vector<256x1xf32>
    %mul3A_352 = arith.mulf %mul3A_351, %broadcast_in_dim3A_45 : vector<256x1xf32>
    %sub3A_353 = arith.subf %broadcast_in_dim3A_97, %mul3A_352 : vector<256x1xf32>
    %mul3A_354 = arith.mulf %mul3A_351, %broadcast_in_dim3A_49 : vector<256x1xf32>
    %sub3A_355 = arith.subf %broadcast_in_dim3A_125, %mul3A_354 : vector<256x1xf32>
    %mul3A_356 = arith.mulf %mul3A_351, %broadcast_in_dim3A_53 : vector<256x1xf32>
    %sub3A_357 = arith.subf %broadcast_in_dim3A_149, %mul3A_356 : vector<256x1xf32>
    %mul3A_358 = arith.mulf %mul3A_351, %broadcast_in_dim3A_57 : vector<256x1xf32>
    %sub3A_359 = arith.subf %broadcast_in_dim3A_169, %mul3A_358 : vector<256x1xf32>
    %mul3A_360 = arith.mulf %mul3A_351, %broadcast_in_dim3A_61 : vector<256x1xf32>
    %sub3A_361 = arith.subf %broadcast_in_dim3A_185, %mul3A_360 : vector<256x1xf32>
    %mul3A_362 = arith.mulf %mul3A_351, %broadcast_in_dim3A_65 : vector<256x1xf32>
    %sub3A_363 = arith.subf %broadcast_in_dim3A_197, %mul3A_362 : vector<256x1xf32>
    %mul3A_364 = arith.mulf %mul3A_351, %broadcast_in_dim3A_69 : vector<256x1xf32>
    %sub3A_365 = arith.subf %broadcast_in_dim3A_201, %mul3A_364 : vector<256x1xf32>
    %mul3A_366 = arith.mulf %mul3A_351, %broadcast_in_dim3A_73 : vector<256x1xf32>
    %sub3A_367 = arith.subf %broadcast_in_dim3A_205, %mul3A_366 : vector<256x1xf32>
    %mul3A_368 = arith.mulf %mul3A_351, %broadcast_in_dim3A_221 : vector<256x1xf32>
    %sub3A_369 = arith.subf %broadcast_in_dim3A_245, %mul3A_368 : vector<256x1xf32>
    %mul3A_370 = arith.mulf %broadcast_in_dim3A_69, %div3A_255 : vector<256x1xf32>
    %mul3A_371 = arith.mulf %mul3A_370, %broadcast_in_dim3A_45 : vector<256x1xf32>
    %sub3A_372 = arith.subf %broadcast_in_dim3A_101, %mul3A_371 : vector<256x1xf32>
    %mul3A_373 = arith.mulf %mul3A_370, %broadcast_in_dim3A_49 : vector<256x1xf32>
    %sub3A_374 = arith.subf %broadcast_in_dim3A_129, %mul3A_373 : vector<256x1xf32>
    %mul3A_375 = arith.mulf %mul3A_370, %broadcast_in_dim3A_53 : vector<256x1xf32>
    %sub3A_376 = arith.subf %broadcast_in_dim3A_153, %mul3A_375 : vector<256x1xf32>
    %mul3A_377 = arith.mulf %mul3A_370, %broadcast_in_dim3A_57 : vector<256x1xf32>
    %sub3A_378 = arith.subf %broadcast_in_dim3A_173, %mul3A_377 : vector<256x1xf32>
    %mul3A_379 = arith.mulf %mul3A_370, %broadcast_in_dim3A_61 : vector<256x1xf32>
    %sub3A_380 = arith.subf %broadcast_in_dim3A_189, %mul3A_379 : vector<256x1xf32>
    %mul3A_381 = arith.mulf %mul3A_370, %broadcast_in_dim3A_65 : vector<256x1xf32>
    %sub3A_382 = arith.subf %broadcast_in_dim3A_201, %mul3A_381 : vector<256x1xf32>
    %mul3A_383 = arith.mulf %mul3A_370, %broadcast_in_dim3A_69 : vector<256x1xf32>
    %sub3A_384 = arith.subf %broadcast_in_dim3A_209, %mul3A_383 : vector<256x1xf32>
    %mul3A_385 = arith.mulf %mul3A_370, %broadcast_in_dim3A_73 : vector<256x1xf32>
    %sub3A_386 = arith.subf %broadcast_in_dim3A_213, %mul3A_385 : vector<256x1xf32>
    %mul3A_387 = arith.mulf %mul3A_370, %broadcast_in_dim3A_221 : vector<256x1xf32>
    %sub3A_388 = arith.subf %broadcast_in_dim3A_249, %mul3A_387 : vector<256x1xf32>
    %mul3A_389 = arith.mulf %broadcast_in_dim3A_73, %div3A_255 : vector<256x1xf32>
    %mul3A_390 = arith.mulf %mul3A_389, %broadcast_in_dim3A_45 : vector<256x1xf32>
    %sub3A_391 = arith.subf %broadcast_in_dim3A_105, %mul3A_390 : vector<256x1xf32>
    %mul3A_392 = arith.mulf %mul3A_389, %broadcast_in_dim3A_49 : vector<256x1xf32>
    %sub3A_393 = arith.subf %broadcast_in_dim3A_133, %mul3A_392 : vector<256x1xf32>
    %mul3A_394 = arith.mulf %mul3A_389, %broadcast_in_dim3A_53 : vector<256x1xf32>
    %sub3A_395 = arith.subf %broadcast_in_dim3A_157, %mul3A_394 : vector<256x1xf32>
    %mul3A_396 = arith.mulf %mul3A_389, %broadcast_in_dim3A_57 : vector<256x1xf32>
    %sub3A_397 = arith.subf %broadcast_in_dim3A_177, %mul3A_396 : vector<256x1xf32>
    %mul3A_398 = arith.mulf %mul3A_389, %broadcast_in_dim3A_61 : vector<256x1xf32>
    %sub3A_399 = arith.subf %broadcast_in_dim3A_193, %mul3A_398 : vector<256x1xf32>
    %mul3A_400 = arith.mulf %mul3A_389, %broadcast_in_dim3A_65 : vector<256x1xf32>
    %sub3A_401 = arith.subf %broadcast_in_dim3A_205, %mul3A_400 : vector<256x1xf32>
    %mul3A_402 = arith.mulf %mul3A_389, %broadcast_in_dim3A_69 : vector<256x1xf32>
    %sub3A_403 = arith.subf %broadcast_in_dim3A_213, %mul3A_402 : vector<256x1xf32>
    %mul3A_404 = arith.mulf %mul3A_389, %broadcast_in_dim3A_73 : vector<256x1xf32>
    %sub3A_405 = arith.subf %broadcast_in_dim3A_217, %mul3A_404 : vector<256x1xf32>
    %mul3A_406 = arith.mulf %mul3A_389, %broadcast_in_dim3A_221 : vector<256x1xf32>
    %sub3A_407 = arith.subf %broadcast_in_dim3A_253, %mul3A_406 : vector<256x1xf32>
    %div3A_408 = arith.constant 1.000000e+00 : f32
    %div3A_409 = vector.broadcast %div3A_408 : f32 to vector<256x1xf32>
    %div3A_410 = arith.divf %div3A_409, %sub3A_258 : vector<256x1xf32>
    %mul3A_411 = arith.mulf %broadcast_in_dim3A_45, %div3A_410 : vector<256x1xf32>
    %mul3A_412 = arith.mulf %mul3A_411, %sub3A_260 : vector<256x1xf32>
    %sub3A_413 = arith.subf %broadcast_in_dim3A_49, %mul3A_412 : vector<256x1xf32>
    %mul3A_414 = arith.mulf %mul3A_411, %sub3A_262 : vector<256x1xf32>
    %sub3A_415 = arith.subf %broadcast_in_dim3A_53, %mul3A_414 : vector<256x1xf32>
    %mul3A_416 = arith.mulf %mul3A_411, %sub3A_264 : vector<256x1xf32>
    %sub3A_417 = arith.subf %broadcast_in_dim3A_57, %mul3A_416 : vector<256x1xf32>
    %mul3A_418 = arith.mulf %mul3A_411, %sub3A_266 : vector<256x1xf32>
    %sub3A_419 = arith.subf %broadcast_in_dim3A_61, %mul3A_418 : vector<256x1xf32>
    %mul3A_420 = arith.mulf %mul3A_411, %sub3A_268 : vector<256x1xf32>
    %sub3A_421 = arith.subf %broadcast_in_dim3A_65, %mul3A_420 : vector<256x1xf32>
    %mul3A_422 = arith.mulf %mul3A_411, %sub3A_270 : vector<256x1xf32>
    %sub3A_423 = arith.subf %broadcast_in_dim3A_69, %mul3A_422 : vector<256x1xf32>
    %mul3A_424 = arith.mulf %mul3A_411, %sub3A_272 : vector<256x1xf32>
    %sub3A_425 = arith.subf %broadcast_in_dim3A_73, %mul3A_424 : vector<256x1xf32>
    %mul3A_426 = arith.mulf %mul3A_411, %sub3A_274 : vector<256x1xf32>
    %sub3A_427 = arith.subf %broadcast_in_dim3A_221, %mul3A_426 : vector<256x1xf32>
    %mul3A_428 = arith.mulf %sub3A_277, %div3A_410 : vector<256x1xf32>
    %mul3A_429 = arith.mulf %mul3A_428, %sub3A_260 : vector<256x1xf32>
    %sub3A_430 = arith.subf %sub3A_279, %mul3A_429 : vector<256x1xf32>
    %mul3A_431 = arith.mulf %mul3A_428, %sub3A_262 : vector<256x1xf32>
    %sub3A_432 = arith.subf %sub3A_281, %mul3A_431 : vector<256x1xf32>
    %mul3A_433 = arith.mulf %mul3A_428, %sub3A_264 : vector<256x1xf32>
    %sub3A_434 = arith.subf %sub3A_283, %mul3A_433 : vector<256x1xf32>
    %mul3A_435 = arith.mulf %mul3A_428, %sub3A_266 : vector<256x1xf32>
    %sub3A_436 = arith.subf %sub3A_285, %mul3A_435 : vector<256x1xf32>
    %mul3A_437 = arith.mulf %mul3A_428, %sub3A_268 : vector<256x1xf32>
    %sub3A_438 = arith.subf %sub3A_287, %mul3A_437 : vector<256x1xf32>
    %mul3A_439 = arith.mulf %mul3A_428, %sub3A_270 : vector<256x1xf32>
    %sub3A_440 = arith.subf %sub3A_289, %mul3A_439 : vector<256x1xf32>
    %mul3A_441 = arith.mulf %mul3A_428, %sub3A_272 : vector<256x1xf32>
    %sub3A_442 = arith.subf %sub3A_291, %mul3A_441 : vector<256x1xf32>
    %mul3A_443 = arith.mulf %mul3A_428, %sub3A_274 : vector<256x1xf32>
    %sub3A_444 = arith.subf %sub3A_293, %mul3A_443 : vector<256x1xf32>
    %mul3A_445 = arith.mulf %sub3A_296, %div3A_410 : vector<256x1xf32>
    %mul3A_446 = arith.mulf %mul3A_445, %sub3A_260 : vector<256x1xf32>
    %sub3A_447 = arith.subf %sub3A_298, %mul3A_446 : vector<256x1xf32>
    %mul3A_448 = arith.mulf %mul3A_445, %sub3A_262 : vector<256x1xf32>
    %sub3A_449 = arith.subf %sub3A_300, %mul3A_448 : vector<256x1xf32>
    %mul3A_450 = arith.mulf %mul3A_445, %sub3A_264 : vector<256x1xf32>
    %sub3A_451 = arith.subf %sub3A_302, %mul3A_450 : vector<256x1xf32>
    %mul3A_452 = arith.mulf %mul3A_445, %sub3A_266 : vector<256x1xf32>
    %sub3A_453 = arith.subf %sub3A_304, %mul3A_452 : vector<256x1xf32>
    %mul3A_454 = arith.mulf %mul3A_445, %sub3A_268 : vector<256x1xf32>
    %sub3A_455 = arith.subf %sub3A_306, %mul3A_454 : vector<256x1xf32>
    %mul3A_456 = arith.mulf %mul3A_445, %sub3A_270 : vector<256x1xf32>
    %sub3A_457 = arith.subf %sub3A_308, %mul3A_456 : vector<256x1xf32>
    %mul3A_458 = arith.mulf %mul3A_445, %sub3A_272 : vector<256x1xf32>
    %sub3A_459 = arith.subf %sub3A_310, %mul3A_458 : vector<256x1xf32>
    %mul3A_460 = arith.mulf %mul3A_445, %sub3A_274 : vector<256x1xf32>
    %sub3A_461 = arith.subf %sub3A_312, %mul3A_460 : vector<256x1xf32>
    %mul3A_462 = arith.mulf %sub3A_315, %div3A_410 : vector<256x1xf32>
    %mul3A_463 = arith.mulf %mul3A_462, %sub3A_260 : vector<256x1xf32>
    %sub3A_464 = arith.subf %sub3A_317, %mul3A_463 : vector<256x1xf32>
    %mul3A_465 = arith.mulf %mul3A_462, %sub3A_262 : vector<256x1xf32>
    %sub3A_466 = arith.subf %sub3A_319, %mul3A_465 : vector<256x1xf32>
    %mul3A_467 = arith.mulf %mul3A_462, %sub3A_264 : vector<256x1xf32>
    %sub3A_468 = arith.subf %sub3A_321, %mul3A_467 : vector<256x1xf32>
    %mul3A_469 = arith.mulf %mul3A_462, %sub3A_266 : vector<256x1xf32>
    %sub3A_470 = arith.subf %sub3A_323, %mul3A_469 : vector<256x1xf32>
    %mul3A_471 = arith.mulf %mul3A_462, %sub3A_268 : vector<256x1xf32>
    %sub3A_472 = arith.subf %sub3A_325, %mul3A_471 : vector<256x1xf32>
    %mul3A_473 = arith.mulf %mul3A_462, %sub3A_270 : vector<256x1xf32>
    %sub3A_474 = arith.subf %sub3A_327, %mul3A_473 : vector<256x1xf32>
    %mul3A_475 = arith.mulf %mul3A_462, %sub3A_272 : vector<256x1xf32>
    %sub3A_476 = arith.subf %sub3A_329, %mul3A_475 : vector<256x1xf32>
    %mul3A_477 = arith.mulf %mul3A_462, %sub3A_274 : vector<256x1xf32>
    %sub3A_478 = arith.subf %sub3A_331, %mul3A_477 : vector<256x1xf32>
    %mul3A_479 = arith.mulf %sub3A_334, %div3A_410 : vector<256x1xf32>
    %mul3A_480 = arith.mulf %mul3A_479, %sub3A_260 : vector<256x1xf32>
    %sub3A_481 = arith.subf %sub3A_336, %mul3A_480 : vector<256x1xf32>
    %mul3A_482 = arith.mulf %mul3A_479, %sub3A_262 : vector<256x1xf32>
    %sub3A_483 = arith.subf %sub3A_338, %mul3A_482 : vector<256x1xf32>
    %mul3A_484 = arith.mulf %mul3A_479, %sub3A_264 : vector<256x1xf32>
    %sub3A_485 = arith.subf %sub3A_340, %mul3A_484 : vector<256x1xf32>
    %mul3A_486 = arith.mulf %mul3A_479, %sub3A_266 : vector<256x1xf32>
    %sub3A_487 = arith.subf %sub3A_342, %mul3A_486 : vector<256x1xf32>
    %mul3A_488 = arith.mulf %mul3A_479, %sub3A_268 : vector<256x1xf32>
    %sub3A_489 = arith.subf %sub3A_344, %mul3A_488 : vector<256x1xf32>
    %mul3A_490 = arith.mulf %mul3A_479, %sub3A_270 : vector<256x1xf32>
    %sub3A_491 = arith.subf %sub3A_346, %mul3A_490 : vector<256x1xf32>
    %mul3A_492 = arith.mulf %mul3A_479, %sub3A_272 : vector<256x1xf32>
    %sub3A_493 = arith.subf %sub3A_348, %mul3A_492 : vector<256x1xf32>
    %mul3A_494 = arith.mulf %mul3A_479, %sub3A_274 : vector<256x1xf32>
    %sub3A_495 = arith.subf %sub3A_350, %mul3A_494 : vector<256x1xf32>
    %mul3A_496 = arith.mulf %sub3A_353, %div3A_410 : vector<256x1xf32>
    %mul3A_497 = arith.mulf %mul3A_496, %sub3A_260 : vector<256x1xf32>
    %sub3A_498 = arith.subf %sub3A_355, %mul3A_497 : vector<256x1xf32>
    %mul3A_499 = arith.mulf %mul3A_496, %sub3A_262 : vector<256x1xf32>
    %sub3A_500 = arith.subf %sub3A_357, %mul3A_499 : vector<256x1xf32>
    %mul3A_501 = arith.mulf %mul3A_496, %sub3A_264 : vector<256x1xf32>
    %sub3A_502 = arith.subf %sub3A_359, %mul3A_501 : vector<256x1xf32>
    %mul3A_503 = arith.mulf %mul3A_496, %sub3A_266 : vector<256x1xf32>
    %sub3A_504 = arith.subf %sub3A_361, %mul3A_503 : vector<256x1xf32>
    %mul3A_505 = arith.mulf %mul3A_496, %sub3A_268 : vector<256x1xf32>
    %sub3A_506 = arith.subf %sub3A_363, %mul3A_505 : vector<256x1xf32>
    %mul3A_507 = arith.mulf %mul3A_496, %sub3A_270 : vector<256x1xf32>
    %sub3A_508 = arith.subf %sub3A_365, %mul3A_507 : vector<256x1xf32>
    %mul3A_509 = arith.mulf %mul3A_496, %sub3A_272 : vector<256x1xf32>
    %sub3A_510 = arith.subf %sub3A_367, %mul3A_509 : vector<256x1xf32>
    %mul3A_511 = arith.mulf %mul3A_496, %sub3A_274 : vector<256x1xf32>
    %sub3A_512 = arith.subf %sub3A_369, %mul3A_511 : vector<256x1xf32>
    %mul3A_513 = arith.mulf %sub3A_372, %div3A_410 : vector<256x1xf32>
    %mul3A_514 = arith.mulf %mul3A_513, %sub3A_260 : vector<256x1xf32>
    %sub3A_515 = arith.subf %sub3A_374, %mul3A_514 : vector<256x1xf32>
    %mul3A_516 = arith.mulf %mul3A_513, %sub3A_262 : vector<256x1xf32>
    %sub3A_517 = arith.subf %sub3A_376, %mul3A_516 : vector<256x1xf32>
    %mul3A_518 = arith.mulf %mul3A_513, %sub3A_264 : vector<256x1xf32>
    %sub3A_519 = arith.subf %sub3A_378, %mul3A_518 : vector<256x1xf32>
    %mul3A_520 = arith.mulf %mul3A_513, %sub3A_266 : vector<256x1xf32>
    %sub3A_521 = arith.subf %sub3A_380, %mul3A_520 : vector<256x1xf32>
    %mul3A_522 = arith.mulf %mul3A_513, %sub3A_268 : vector<256x1xf32>
    %sub3A_523 = arith.subf %sub3A_382, %mul3A_522 : vector<256x1xf32>
    %mul3A_524 = arith.mulf %mul3A_513, %sub3A_270 : vector<256x1xf32>
    %sub3A_525 = arith.subf %sub3A_384, %mul3A_524 : vector<256x1xf32>
    %mul3A_526 = arith.mulf %mul3A_513, %sub3A_272 : vector<256x1xf32>
    %sub3A_527 = arith.subf %sub3A_386, %mul3A_526 : vector<256x1xf32>
    %mul3A_528 = arith.mulf %mul3A_513, %sub3A_274 : vector<256x1xf32>
    %sub3A_529 = arith.subf %sub3A_388, %mul3A_528 : vector<256x1xf32>
    %mul3A_530 = arith.mulf %sub3A_391, %div3A_410 : vector<256x1xf32>
    %mul3A_531 = arith.mulf %mul3A_530, %sub3A_260 : vector<256x1xf32>
    %sub3A_532 = arith.subf %sub3A_393, %mul3A_531 : vector<256x1xf32>
    %mul3A_533 = arith.mulf %mul3A_530, %sub3A_262 : vector<256x1xf32>
    %sub3A_534 = arith.subf %sub3A_395, %mul3A_533 : vector<256x1xf32>
    %mul3A_535 = arith.mulf %mul3A_530, %sub3A_264 : vector<256x1xf32>
    %sub3A_536 = arith.subf %sub3A_397, %mul3A_535 : vector<256x1xf32>
    %mul3A_537 = arith.mulf %mul3A_530, %sub3A_266 : vector<256x1xf32>
    %sub3A_538 = arith.subf %sub3A_399, %mul3A_537 : vector<256x1xf32>
    %mul3A_539 = arith.mulf %mul3A_530, %sub3A_268 : vector<256x1xf32>
    %sub3A_540 = arith.subf %sub3A_401, %mul3A_539 : vector<256x1xf32>
    %mul3A_541 = arith.mulf %mul3A_530, %sub3A_270 : vector<256x1xf32>
    %sub3A_542 = arith.subf %sub3A_403, %mul3A_541 : vector<256x1xf32>
    %mul3A_543 = arith.mulf %mul3A_530, %sub3A_272 : vector<256x1xf32>
    %sub3A_544 = arith.subf %sub3A_405, %mul3A_543 : vector<256x1xf32>
    %mul3A_545 = arith.mulf %mul3A_530, %sub3A_274 : vector<256x1xf32>
    %sub3A_546 = arith.subf %sub3A_407, %mul3A_545 : vector<256x1xf32>
    %div3A_547 = arith.constant 1.000000e+00 : f32
    %div3A_548 = vector.broadcast %div3A_547 : f32 to vector<256x1xf32>
    %div3A_549 = arith.divf %div3A_548, %sub3A_430 : vector<256x1xf32>
    %mul3A_550 = arith.mulf %sub3A_413, %div3A_549 : vector<256x1xf32>
    %mul3A_551 = arith.mulf %mul3A_550, %sub3A_432 : vector<256x1xf32>
    %sub3A_552 = arith.subf %sub3A_415, %mul3A_551 : vector<256x1xf32>
    %mul3A_553 = arith.mulf %mul3A_550, %sub3A_434 : vector<256x1xf32>
    %sub3A_554 = arith.subf %sub3A_417, %mul3A_553 : vector<256x1xf32>
    %mul3A_555 = arith.mulf %mul3A_550, %sub3A_436 : vector<256x1xf32>
    %sub3A_556 = arith.subf %sub3A_419, %mul3A_555 : vector<256x1xf32>
    %mul3A_557 = arith.mulf %mul3A_550, %sub3A_438 : vector<256x1xf32>
    %sub3A_558 = arith.subf %sub3A_421, %mul3A_557 : vector<256x1xf32>
    %mul3A_559 = arith.mulf %mul3A_550, %sub3A_440 : vector<256x1xf32>
    %sub3A_560 = arith.subf %sub3A_423, %mul3A_559 : vector<256x1xf32>
    %mul3A_561 = arith.mulf %mul3A_550, %sub3A_442 : vector<256x1xf32>
    %sub3A_562 = arith.subf %sub3A_425, %mul3A_561 : vector<256x1xf32>
    %mul3A_563 = arith.mulf %mul3A_550, %sub3A_444 : vector<256x1xf32>
    %sub3A_564 = arith.subf %sub3A_427, %mul3A_563 : vector<256x1xf32>
    %mul3A_565 = arith.mulf %sub3A_260, %div3A_549 : vector<256x1xf32>
    %mul3A_566 = arith.mulf %mul3A_565, %sub3A_432 : vector<256x1xf32>
    %sub3A_567 = arith.subf %sub3A_262, %mul3A_566 : vector<256x1xf32>
    %mul3A_568 = arith.mulf %mul3A_565, %sub3A_434 : vector<256x1xf32>
    %sub3A_569 = arith.subf %sub3A_264, %mul3A_568 : vector<256x1xf32>
    %mul3A_570 = arith.mulf %mul3A_565, %sub3A_436 : vector<256x1xf32>
    %sub3A_571 = arith.subf %sub3A_266, %mul3A_570 : vector<256x1xf32>
    %mul3A_572 = arith.mulf %mul3A_565, %sub3A_438 : vector<256x1xf32>
    %sub3A_573 = arith.subf %sub3A_268, %mul3A_572 : vector<256x1xf32>
    %mul3A_574 = arith.mulf %mul3A_565, %sub3A_440 : vector<256x1xf32>
    %sub3A_575 = arith.subf %sub3A_270, %mul3A_574 : vector<256x1xf32>
    %mul3A_576 = arith.mulf %mul3A_565, %sub3A_442 : vector<256x1xf32>
    %sub3A_577 = arith.subf %sub3A_272, %mul3A_576 : vector<256x1xf32>
    %mul3A_578 = arith.mulf %mul3A_565, %sub3A_444 : vector<256x1xf32>
    %sub3A_579 = arith.subf %sub3A_274, %mul3A_578 : vector<256x1xf32>
    %mul3A_580 = arith.mulf %sub3A_447, %div3A_549 : vector<256x1xf32>
    %mul3A_581 = arith.mulf %mul3A_580, %sub3A_432 : vector<256x1xf32>
    %sub3A_582 = arith.subf %sub3A_449, %mul3A_581 : vector<256x1xf32>
    %mul3A_583 = arith.mulf %mul3A_580, %sub3A_434 : vector<256x1xf32>
    %sub3A_584 = arith.subf %sub3A_451, %mul3A_583 : vector<256x1xf32>
    %mul3A_585 = arith.mulf %mul3A_580, %sub3A_436 : vector<256x1xf32>
    %sub3A_586 = arith.subf %sub3A_453, %mul3A_585 : vector<256x1xf32>
    %mul3A_587 = arith.mulf %mul3A_580, %sub3A_438 : vector<256x1xf32>
    %sub3A_588 = arith.subf %sub3A_455, %mul3A_587 : vector<256x1xf32>
    %mul3A_589 = arith.mulf %mul3A_580, %sub3A_440 : vector<256x1xf32>
    %sub3A_590 = arith.subf %sub3A_457, %mul3A_589 : vector<256x1xf32>
    %mul3A_591 = arith.mulf %mul3A_580, %sub3A_442 : vector<256x1xf32>
    %sub3A_592 = arith.subf %sub3A_459, %mul3A_591 : vector<256x1xf32>
    %mul3A_593 = arith.mulf %mul3A_580, %sub3A_444 : vector<256x1xf32>
    %sub3A_594 = arith.subf %sub3A_461, %mul3A_593 : vector<256x1xf32>
    %mul3A_595 = arith.mulf %sub3A_464, %div3A_549 : vector<256x1xf32>
    %mul3A_596 = arith.mulf %mul3A_595, %sub3A_432 : vector<256x1xf32>
    %sub3A_597 = arith.subf %sub3A_466, %mul3A_596 : vector<256x1xf32>
    %mul3A_598 = arith.mulf %mul3A_595, %sub3A_434 : vector<256x1xf32>
    %sub3A_599 = arith.subf %sub3A_468, %mul3A_598 : vector<256x1xf32>
    %mul3A_600 = arith.mulf %mul3A_595, %sub3A_436 : vector<256x1xf32>
    %sub3A_601 = arith.subf %sub3A_470, %mul3A_600 : vector<256x1xf32>
    %mul3A_602 = arith.mulf %mul3A_595, %sub3A_438 : vector<256x1xf32>
    %sub3A_603 = arith.subf %sub3A_472, %mul3A_602 : vector<256x1xf32>
    %mul3A_604 = arith.mulf %mul3A_595, %sub3A_440 : vector<256x1xf32>
    %sub3A_605 = arith.subf %sub3A_474, %mul3A_604 : vector<256x1xf32>
    %mul3A_606 = arith.mulf %mul3A_595, %sub3A_442 : vector<256x1xf32>
    %sub3A_607 = arith.subf %sub3A_476, %mul3A_606 : vector<256x1xf32>
    %mul3A_608 = arith.mulf %mul3A_595, %sub3A_444 : vector<256x1xf32>
    %sub3A_609 = arith.subf %sub3A_478, %mul3A_608 : vector<256x1xf32>
    %mul3A_610 = arith.mulf %sub3A_481, %div3A_549 : vector<256x1xf32>
    %mul3A_611 = arith.mulf %mul3A_610, %sub3A_432 : vector<256x1xf32>
    %sub3A_612 = arith.subf %sub3A_483, %mul3A_611 : vector<256x1xf32>
    %mul3A_613 = arith.mulf %mul3A_610, %sub3A_434 : vector<256x1xf32>
    %sub3A_614 = arith.subf %sub3A_485, %mul3A_613 : vector<256x1xf32>
    %mul3A_615 = arith.mulf %mul3A_610, %sub3A_436 : vector<256x1xf32>
    %sub3A_616 = arith.subf %sub3A_487, %mul3A_615 : vector<256x1xf32>
    %mul3A_617 = arith.mulf %mul3A_610, %sub3A_438 : vector<256x1xf32>
    %sub3A_618 = arith.subf %sub3A_489, %mul3A_617 : vector<256x1xf32>
    %mul3A_619 = arith.mulf %mul3A_610, %sub3A_440 : vector<256x1xf32>
    %sub3A_620 = arith.subf %sub3A_491, %mul3A_619 : vector<256x1xf32>
    %mul3A_621 = arith.mulf %mul3A_610, %sub3A_442 : vector<256x1xf32>
    %sub3A_622 = arith.subf %sub3A_493, %mul3A_621 : vector<256x1xf32>
    %mul3A_623 = arith.mulf %mul3A_610, %sub3A_444 : vector<256x1xf32>
    %sub3A_624 = arith.subf %sub3A_495, %mul3A_623 : vector<256x1xf32>
    %mul3A_625 = arith.mulf %sub3A_498, %div3A_549 : vector<256x1xf32>
    %mul3A_626 = arith.mulf %mul3A_625, %sub3A_432 : vector<256x1xf32>
    %sub3A_627 = arith.subf %sub3A_500, %mul3A_626 : vector<256x1xf32>
    %mul3A_628 = arith.mulf %mul3A_625, %sub3A_434 : vector<256x1xf32>
    %sub3A_629 = arith.subf %sub3A_502, %mul3A_628 : vector<256x1xf32>
    %mul3A_630 = arith.mulf %mul3A_625, %sub3A_436 : vector<256x1xf32>
    %sub3A_631 = arith.subf %sub3A_504, %mul3A_630 : vector<256x1xf32>
    %mul3A_632 = arith.mulf %mul3A_625, %sub3A_438 : vector<256x1xf32>
    %sub3A_633 = arith.subf %sub3A_506, %mul3A_632 : vector<256x1xf32>
    %mul3A_634 = arith.mulf %mul3A_625, %sub3A_440 : vector<256x1xf32>
    %sub3A_635 = arith.subf %sub3A_508, %mul3A_634 : vector<256x1xf32>
    %mul3A_636 = arith.mulf %mul3A_625, %sub3A_442 : vector<256x1xf32>
    %sub3A_637 = arith.subf %sub3A_510, %mul3A_636 : vector<256x1xf32>
    %mul3A_638 = arith.mulf %mul3A_625, %sub3A_444 : vector<256x1xf32>
    %sub3A_639 = arith.subf %sub3A_512, %mul3A_638 : vector<256x1xf32>
    %mul3A_640 = arith.mulf %sub3A_515, %div3A_549 : vector<256x1xf32>
    %mul3A_641 = arith.mulf %mul3A_640, %sub3A_432 : vector<256x1xf32>
    %sub3A_642 = arith.subf %sub3A_517, %mul3A_641 : vector<256x1xf32>
    %mul3A_643 = arith.mulf %mul3A_640, %sub3A_434 : vector<256x1xf32>
    %sub3A_644 = arith.subf %sub3A_519, %mul3A_643 : vector<256x1xf32>
    %mul3A_645 = arith.mulf %mul3A_640, %sub3A_436 : vector<256x1xf32>
    %sub3A_646 = arith.subf %sub3A_521, %mul3A_645 : vector<256x1xf32>
    %mul3A_647 = arith.mulf %mul3A_640, %sub3A_438 : vector<256x1xf32>
    %sub3A_648 = arith.subf %sub3A_523, %mul3A_647 : vector<256x1xf32>
    %mul3A_649 = arith.mulf %mul3A_640, %sub3A_440 : vector<256x1xf32>
    %sub3A_650 = arith.subf %sub3A_525, %mul3A_649 : vector<256x1xf32>
    %mul3A_651 = arith.mulf %mul3A_640, %sub3A_442 : vector<256x1xf32>
    %sub3A_652 = arith.subf %sub3A_527, %mul3A_651 : vector<256x1xf32>
    %mul3A_653 = arith.mulf %mul3A_640, %sub3A_444 : vector<256x1xf32>
    %sub3A_654 = arith.subf %sub3A_529, %mul3A_653 : vector<256x1xf32>
    %mul3A_655 = arith.mulf %sub3A_532, %div3A_549 : vector<256x1xf32>
    %mul3A_656 = arith.mulf %mul3A_655, %sub3A_432 : vector<256x1xf32>
    %sub3A_657 = arith.subf %sub3A_534, %mul3A_656 : vector<256x1xf32>
    %mul3A_658 = arith.mulf %mul3A_655, %sub3A_434 : vector<256x1xf32>
    %sub3A_659 = arith.subf %sub3A_536, %mul3A_658 : vector<256x1xf32>
    %mul3A_660 = arith.mulf %mul3A_655, %sub3A_436 : vector<256x1xf32>
    %sub3A_661 = arith.subf %sub3A_538, %mul3A_660 : vector<256x1xf32>
    %mul3A_662 = arith.mulf %mul3A_655, %sub3A_438 : vector<256x1xf32>
    %sub3A_663 = arith.subf %sub3A_540, %mul3A_662 : vector<256x1xf32>
    %mul3A_664 = arith.mulf %mul3A_655, %sub3A_440 : vector<256x1xf32>
    %sub3A_665 = arith.subf %sub3A_542, %mul3A_664 : vector<256x1xf32>
    %mul3A_666 = arith.mulf %mul3A_655, %sub3A_442 : vector<256x1xf32>
    %sub3A_667 = arith.subf %sub3A_544, %mul3A_666 : vector<256x1xf32>
    %mul3A_668 = arith.mulf %mul3A_655, %sub3A_444 : vector<256x1xf32>
    %sub3A_669 = arith.subf %sub3A_546, %mul3A_668 : vector<256x1xf32>
    %div3A_670 = arith.constant 1.000000e+00 : f32
    %div3A_671 = vector.broadcast %div3A_670 : f32 to vector<256x1xf32>
    %div3A_672 = arith.divf %div3A_671, %sub3A_582 : vector<256x1xf32>
    %mul3A_673 = arith.mulf %sub3A_552, %div3A_672 : vector<256x1xf32>
    %mul3A_674 = arith.mulf %mul3A_673, %sub3A_584 : vector<256x1xf32>
    %sub3A_675 = arith.subf %sub3A_554, %mul3A_674 : vector<256x1xf32>
    %mul3A_676 = arith.mulf %mul3A_673, %sub3A_586 : vector<256x1xf32>
    %sub3A_677 = arith.subf %sub3A_556, %mul3A_676 : vector<256x1xf32>
    %mul3A_678 = arith.mulf %mul3A_673, %sub3A_588 : vector<256x1xf32>
    %sub3A_679 = arith.subf %sub3A_558, %mul3A_678 : vector<256x1xf32>
    %mul3A_680 = arith.mulf %mul3A_673, %sub3A_590 : vector<256x1xf32>
    %sub3A_681 = arith.subf %sub3A_560, %mul3A_680 : vector<256x1xf32>
    %mul3A_682 = arith.mulf %mul3A_673, %sub3A_592 : vector<256x1xf32>
    %sub3A_683 = arith.subf %sub3A_562, %mul3A_682 : vector<256x1xf32>
    %mul3A_684 = arith.mulf %mul3A_673, %sub3A_594 : vector<256x1xf32>
    %sub3A_685 = arith.subf %sub3A_564, %mul3A_684 : vector<256x1xf32>
    %mul3A_686 = arith.mulf %sub3A_567, %div3A_672 : vector<256x1xf32>
    %mul3A_687 = arith.mulf %mul3A_686, %sub3A_584 : vector<256x1xf32>
    %sub3A_688 = arith.subf %sub3A_569, %mul3A_687 : vector<256x1xf32>
    %mul3A_689 = arith.mulf %mul3A_686, %sub3A_586 : vector<256x1xf32>
    %sub3A_690 = arith.subf %sub3A_571, %mul3A_689 : vector<256x1xf32>
    %mul3A_691 = arith.mulf %mul3A_686, %sub3A_588 : vector<256x1xf32>
    %sub3A_692 = arith.subf %sub3A_573, %mul3A_691 : vector<256x1xf32>
    %mul3A_693 = arith.mulf %mul3A_686, %sub3A_590 : vector<256x1xf32>
    %sub3A_694 = arith.subf %sub3A_575, %mul3A_693 : vector<256x1xf32>
    %mul3A_695 = arith.mulf %mul3A_686, %sub3A_592 : vector<256x1xf32>
    %sub3A_696 = arith.subf %sub3A_577, %mul3A_695 : vector<256x1xf32>
    %mul3A_697 = arith.mulf %mul3A_686, %sub3A_594 : vector<256x1xf32>
    %sub3A_698 = arith.subf %sub3A_579, %mul3A_697 : vector<256x1xf32>
    %mul3A_699 = arith.mulf %sub3A_432, %div3A_672 : vector<256x1xf32>
    %mul3A_700 = arith.mulf %mul3A_699, %sub3A_584 : vector<256x1xf32>
    %sub3A_701 = arith.subf %sub3A_434, %mul3A_700 : vector<256x1xf32>
    %mul3A_702 = arith.mulf %mul3A_699, %sub3A_586 : vector<256x1xf32>
    %sub3A_703 = arith.subf %sub3A_436, %mul3A_702 : vector<256x1xf32>
    %mul3A_704 = arith.mulf %mul3A_699, %sub3A_588 : vector<256x1xf32>
    %sub3A_705 = arith.subf %sub3A_438, %mul3A_704 : vector<256x1xf32>
    %mul3A_706 = arith.mulf %mul3A_699, %sub3A_590 : vector<256x1xf32>
    %sub3A_707 = arith.subf %sub3A_440, %mul3A_706 : vector<256x1xf32>
    %mul3A_708 = arith.mulf %mul3A_699, %sub3A_592 : vector<256x1xf32>
    %sub3A_709 = arith.subf %sub3A_442, %mul3A_708 : vector<256x1xf32>
    %mul3A_710 = arith.mulf %mul3A_699, %sub3A_594 : vector<256x1xf32>
    %sub3A_711 = arith.subf %sub3A_444, %mul3A_710 : vector<256x1xf32>
    %mul3A_712 = arith.mulf %sub3A_597, %div3A_672 : vector<256x1xf32>
    %mul3A_713 = arith.mulf %mul3A_712, %sub3A_584 : vector<256x1xf32>
    %sub3A_714 = arith.subf %sub3A_599, %mul3A_713 : vector<256x1xf32>
    %mul3A_715 = arith.mulf %mul3A_712, %sub3A_586 : vector<256x1xf32>
    %sub3A_716 = arith.subf %sub3A_601, %mul3A_715 : vector<256x1xf32>
    %mul3A_717 = arith.mulf %mul3A_712, %sub3A_588 : vector<256x1xf32>
    %sub3A_718 = arith.subf %sub3A_603, %mul3A_717 : vector<256x1xf32>
    %mul3A_719 = arith.mulf %mul3A_712, %sub3A_590 : vector<256x1xf32>
    %sub3A_720 = arith.subf %sub3A_605, %mul3A_719 : vector<256x1xf32>
    %mul3A_721 = arith.mulf %mul3A_712, %sub3A_592 : vector<256x1xf32>
    %sub3A_722 = arith.subf %sub3A_607, %mul3A_721 : vector<256x1xf32>
    %mul3A_723 = arith.mulf %mul3A_712, %sub3A_594 : vector<256x1xf32>
    %sub3A_724 = arith.subf %sub3A_609, %mul3A_723 : vector<256x1xf32>
    %mul3A_725 = arith.mulf %sub3A_612, %div3A_672 : vector<256x1xf32>
    %mul3A_726 = arith.mulf %mul3A_725, %sub3A_584 : vector<256x1xf32>
    %sub3A_727 = arith.subf %sub3A_614, %mul3A_726 : vector<256x1xf32>
    %mul3A_728 = arith.mulf %mul3A_725, %sub3A_586 : vector<256x1xf32>
    %sub3A_729 = arith.subf %sub3A_616, %mul3A_728 : vector<256x1xf32>
    %mul3A_730 = arith.mulf %mul3A_725, %sub3A_588 : vector<256x1xf32>
    %sub3A_731 = arith.subf %sub3A_618, %mul3A_730 : vector<256x1xf32>
    %mul3A_732 = arith.mulf %mul3A_725, %sub3A_590 : vector<256x1xf32>
    %sub3A_733 = arith.subf %sub3A_620, %mul3A_732 : vector<256x1xf32>
    %mul3A_734 = arith.mulf %mul3A_725, %sub3A_592 : vector<256x1xf32>
    %sub3A_735 = arith.subf %sub3A_622, %mul3A_734 : vector<256x1xf32>
    %mul3A_736 = arith.mulf %mul3A_725, %sub3A_594 : vector<256x1xf32>
    %sub3A_737 = arith.subf %sub3A_624, %mul3A_736 : vector<256x1xf32>
    %mul3A_738 = arith.mulf %sub3A_627, %div3A_672 : vector<256x1xf32>
    %mul3A_739 = arith.mulf %mul3A_738, %sub3A_584 : vector<256x1xf32>
    %sub3A_740 = arith.subf %sub3A_629, %mul3A_739 : vector<256x1xf32>
    %mul3A_741 = arith.mulf %mul3A_738, %sub3A_586 : vector<256x1xf32>
    %sub3A_742 = arith.subf %sub3A_631, %mul3A_741 : vector<256x1xf32>
    %mul3A_743 = arith.mulf %mul3A_738, %sub3A_588 : vector<256x1xf32>
    %sub3A_744 = arith.subf %sub3A_633, %mul3A_743 : vector<256x1xf32>
    %mul3A_745 = arith.mulf %mul3A_738, %sub3A_590 : vector<256x1xf32>
    %sub3A_746 = arith.subf %sub3A_635, %mul3A_745 : vector<256x1xf32>
    %mul3A_747 = arith.mulf %mul3A_738, %sub3A_592 : vector<256x1xf32>
    %sub3A_748 = arith.subf %sub3A_637, %mul3A_747 : vector<256x1xf32>
    %mul3A_749 = arith.mulf %mul3A_738, %sub3A_594 : vector<256x1xf32>
    %sub3A_750 = arith.subf %sub3A_639, %mul3A_749 : vector<256x1xf32>
    %mul3A_751 = arith.mulf %sub3A_642, %div3A_672 : vector<256x1xf32>
    %mul3A_752 = arith.mulf %mul3A_751, %sub3A_584 : vector<256x1xf32>
    %sub3A_753 = arith.subf %sub3A_644, %mul3A_752 : vector<256x1xf32>
    %mul3A_754 = arith.mulf %mul3A_751, %sub3A_586 : vector<256x1xf32>
    %sub3A_755 = arith.subf %sub3A_646, %mul3A_754 : vector<256x1xf32>
    %mul3A_756 = arith.mulf %mul3A_751, %sub3A_588 : vector<256x1xf32>
    %sub3A_757 = arith.subf %sub3A_648, %mul3A_756 : vector<256x1xf32>
    %mul3A_758 = arith.mulf %mul3A_751, %sub3A_590 : vector<256x1xf32>
    %sub3A_759 = arith.subf %sub3A_650, %mul3A_758 : vector<256x1xf32>
    %mul3A_760 = arith.mulf %mul3A_751, %sub3A_592 : vector<256x1xf32>
    %sub3A_761 = arith.subf %sub3A_652, %mul3A_760 : vector<256x1xf32>
    %mul3A_762 = arith.mulf %mul3A_751, %sub3A_594 : vector<256x1xf32>
    %sub3A_763 = arith.subf %sub3A_654, %mul3A_762 : vector<256x1xf32>
    %mul3A_764 = arith.mulf %sub3A_657, %div3A_672 : vector<256x1xf32>
    %mul3A_765 = arith.mulf %mul3A_764, %sub3A_584 : vector<256x1xf32>
    %sub3A_766 = arith.subf %sub3A_659, %mul3A_765 : vector<256x1xf32>
    %mul3A_767 = arith.mulf %mul3A_764, %sub3A_586 : vector<256x1xf32>
    %sub3A_768 = arith.subf %sub3A_661, %mul3A_767 : vector<256x1xf32>
    %mul3A_769 = arith.mulf %mul3A_764, %sub3A_588 : vector<256x1xf32>
    %sub3A_770 = arith.subf %sub3A_663, %mul3A_769 : vector<256x1xf32>
    %mul3A_771 = arith.mulf %mul3A_764, %sub3A_590 : vector<256x1xf32>
    %sub3A_772 = arith.subf %sub3A_665, %mul3A_771 : vector<256x1xf32>
    %mul3A_773 = arith.mulf %mul3A_764, %sub3A_592 : vector<256x1xf32>
    %sub3A_774 = arith.subf %sub3A_667, %mul3A_773 : vector<256x1xf32>
    %mul3A_775 = arith.mulf %mul3A_764, %sub3A_594 : vector<256x1xf32>
    %sub3A_776 = arith.subf %sub3A_669, %mul3A_775 : vector<256x1xf32>
    %div3A_777 = arith.constant 1.000000e+00 : f32
    %div3A_778 = vector.broadcast %div3A_777 : f32 to vector<256x1xf32>
    %div3A_779 = arith.divf %div3A_778, %sub3A_714 : vector<256x1xf32>
    %mul3A_780 = arith.mulf %sub3A_675, %div3A_779 : vector<256x1xf32>
    %mul3A_781 = arith.mulf %mul3A_780, %sub3A_716 : vector<256x1xf32>
    %sub3A_782 = arith.subf %sub3A_677, %mul3A_781 : vector<256x1xf32>
    %mul3A_783 = arith.mulf %mul3A_780, %sub3A_718 : vector<256x1xf32>
    %sub3A_784 = arith.subf %sub3A_679, %mul3A_783 : vector<256x1xf32>
    %mul3A_785 = arith.mulf %mul3A_780, %sub3A_720 : vector<256x1xf32>
    %sub3A_786 = arith.subf %sub3A_681, %mul3A_785 : vector<256x1xf32>
    %mul3A_787 = arith.mulf %mul3A_780, %sub3A_722 : vector<256x1xf32>
    %sub3A_788 = arith.subf %sub3A_683, %mul3A_787 : vector<256x1xf32>
    %mul3A_789 = arith.mulf %mul3A_780, %sub3A_724 : vector<256x1xf32>
    %sub3A_790 = arith.subf %sub3A_685, %mul3A_789 : vector<256x1xf32>
    %mul3A_791 = arith.mulf %sub3A_688, %div3A_779 : vector<256x1xf32>
    %mul3A_792 = arith.mulf %mul3A_791, %sub3A_716 : vector<256x1xf32>
    %sub3A_793 = arith.subf %sub3A_690, %mul3A_792 : vector<256x1xf32>
    %mul3A_794 = arith.mulf %mul3A_791, %sub3A_718 : vector<256x1xf32>
    %sub3A_795 = arith.subf %sub3A_692, %mul3A_794 : vector<256x1xf32>
    %mul3A_796 = arith.mulf %mul3A_791, %sub3A_720 : vector<256x1xf32>
    %sub3A_797 = arith.subf %sub3A_694, %mul3A_796 : vector<256x1xf32>
    %mul3A_798 = arith.mulf %mul3A_791, %sub3A_722 : vector<256x1xf32>
    %sub3A_799 = arith.subf %sub3A_696, %mul3A_798 : vector<256x1xf32>
    %mul3A_800 = arith.mulf %mul3A_791, %sub3A_724 : vector<256x1xf32>
    %sub3A_801 = arith.subf %sub3A_698, %mul3A_800 : vector<256x1xf32>
    %mul3A_802 = arith.mulf %sub3A_701, %div3A_779 : vector<256x1xf32>
    %mul3A_803 = arith.mulf %mul3A_802, %sub3A_716 : vector<256x1xf32>
    %sub3A_804 = arith.subf %sub3A_703, %mul3A_803 : vector<256x1xf32>
    %mul3A_805 = arith.mulf %mul3A_802, %sub3A_718 : vector<256x1xf32>
    %sub3A_806 = arith.subf %sub3A_705, %mul3A_805 : vector<256x1xf32>
    %mul3A_807 = arith.mulf %mul3A_802, %sub3A_720 : vector<256x1xf32>
    %sub3A_808 = arith.subf %sub3A_707, %mul3A_807 : vector<256x1xf32>
    %mul3A_809 = arith.mulf %mul3A_802, %sub3A_722 : vector<256x1xf32>
    %sub3A_810 = arith.subf %sub3A_709, %mul3A_809 : vector<256x1xf32>
    %mul3A_811 = arith.mulf %mul3A_802, %sub3A_724 : vector<256x1xf32>
    %sub3A_812 = arith.subf %sub3A_711, %mul3A_811 : vector<256x1xf32>
    %mul3A_813 = arith.mulf %sub3A_584, %div3A_779 : vector<256x1xf32>
    %mul3A_814 = arith.mulf %mul3A_813, %sub3A_716 : vector<256x1xf32>
    %sub3A_815 = arith.subf %sub3A_586, %mul3A_814 : vector<256x1xf32>
    %mul3A_816 = arith.mulf %mul3A_813, %sub3A_718 : vector<256x1xf32>
    %sub3A_817 = arith.subf %sub3A_588, %mul3A_816 : vector<256x1xf32>
    %mul3A_818 = arith.mulf %mul3A_813, %sub3A_720 : vector<256x1xf32>
    %sub3A_819 = arith.subf %sub3A_590, %mul3A_818 : vector<256x1xf32>
    %mul3A_820 = arith.mulf %mul3A_813, %sub3A_722 : vector<256x1xf32>
    %sub3A_821 = arith.subf %sub3A_592, %mul3A_820 : vector<256x1xf32>
    %mul3A_822 = arith.mulf %mul3A_813, %sub3A_724 : vector<256x1xf32>
    %sub3A_823 = arith.subf %sub3A_594, %mul3A_822 : vector<256x1xf32>
    %mul3A_824 = arith.mulf %sub3A_727, %div3A_779 : vector<256x1xf32>
    %mul3A_825 = arith.mulf %mul3A_824, %sub3A_716 : vector<256x1xf32>
    %sub3A_826 = arith.subf %sub3A_729, %mul3A_825 : vector<256x1xf32>
    %mul3A_827 = arith.mulf %mul3A_824, %sub3A_718 : vector<256x1xf32>
    %sub3A_828 = arith.subf %sub3A_731, %mul3A_827 : vector<256x1xf32>
    %mul3A_829 = arith.mulf %mul3A_824, %sub3A_720 : vector<256x1xf32>
    %sub3A_830 = arith.subf %sub3A_733, %mul3A_829 : vector<256x1xf32>
    %mul3A_831 = arith.mulf %mul3A_824, %sub3A_722 : vector<256x1xf32>
    %sub3A_832 = arith.subf %sub3A_735, %mul3A_831 : vector<256x1xf32>
    %mul3A_833 = arith.mulf %mul3A_824, %sub3A_724 : vector<256x1xf32>
    %sub3A_834 = arith.subf %sub3A_737, %mul3A_833 : vector<256x1xf32>
    %mul3A_835 = arith.mulf %sub3A_740, %div3A_779 : vector<256x1xf32>
    %mul3A_836 = arith.mulf %mul3A_835, %sub3A_716 : vector<256x1xf32>
    %sub3A_837 = arith.subf %sub3A_742, %mul3A_836 : vector<256x1xf32>
    %mul3A_838 = arith.mulf %mul3A_835, %sub3A_718 : vector<256x1xf32>
    %sub3A_839 = arith.subf %sub3A_744, %mul3A_838 : vector<256x1xf32>
    %mul3A_840 = arith.mulf %mul3A_835, %sub3A_720 : vector<256x1xf32>
    %sub3A_841 = arith.subf %sub3A_746, %mul3A_840 : vector<256x1xf32>
    %mul3A_842 = arith.mulf %mul3A_835, %sub3A_722 : vector<256x1xf32>
    %sub3A_843 = arith.subf %sub3A_748, %mul3A_842 : vector<256x1xf32>
    %mul3A_844 = arith.mulf %mul3A_835, %sub3A_724 : vector<256x1xf32>
    %sub3A_845 = arith.subf %sub3A_750, %mul3A_844 : vector<256x1xf32>
    %mul3A_846 = arith.mulf %sub3A_753, %div3A_779 : vector<256x1xf32>
    %mul3A_847 = arith.mulf %mul3A_846, %sub3A_716 : vector<256x1xf32>
    %sub3A_848 = arith.subf %sub3A_755, %mul3A_847 : vector<256x1xf32>
    %mul3A_849 = arith.mulf %mul3A_846, %sub3A_718 : vector<256x1xf32>
    %sub3A_850 = arith.subf %sub3A_757, %mul3A_849 : vector<256x1xf32>
    %mul3A_851 = arith.mulf %mul3A_846, %sub3A_720 : vector<256x1xf32>
    %sub3A_852 = arith.subf %sub3A_759, %mul3A_851 : vector<256x1xf32>
    %mul3A_853 = arith.mulf %mul3A_846, %sub3A_722 : vector<256x1xf32>
    %sub3A_854 = arith.subf %sub3A_761, %mul3A_853 : vector<256x1xf32>
    %mul3A_855 = arith.mulf %mul3A_846, %sub3A_724 : vector<256x1xf32>
    %sub3A_856 = arith.subf %sub3A_763, %mul3A_855 : vector<256x1xf32>
    %mul3A_857 = arith.mulf %sub3A_766, %div3A_779 : vector<256x1xf32>
    %mul3A_858 = arith.mulf %mul3A_857, %sub3A_716 : vector<256x1xf32>
    %sub3A_859 = arith.subf %sub3A_768, %mul3A_858 : vector<256x1xf32>
    %mul3A_860 = arith.mulf %mul3A_857, %sub3A_718 : vector<256x1xf32>
    %sub3A_861 = arith.subf %sub3A_770, %mul3A_860 : vector<256x1xf32>
    %mul3A_862 = arith.mulf %mul3A_857, %sub3A_720 : vector<256x1xf32>
    %sub3A_863 = arith.subf %sub3A_772, %mul3A_862 : vector<256x1xf32>
    %mul3A_864 = arith.mulf %mul3A_857, %sub3A_722 : vector<256x1xf32>
    %sub3A_865 = arith.subf %sub3A_774, %mul3A_864 : vector<256x1xf32>
    %mul3A_866 = arith.mulf %mul3A_857, %sub3A_724 : vector<256x1xf32>
    %sub3A_867 = arith.subf %sub3A_776, %mul3A_866 : vector<256x1xf32>
    %div3A_868 = arith.constant 1.000000e+00 : f32
    %div3A_869 = vector.broadcast %div3A_868 : f32 to vector<256x1xf32>
    %div3A_870 = arith.divf %div3A_869, %sub3A_826 : vector<256x1xf32>
    %mul3A_871 = arith.mulf %sub3A_782, %div3A_870 : vector<256x1xf32>
    %mul3A_872 = arith.mulf %mul3A_871, %sub3A_828 : vector<256x1xf32>
    %sub3A_873 = arith.subf %sub3A_784, %mul3A_872 : vector<256x1xf32>
    %mul3A_874 = arith.mulf %mul3A_871, %sub3A_830 : vector<256x1xf32>
    %sub3A_875 = arith.subf %sub3A_786, %mul3A_874 : vector<256x1xf32>
    %mul3A_876 = arith.mulf %mul3A_871, %sub3A_832 : vector<256x1xf32>
    %sub3A_877 = arith.subf %sub3A_788, %mul3A_876 : vector<256x1xf32>
    %mul3A_878 = arith.mulf %mul3A_871, %sub3A_834 : vector<256x1xf32>
    %sub3A_879 = arith.subf %sub3A_790, %mul3A_878 : vector<256x1xf32>
    %mul3A_880 = arith.mulf %sub3A_793, %div3A_870 : vector<256x1xf32>
    %mul3A_881 = arith.mulf %mul3A_880, %sub3A_828 : vector<256x1xf32>
    %sub3A_882 = arith.subf %sub3A_795, %mul3A_881 : vector<256x1xf32>
    %mul3A_883 = arith.mulf %mul3A_880, %sub3A_830 : vector<256x1xf32>
    %sub3A_884 = arith.subf %sub3A_797, %mul3A_883 : vector<256x1xf32>
    %mul3A_885 = arith.mulf %mul3A_880, %sub3A_832 : vector<256x1xf32>
    %sub3A_886 = arith.subf %sub3A_799, %mul3A_885 : vector<256x1xf32>
    %mul3A_887 = arith.mulf %mul3A_880, %sub3A_834 : vector<256x1xf32>
    %sub3A_888 = arith.subf %sub3A_801, %mul3A_887 : vector<256x1xf32>
    %mul3A_889 = arith.mulf %sub3A_804, %div3A_870 : vector<256x1xf32>
    %mul3A_890 = arith.mulf %mul3A_889, %sub3A_828 : vector<256x1xf32>
    %sub3A_891 = arith.subf %sub3A_806, %mul3A_890 : vector<256x1xf32>
    %mul3A_892 = arith.mulf %mul3A_889, %sub3A_830 : vector<256x1xf32>
    %sub3A_893 = arith.subf %sub3A_808, %mul3A_892 : vector<256x1xf32>
    %mul3A_894 = arith.mulf %mul3A_889, %sub3A_832 : vector<256x1xf32>
    %sub3A_895 = arith.subf %sub3A_810, %mul3A_894 : vector<256x1xf32>
    %mul3A_896 = arith.mulf %mul3A_889, %sub3A_834 : vector<256x1xf32>
    %sub3A_897 = arith.subf %sub3A_812, %mul3A_896 : vector<256x1xf32>
    %mul3A_898 = arith.mulf %sub3A_815, %div3A_870 : vector<256x1xf32>
    %mul3A_899 = arith.mulf %mul3A_898, %sub3A_828 : vector<256x1xf32>
    %sub3A_900 = arith.subf %sub3A_817, %mul3A_899 : vector<256x1xf32>
    %mul3A_901 = arith.mulf %mul3A_898, %sub3A_830 : vector<256x1xf32>
    %sub3A_902 = arith.subf %sub3A_819, %mul3A_901 : vector<256x1xf32>
    %mul3A_903 = arith.mulf %mul3A_898, %sub3A_832 : vector<256x1xf32>
    %sub3A_904 = arith.subf %sub3A_821, %mul3A_903 : vector<256x1xf32>
    %mul3A_905 = arith.mulf %mul3A_898, %sub3A_834 : vector<256x1xf32>
    %sub3A_906 = arith.subf %sub3A_823, %mul3A_905 : vector<256x1xf32>
    %mul3A_907 = arith.mulf %sub3A_716, %div3A_870 : vector<256x1xf32>
    %mul3A_908 = arith.mulf %mul3A_907, %sub3A_828 : vector<256x1xf32>
    %sub3A_909 = arith.subf %sub3A_718, %mul3A_908 : vector<256x1xf32>
    %mul3A_910 = arith.mulf %mul3A_907, %sub3A_830 : vector<256x1xf32>
    %sub3A_911 = arith.subf %sub3A_720, %mul3A_910 : vector<256x1xf32>
    %mul3A_912 = arith.mulf %mul3A_907, %sub3A_832 : vector<256x1xf32>
    %sub3A_913 = arith.subf %sub3A_722, %mul3A_912 : vector<256x1xf32>
    %mul3A_914 = arith.mulf %mul3A_907, %sub3A_834 : vector<256x1xf32>
    %sub3A_915 = arith.subf %sub3A_724, %mul3A_914 : vector<256x1xf32>
    %mul3A_916 = arith.mulf %sub3A_837, %div3A_870 : vector<256x1xf32>
    %mul3A_917 = arith.mulf %mul3A_916, %sub3A_828 : vector<256x1xf32>
    %sub3A_918 = arith.subf %sub3A_839, %mul3A_917 : vector<256x1xf32>
    %mul3A_919 = arith.mulf %mul3A_916, %sub3A_830 : vector<256x1xf32>
    %sub3A_920 = arith.subf %sub3A_841, %mul3A_919 : vector<256x1xf32>
    %mul3A_921 = arith.mulf %mul3A_916, %sub3A_832 : vector<256x1xf32>
    %sub3A_922 = arith.subf %sub3A_843, %mul3A_921 : vector<256x1xf32>
    %mul3A_923 = arith.mulf %mul3A_916, %sub3A_834 : vector<256x1xf32>
    %sub3A_924 = arith.subf %sub3A_845, %mul3A_923 : vector<256x1xf32>
    %mul3A_925 = arith.mulf %sub3A_848, %div3A_870 : vector<256x1xf32>
    %mul3A_926 = arith.mulf %mul3A_925, %sub3A_828 : vector<256x1xf32>
    %sub3A_927 = arith.subf %sub3A_850, %mul3A_926 : vector<256x1xf32>
    %mul3A_928 = arith.mulf %mul3A_925, %sub3A_830 : vector<256x1xf32>
    %sub3A_929 = arith.subf %sub3A_852, %mul3A_928 : vector<256x1xf32>
    %mul3A_930 = arith.mulf %mul3A_925, %sub3A_832 : vector<256x1xf32>
    %sub3A_931 = arith.subf %sub3A_854, %mul3A_930 : vector<256x1xf32>
    %mul3A_932 = arith.mulf %mul3A_925, %sub3A_834 : vector<256x1xf32>
    %sub3A_933 = arith.subf %sub3A_856, %mul3A_932 : vector<256x1xf32>
    %mul3A_934 = arith.mulf %sub3A_859, %div3A_870 : vector<256x1xf32>
    %mul3A_935 = arith.mulf %mul3A_934, %sub3A_828 : vector<256x1xf32>
    %sub3A_936 = arith.subf %sub3A_861, %mul3A_935 : vector<256x1xf32>
    %mul3A_937 = arith.mulf %mul3A_934, %sub3A_830 : vector<256x1xf32>
    %sub3A_938 = arith.subf %sub3A_863, %mul3A_937 : vector<256x1xf32>
    %mul3A_939 = arith.mulf %mul3A_934, %sub3A_832 : vector<256x1xf32>
    %sub3A_940 = arith.subf %sub3A_865, %mul3A_939 : vector<256x1xf32>
    %mul3A_941 = arith.mulf %mul3A_934, %sub3A_834 : vector<256x1xf32>
    %sub3A_942 = arith.subf %sub3A_867, %mul3A_941 : vector<256x1xf32>
    %div3A_943 = arith.constant 1.000000e+00 : f32
    %div3A_944 = vector.broadcast %div3A_943 : f32 to vector<256x1xf32>
    %div3A_945 = arith.divf %div3A_944, %sub3A_918 : vector<256x1xf32>
    %mul3A_946 = arith.mulf %sub3A_873, %div3A_945 : vector<256x1xf32>
    %mul3A_947 = arith.mulf %mul3A_946, %sub3A_920 : vector<256x1xf32>
    %sub3A_948 = arith.subf %sub3A_875, %mul3A_947 : vector<256x1xf32>
    %mul3A_949 = arith.mulf %mul3A_946, %sub3A_922 : vector<256x1xf32>
    %sub3A_950 = arith.subf %sub3A_877, %mul3A_949 : vector<256x1xf32>
    %mul3A_951 = arith.mulf %mul3A_946, %sub3A_924 : vector<256x1xf32>
    %sub3A_952 = arith.subf %sub3A_879, %mul3A_951 : vector<256x1xf32>
    %mul3A_953 = arith.mulf %sub3A_882, %div3A_945 : vector<256x1xf32>
    %mul3A_954 = arith.mulf %mul3A_953, %sub3A_920 : vector<256x1xf32>
    %sub3A_955 = arith.subf %sub3A_884, %mul3A_954 : vector<256x1xf32>
    %mul3A_956 = arith.mulf %mul3A_953, %sub3A_922 : vector<256x1xf32>
    %sub3A_957 = arith.subf %sub3A_886, %mul3A_956 : vector<256x1xf32>
    %mul3A_958 = arith.mulf %mul3A_953, %sub3A_924 : vector<256x1xf32>
    %sub3A_959 = arith.subf %sub3A_888, %mul3A_958 : vector<256x1xf32>
    %mul3A_960 = arith.mulf %sub3A_891, %div3A_945 : vector<256x1xf32>
    %mul3A_961 = arith.mulf %mul3A_960, %sub3A_920 : vector<256x1xf32>
    %sub3A_962 = arith.subf %sub3A_893, %mul3A_961 : vector<256x1xf32>
    %mul3A_963 = arith.mulf %mul3A_960, %sub3A_922 : vector<256x1xf32>
    %sub3A_964 = arith.subf %sub3A_895, %mul3A_963 : vector<256x1xf32>
    %mul3A_965 = arith.mulf %mul3A_960, %sub3A_924 : vector<256x1xf32>
    %sub3A_966 = arith.subf %sub3A_897, %mul3A_965 : vector<256x1xf32>
    %mul3A_967 = arith.mulf %sub3A_900, %div3A_945 : vector<256x1xf32>
    %mul3A_968 = arith.mulf %mul3A_967, %sub3A_920 : vector<256x1xf32>
    %sub3A_969 = arith.subf %sub3A_902, %mul3A_968 : vector<256x1xf32>
    %mul3A_970 = arith.mulf %mul3A_967, %sub3A_922 : vector<256x1xf32>
    %sub3A_971 = arith.subf %sub3A_904, %mul3A_970 : vector<256x1xf32>
    %mul3A_972 = arith.mulf %mul3A_967, %sub3A_924 : vector<256x1xf32>
    %sub3A_973 = arith.subf %sub3A_906, %mul3A_972 : vector<256x1xf32>
    %mul3A_974 = arith.mulf %sub3A_909, %div3A_945 : vector<256x1xf32>
    %mul3A_975 = arith.mulf %mul3A_974, %sub3A_920 : vector<256x1xf32>
    %sub3A_976 = arith.subf %sub3A_911, %mul3A_975 : vector<256x1xf32>
    %mul3A_977 = arith.mulf %mul3A_974, %sub3A_922 : vector<256x1xf32>
    %sub3A_978 = arith.subf %sub3A_913, %mul3A_977 : vector<256x1xf32>
    %mul3A_979 = arith.mulf %mul3A_974, %sub3A_924 : vector<256x1xf32>
    %sub3A_980 = arith.subf %sub3A_915, %mul3A_979 : vector<256x1xf32>
    %mul3A_981 = arith.mulf %sub3A_828, %div3A_945 : vector<256x1xf32>
    %mul3A_982 = arith.mulf %mul3A_981, %sub3A_920 : vector<256x1xf32>
    %sub3A_983 = arith.subf %sub3A_830, %mul3A_982 : vector<256x1xf32>
    %mul3A_984 = arith.mulf %mul3A_981, %sub3A_922 : vector<256x1xf32>
    %sub3A_985 = arith.subf %sub3A_832, %mul3A_984 : vector<256x1xf32>
    %mul3A_986 = arith.mulf %mul3A_981, %sub3A_924 : vector<256x1xf32>
    %sub3A_987 = arith.subf %sub3A_834, %mul3A_986 : vector<256x1xf32>
    %mul3A_988 = arith.mulf %sub3A_927, %div3A_945 : vector<256x1xf32>
    %mul3A_989 = arith.mulf %mul3A_988, %sub3A_920 : vector<256x1xf32>
    %sub3A_990 = arith.subf %sub3A_929, %mul3A_989 : vector<256x1xf32>
    %mul3A_991 = arith.mulf %mul3A_988, %sub3A_922 : vector<256x1xf32>
    %sub3A_992 = arith.subf %sub3A_931, %mul3A_991 : vector<256x1xf32>
    %mul3A_993 = arith.mulf %mul3A_988, %sub3A_924 : vector<256x1xf32>
    %sub3A_994 = arith.subf %sub3A_933, %mul3A_993 : vector<256x1xf32>
    %mul3A_995 = arith.mulf %sub3A_936, %div3A_945 : vector<256x1xf32>
    %mul3A_996 = arith.mulf %mul3A_995, %sub3A_920 : vector<256x1xf32>
    %sub3A_997 = arith.subf %sub3A_938, %mul3A_996 : vector<256x1xf32>
    %mul3A_998 = arith.mulf %mul3A_995, %sub3A_922 : vector<256x1xf32>
    %sub3A_999 = arith.subf %sub3A_940, %mul3A_998 : vector<256x1xf32>
    %mul3A_1000 = arith.mulf %mul3A_995, %sub3A_924 : vector<256x1xf32>
    %sub3A_1001 = arith.subf %sub3A_942, %mul3A_1000 : vector<256x1xf32>
    %div3A_1002 = arith.constant 1.000000e+00 : f32
    %div3A_1003 = vector.broadcast %div3A_1002 : f32 to vector<256x1xf32>
    %div3A_1004 = arith.divf %div3A_1003, %sub3A_990 : vector<256x1xf32>
    %mul3A_1005 = arith.mulf %sub3A_948, %div3A_1004 : vector<256x1xf32>
    %mul3A_1006 = arith.mulf %mul3A_1005, %sub3A_992 : vector<256x1xf32>
    %sub3A_1007 = arith.subf %sub3A_950, %mul3A_1006 : vector<256x1xf32>
    %mul3A_1008 = arith.mulf %mul3A_1005, %sub3A_994 : vector<256x1xf32>
    %sub3A_1009 = arith.subf %sub3A_952, %mul3A_1008 : vector<256x1xf32>
    %mul3A_1010 = arith.mulf %sub3A_955, %div3A_1004 : vector<256x1xf32>
    %mul3A_1011 = arith.mulf %mul3A_1010, %sub3A_992 : vector<256x1xf32>
    %sub3A_1012 = arith.subf %sub3A_957, %mul3A_1011 : vector<256x1xf32>
    %mul3A_1013 = arith.mulf %mul3A_1010, %sub3A_994 : vector<256x1xf32>
    %sub3A_1014 = arith.subf %sub3A_959, %mul3A_1013 : vector<256x1xf32>
    %mul3A_1015 = arith.mulf %sub3A_962, %div3A_1004 : vector<256x1xf32>
    %mul3A_1016 = arith.mulf %mul3A_1015, %sub3A_992 : vector<256x1xf32>
    %sub3A_1017 = arith.subf %sub3A_964, %mul3A_1016 : vector<256x1xf32>
    %mul3A_1018 = arith.mulf %mul3A_1015, %sub3A_994 : vector<256x1xf32>
    %sub3A_1019 = arith.subf %sub3A_966, %mul3A_1018 : vector<256x1xf32>
    %mul3A_1020 = arith.mulf %sub3A_969, %div3A_1004 : vector<256x1xf32>
    %mul3A_1021 = arith.mulf %mul3A_1020, %sub3A_992 : vector<256x1xf32>
    %sub3A_1022 = arith.subf %sub3A_971, %mul3A_1021 : vector<256x1xf32>
    %mul3A_1023 = arith.mulf %mul3A_1020, %sub3A_994 : vector<256x1xf32>
    %sub3A_1024 = arith.subf %sub3A_973, %mul3A_1023 : vector<256x1xf32>
    %mul3A_1025 = arith.mulf %sub3A_976, %div3A_1004 : vector<256x1xf32>
    %mul3A_1026 = arith.mulf %mul3A_1025, %sub3A_992 : vector<256x1xf32>
    %sub3A_1027 = arith.subf %sub3A_978, %mul3A_1026 : vector<256x1xf32>
    %mul3A_1028 = arith.mulf %mul3A_1025, %sub3A_994 : vector<256x1xf32>
    %sub3A_1029 = arith.subf %sub3A_980, %mul3A_1028 : vector<256x1xf32>
    %mul3A_1030 = arith.mulf %sub3A_983, %div3A_1004 : vector<256x1xf32>
    %mul3A_1031 = arith.mulf %mul3A_1030, %sub3A_992 : vector<256x1xf32>
    %sub3A_1032 = arith.subf %sub3A_985, %mul3A_1031 : vector<256x1xf32>
    %mul3A_1033 = arith.mulf %mul3A_1030, %sub3A_994 : vector<256x1xf32>
    %sub3A_1034 = arith.subf %sub3A_987, %mul3A_1033 : vector<256x1xf32>
    %mul3A_1035 = arith.mulf %sub3A_920, %div3A_1004 : vector<256x1xf32>
    %mul3A_1036 = arith.mulf %mul3A_1035, %sub3A_992 : vector<256x1xf32>
    %sub3A_1037 = arith.subf %sub3A_922, %mul3A_1036 : vector<256x1xf32>
    %mul3A_1038 = arith.mulf %mul3A_1035, %sub3A_994 : vector<256x1xf32>
    %sub3A_1039 = arith.subf %sub3A_924, %mul3A_1038 : vector<256x1xf32>
    %mul3A_1040 = arith.mulf %sub3A_997, %div3A_1004 : vector<256x1xf32>
    %mul3A_1041 = arith.mulf %mul3A_1040, %sub3A_992 : vector<256x1xf32>
    %sub3A_1042 = arith.subf %sub3A_999, %mul3A_1041 : vector<256x1xf32>
    %mul3A_1043 = arith.mulf %mul3A_1040, %sub3A_994 : vector<256x1xf32>
    %sub3A_1044 = arith.subf %sub3A_1001, %mul3A_1043 : vector<256x1xf32>
    %div3A_1045 = arith.constant 1.000000e+00 : f32
    %div3A_1046 = vector.broadcast %div3A_1045 : f32 to vector<256x1xf32>
    %div3A_1047 = arith.divf %div3A_1046, %sub3A_1042 : vector<256x1xf32>
    %mul3A_1048 = arith.mulf %sub3A_1007, %div3A_1047 : vector<256x1xf32>
    %mul3A_1049 = arith.mulf %mul3A_1048, %sub3A_1044 : vector<256x1xf32>
    %sub3A_1050 = arith.subf %sub3A_1009, %mul3A_1049 : vector<256x1xf32>
    %mul3A_1051 = arith.mulf %sub3A_1012, %div3A_1047 : vector<256x1xf32>
    %mul3A_1052 = arith.mulf %mul3A_1051, %sub3A_1044 : vector<256x1xf32>
    %sub3A_1053 = arith.subf %sub3A_1014, %mul3A_1052 : vector<256x1xf32>
    %mul3A_1054 = arith.mulf %sub3A_1017, %div3A_1047 : vector<256x1xf32>
    %mul3A_1055 = arith.mulf %mul3A_1054, %sub3A_1044 : vector<256x1xf32>
    %sub3A_1056 = arith.subf %sub3A_1019, %mul3A_1055 : vector<256x1xf32>
    %mul3A_1057 = arith.mulf %sub3A_1022, %div3A_1047 : vector<256x1xf32>
    %mul3A_1058 = arith.mulf %mul3A_1057, %sub3A_1044 : vector<256x1xf32>
    %sub3A_1059 = arith.subf %sub3A_1024, %mul3A_1058 : vector<256x1xf32>
    %mul3A_1060 = arith.mulf %sub3A_1027, %div3A_1047 : vector<256x1xf32>
    %mul3A_1061 = arith.mulf %mul3A_1060, %sub3A_1044 : vector<256x1xf32>
    %sub3A_1062 = arith.subf %sub3A_1029, %mul3A_1061 : vector<256x1xf32>
    %mul3A_1063 = arith.mulf %sub3A_1032, %div3A_1047 : vector<256x1xf32>
    %mul3A_1064 = arith.mulf %mul3A_1063, %sub3A_1044 : vector<256x1xf32>
    %sub3A_1065 = arith.subf %sub3A_1034, %mul3A_1064 : vector<256x1xf32>
    %mul3A_1066 = arith.mulf %sub3A_1037, %div3A_1047 : vector<256x1xf32>
    %mul3A_1067 = arith.mulf %mul3A_1066, %sub3A_1044 : vector<256x1xf32>
    %sub3A_1068 = arith.subf %sub3A_1039, %mul3A_1067 : vector<256x1xf32>
    %mul3A_1069 = arith.mulf %sub3A_992, %div3A_1047 : vector<256x1xf32>
    %mul3A_1070 = arith.mulf %mul3A_1069, %sub3A_1044 : vector<256x1xf32>
    %sub3A_1071 = arith.subf %sub3A_994, %mul3A_1070 : vector<256x1xf32>
    %div3A_1072 = arith.divf %sub3A_1050, %broadcast_in_dim3A : vector<256x1xf32>
    %div3A_1073 = arith.divf %sub3A_1053, %sub3A_258 : vector<256x1xf32>
    %div3A_1074 = arith.divf %sub3A_1056, %sub3A_430 : vector<256x1xf32>
    %div3A_1075 = arith.divf %sub3A_1059, %sub3A_582 : vector<256x1xf32>
    %div3A_1076 = arith.divf %sub3A_1062, %sub3A_714 : vector<256x1xf32>
    %div3A_1077 = arith.divf %sub3A_1065, %sub3A_826 : vector<256x1xf32>
    %div3A_1078 = arith.divf %sub3A_1068, %sub3A_918 : vector<256x1xf32>
    %div3A_1079 = arith.divf %sub3A_1071, %sub3A_990 : vector<256x1xf32>
    %div3A_1080 = arith.divf %sub3A_1044, %sub3A_1042 : vector<256x1xf32>
    %sub3A_1081 = arith.constant 1.000000e+00 : f32
    %sub3A_1082 = vector.broadcast %sub3A_1081 : f32 to vector<256x1xf32>
    %sub3A_1083 = arith.subf %sub3A_1082, %div3A_1072 : vector<256x1xf32>
    %sub3A_1084 = arith.subf %sub3A_1083, %div3A_1073 : vector<256x1xf32>
    %sub3A_1085 = arith.subf %sub3A_1084, %div3A_1074 : vector<256x1xf32>
    %sub3A_1086 = arith.subf %sub3A_1085, %div3A_1075 : vector<256x1xf32>
    %sub3A_1087 = arith.subf %sub3A_1086, %div3A_1076 : vector<256x1xf32>
    %sub3A_1088 = arith.subf %sub3A_1087, %div3A_1077 : vector<256x1xf32>
    %sub3A_1089 = arith.subf %sub3A_1088, %div3A_1078 : vector<256x1xf32>
    %sub3A_1090 = arith.subf %sub3A_1089, %div3A_1079 : vector<256x1xf32>
    %sub3A_1091 = arith.subf %sub3A_1090, %div3A_1080 : vector<256x1xf32>
    %mul3A_1092 = vector.broadcast %sub3A_1091 : vector<256x1xf32> to vector<256x256xf32>
    %mul3A_1093 = arith.mulf %mul3A_1092, %get3A_4 : vector<256x256xf32>
    %mul3A_1094 = vector.broadcast %div3A_1072 : vector<256x1xf32> to vector<256x256xf32>
    %mul3A_1095 = arith.mulf %mul3A_1094, %get3A_7 : vector<256x256xf32>
    %add3A = arith.addf %mul3A_1093, %mul3A_1095 : vector<256x256xf32>
    %mul3A_1096 = vector.broadcast %div3A_1073 : vector<256x1xf32> to vector<256x256xf32>
    %mul3A_1097 = arith.mulf %mul3A_1096, %get3A_10 : vector<256x256xf32>
    %add3A_1098 = arith.addf %add3A, %mul3A_1097 : vector<256x256xf32>
    %mul3A_1099 = vector.broadcast %div3A_1074 : vector<256x1xf32> to vector<256x256xf32>
    %mul3A_1100 = arith.mulf %mul3A_1099, %get3A_13 : vector<256x256xf32>
    %add3A_1101 = arith.addf %add3A_1098, %mul3A_1100 : vector<256x256xf32>
    %mul3A_1102 = vector.broadcast %div3A_1075 : vector<256x1xf32> to vector<256x256xf32>
    %mul3A_1103 = arith.mulf %mul3A_1102, %get3A_16 : vector<256x256xf32>
    %add3A_1104 = arith.addf %add3A_1101, %mul3A_1103 : vector<256x256xf32>
    %mul3A_1105 = vector.broadcast %div3A_1076 : vector<256x1xf32> to vector<256x256xf32>
    %mul3A_1106 = arith.mulf %mul3A_1105, %get3A_19 : vector<256x256xf32>
    %add3A_1107 = arith.addf %add3A_1104, %mul3A_1106 : vector<256x256xf32>
    %mul3A_1108 = vector.broadcast %div3A_1077 : vector<256x1xf32> to vector<256x256xf32>
    %mul3A_1109 = arith.mulf %mul3A_1108, %get3A_22 : vector<256x256xf32>
    %add3A_1110 = arith.addf %add3A_1107, %mul3A_1109 : vector<256x256xf32>
    %mul3A_1111 = vector.broadcast %div3A_1078 : vector<256x1xf32> to vector<256x256xf32>
    %mul3A_1112 = arith.mulf %mul3A_1111, %get3A_25 : vector<256x256xf32>
    %add3A_1113 = arith.addf %add3A_1110, %mul3A_1112 : vector<256x256xf32>
    %mul3A_1114 = vector.broadcast %div3A_1079 : vector<256x1xf32> to vector<256x256xf32>
    %mul3A_1115 = arith.mulf %mul3A_1114, %get3A_28 : vector<256x256xf32>
    %add3A_1116 = arith.addf %add3A_1113, %mul3A_1115 : vector<256x256xf32>
    %mul3A_1117 = vector.broadcast %div3A_1080 : vector<256x1xf32> to vector<256x256xf32>
    %mul3A_1118 = arith.mulf %mul3A_1117, %get3A_31 : vector<256x256xf32>
    %add3A_1119 = arith.addf %add3A_1116, %mul3A_1118 : vector<256x256xf32>
    %mul3A_1120 = arith.constant 5.000000e-01 : f32
    %mul3A_1121 = vector.broadcast %mul3A_1120 : f32 to vector<256x256xf32>
    %mul3A_1122 = arith.mulf %get3A_1, %mul3A_1121 : vector<256x256xf32>
    %mul3A_1123 = arith.constant 5.000000e-01 : f32
    %mul3A_1124 = vector.broadcast %mul3A_1123 : f32 to vector<256x256xf32>
    %mul3A_1125 = arith.mulf %add3A_1119, %mul3A_1124 : vector<256x256xf32>
    %add3A_1126 = arith.addf %mul3A_1122, %mul3A_1125 : vector<256x256xf32>
    %swap3A = arith.constant 0 : index
    %swap3A_1127 = arith.constant 0 : index
    %swap3A_1128 = vector.load %arg3[%swap3A, %swap3A_1127] : memref<256x256xf32, #tpu.memory_space<vmem>>, vector<256x256xf32>
    tpu.vector_store %arg3[%swap3A, %swap3A_1127], %add3A_1126 {strides = array<i32>} : memref<256x256xf32, #tpu.memory_space<vmem>>, vector<256x256xf32>,
    return
  }
  func.func @transform_0(%arg0: i32) -> (i32, i32) {
    %c0_i32 = arith.constant 0 : i32
    %c0_i32_0 = arith.constant 0 : i32
    return %arg0, %c0_i32 : i32, i32
  }
  func.func @transform_1(%arg0: i32) -> (i32, i32) {
    %c0_i32 = arith.constant 0 : i32
    %c0_i32_0 = arith.constant 0 : i32
    return %arg0, %c0_i32 : i32, i32
  }
  func.func @transform_2(%arg0: i32) -> (i32, i32) {
    %c0_i32 = arith.constant 0 : i32
    %c0_i32_0 = arith.constant 0 : i32
    return %arg0, %c0_i32 : i32, i32
  }
}

</mosaic_0001>

<sc_bundles>
// kernel: kernel.6.cloned.1.call-start
scs
__scs_entry_jumppad:
0x0: {  	(pc) =	sbr.rel $0x88, $3  }
0x1: {  	(tag) =	ssettag $0x0;
	lr =	simm.s32 $0x1  }
0x2: {  	[smem:$0x3F9F] =	sst lr;
	_ =	strace $0xD0000000  }
0x3: {  	_ = 	snop  }
0x4: {  	_ = 	snop  }
0x5: {  	_ = 	snop  }
0x6: {  	_ = 	snop  }
0x7: {  	_ = 	snop  }
__scs_overlays_trampoline_lowered:
0x8: {  	[smem:$0x3FAE] =	sst s0  }
0x9: {  	[smem:$0x3FAF] =	sst s1  }
0xa: {  	[smem:$0x3FB0] =	sst s2  }
0xb: {  	[smem:$0x3FB1] =	sst s3  }
0xc: {  	[smem:$0x3FB2] =	sst s4  }
0xd: {  	[smem:$0x3FB3] =	sst s5  }
0xe: {  	[smem:$0x3FB4] =	sst s6  }
0xf: {  	[smem:$0x3FB5] =	sst s7  }
0x10: {  	[smem:$0x3FB6] =	sst s8  }
0x11: {  	[smem:$0x3FB7] =	sst s9;
	s0 =	simm.s32 @!p0 $0x0  }
0x12: {  	s1 =	sld [smem:$0x3F9D];
	s0 =	simm.s32 @p0 $0x1  }
0x13: {  	[smem:$0x3FB8] =	sst s0;
	s0 =	simm.s32 @!p1 $0x0  }
0x14: {  	s2 =	sld [smem:$0x3F9C];
	s0 =	simm.s32 @p1 $0x1  }
0x15: {  	[smem:$0x3FB9] =	sst s0;
	s0 =	simm.s32 @!p2 $0x0  }
0x16: {  	s3 =	sld [smem:$0x3FDB];
	s0 =	simm.s32 @p2 $0x1  }
0x17: {  	s4 =	simm.s32 $0x1BF5;
	[smem:$0x3FBB] =	sst s0  }
0x18: {  	s0 =	sld [smem:$0x3F9E];
	_ =	swait.ge [sflag:s4], $0x0  }
0x19: {  	s7 =	sld [smem:$0x3F9F]  }
0x1a: {  	s8 =	sadd.s32 $0xFFFFE003, lr  }
0x1b: {  	s9 =	sadd.s32 $0xFFFFFEF7, lr;
	s5 =	simm.s32 $0xFFFFFFFF;
	p2 =	slt.u32 s8, $0xFFFFF086  }
0x1c: {  	p1 =	slt.u32 s9, $0xF7A;
	s5 =	simm.s32 @!p2 $0x0  }
0x1d: {  	s5 =	simm.s32 @p1 $0x1;
	p0 =	seq.s32 s7, s2  }
0x1e: {  	s7 =	smul.u32 @!p0 $0xF7A, s2;
	p2 =	seq.s32 @!p0 s5, $0x0  }
0x1f: {  	s9 =	smul.u32 $0xF7A, s1;
	s8 =	simm.s32 @!p0 $0x1BF5;
	p2 =	por !p2, p0  }
0x20: {  	[sflag:s8] =	ssyncset.s32 @!p0 $0xFFFFF086;
	s6 =	sadd.s32 @!p0 s3, s7;
	s7 =	simm.s32 @!p0 $0x108  }
0x21: {  	s3 =	sadd.s32 s3, s9;
	s6 =	sadd.s32 @!p0 $0x88, s6;
	s7 =	simm.s32 @p2 $0x1082  }
0x22: {  	[simem:s7], [sflag:s8] =	dma.local @!p0 [hbm:s6], $0xF7A  }
0x23: {  	s9 =	sor.u32 $0xD0000000, s2;
	s6 =	simm.s32 $0x108;
	_ =	swait.ge @!p0 [sflag:s8], $0x0  }
0x24: {  	s3 =	sadd.s32 $0x88, s3;
	s6 =	simm.s32 @!p1 $0x1082;
	[sflag:s4] =	ssyncset.s32 $0xFFFFF086  }
0x25: {  	[simem:s6], [sflag:s4] =	dma.local [hbm:s3], $0xF7A  }
0x26: {  	[smem:$0x3F9F] =	sst s1;
	(tag) =	ssettag s2;
	_ =	strace s9  }
0x27: {  	s1 =	sld [smem:$0x3FAF]  }
0x28: {  	s2 =	sld [smem:$0x3FB0]  }
0x29: {  	s4 =	sld [smem:$0x3FB2]  }
0x2a: {  	p0 =	seq.s32 s5, $0x0;
	s5 =	sld [smem:$0x3FB3]  }
0x2b: {  	s6 =	sld [smem:$0x3FB4]  }
0x2c: {  	s7 =	sld [smem:$0x3FB5]  }
0x2d: {  	s3 =	simm.s32 $0x108;
	s8 =	sld [smem:$0x3FB6]  }
0x2e: {  	s3 =	simm.s32 @!p0 $0x1082;
	s9 =	sld [smem:$0x3FB7]  }
0x2f: {  	lr =	sadd.s32 s0, s3;
	s0 =	sld [smem:$0x3FAE]  }
0x30: {  	s3 =	sld [smem:$0x3FB1]  }
0x31: {  	[smem:$0x3FBA] =	sst s10  }
0x32: {  	s10 =	sld [smem:$0x3FB8];
	_ =	sdelay $0x3  }
0x33: {  	p0 =	seq.s32 s10, $0x1;
	s10 =	sld [smem:$0x3FBA];
	_ =	sdelay $0x3  }
0x34: {  	[smem:$0x3FBA] =	sst s10  }
0x35: {  	s10 =	sld [smem:$0x3FB9];
	_ =	sdelay $0x3  }
0x36: {  	p1 =	seq.s32 s10, $0x1;
	s10 =	sld [smem:$0x3FBA];
	_ =	sdelay $0x3  }
0x37: {  	[smem:$0x3FBA] =	sst s10  }
0x38: {  	s10 =	sld [smem:$0x3FBB]  }
0x39: {  	_ = 	snop;
	(pc) =	sbr.ind lr, $3  }
0x3a: {  	_ = 	snop  }
0x3b: {  	_ = 	snop  }
0x3c: {  	p2 =	seq.s32 s10, $0x1;
	s10 =	sld [smem:$0x3FBA]  }
0x3d: {  	_ =	shalt  }
0x3e: {  	_ =	shalt  }
0x3f: {  	_ =	shalt  }
0x40: {  	_ =	shalt  }
0x41: {  	_ =	shalt  }
0x42: {  	_ =	shalt  }
0x43: {  	_ =	shalt  }
0x44: {  	_ =	shalt  }
0x45: {  	_ =	shalt  }
0x46: {  	_ =	shalt  }
0x47: {  	_ =	shalt  }
0x48: {  	_ =	shalt  }
0x49: {  	_ =	shalt  }
0x4a: {  	_ =	shalt  }
0x4b: {  	_ =	shalt  }
0x4c: {  	_ =	shalt  }
0x4d: {  	_ =	shalt  }
0x4e: {  	_ =	shalt  }
0x4f: {  	_ =	shalt  }
0x50: {  	_ =	shalt  }
0x51: {  	_ =	shalt  }
0x52: {  	_ =	shalt  }
0x53: {  	_ =	shalt  }
0x54: {  	_ =	shalt  }
0x55: {  	_ =	shalt  }
0x56: {  	_ =	shalt  }
0x57: {  	_ =	shalt  }
0x58: {  	_ =	shalt  }
0x59: {  	_ =	shalt  }
0x5a: {  	_ =	shalt  }
0x5b: {  	_ =	shalt  }
0x5c: {  	_ =	shalt  }
0x5d: {  	_ =	shalt  }
0x5e: {  	_ =	shalt  }
0x5f: {  	_ =	shalt  }
0x60: {  	_ =	shalt  }
0x61: {  	_ =	shalt  }
0x62: {  	_ =	shalt  }
0x63: {  	_ =	shalt  }
0x64: {  	_ =	shalt  }
0x65: {  	_ =	shalt  }
0x66: {  	_ =	shalt  }
0x67: {  	_ =	shalt  }
0x68: {  	_ =	shalt  }
0x69: {  	_ =	shalt  }
0x6a: {  	_ =	shalt  }
0x6b: {  	_ =	shalt  }
0x6c: {  	_ =	shalt  }
0x6d: {  	_ =	shalt  }
0x6e: {  	_ =	shalt  }
0x6f: {  	_ =	shalt  }
0x70: {  	_ =	shalt  }
0x71: {  	_ =	shalt  }
0x72: {  	_ =	shalt  }
0x73: {  	_ =	shalt  }
0x74: {  	_ =	shalt  }
0x75: {  	_ =	shalt  }
0x76: {  	_ =	shalt  }
0x77: {  	_ =	shalt  }
0x78: {  	_ =	shalt  }
0x79: {  	_ =	shalt  }
0x7a: {  	_ =	shalt  }
0x7b: {  	_ =	shalt  }
0x7c: {  	_ =	shalt  }
0x7d: {  	_ =	shalt  }
0x7e: {  	_ =	shalt  }
0x7f: {  	_ =	shalt  }
0x80: {  	_ =	shalt  }
0x81: {  	_ =	shalt  }
0x82: {  	_ =	shalt  }
0x83: {  	_ =	shalt  }
0x84: {  	_ =	shalt  }
0x85: {  	_ =	shalt  }
0x86: {  	_ =	shalt  }
0x87: {  	_ =	shalt  }
.Lfunc_end0:
.L_simem_size_0:
called_computation_lowered:
.L_overlay_start_0:
0x88: {  	s2 =	sld [smem:$0x3FD9]  }
0x89: {  	s3 =	sld [smem:$0x3FFE];
	_ =	sdelay $0x1  }
0x8a: {  	s1 =	srdreg.scid  }
0x8b: {  	s0 =	sand.u32 $0x1, s1  }
0x8c: {  	s17 =	sshll.u32 s0, $0xA;
	s2 =	sadd.s32 s3, s2  }
0x8d: {  	s2 =	sadd.s32 s2, s17  }
0x8e: {  	[smem:$0x3FC6] =	sst s2  }
0x8f: {  	_ = 	snop  }
0x90: {  	s2 =	sld [smem:$0x3FC8]  }
0x91: {  	s18 =	sld [smem:$0x3FD0];
	(tm) =	ssettm $0x1  }
0x92: {  	s4 =	sld [smem:$0x3FFB];
	_ =	sdelay $0x3  }
0x93: {  	_ =	strace s4  }
0x94: {  	s4 =	sld [smem:$0x3FFC];
	_ =	sdelay $0x3  }
0x95: {  	_ =	strace s4  }
0x96: {  	s4 =	sld [smem:$0x3FFD];
	_ =	sdelay $0x3  }
0x97: {  	_ =	strace s4  }
0x98: {  	_ =	strace $0x8FFFFFFF  }
0x99: {  	s19 =	sld [smem:$0x3FDB];
	_ =	sdelay $0x1  }
0x9a: {  	s5 =	simm.s32 $_scs_section_size  }
0x9b: {  	s6 =	simm.s32 $_size__tile_overlayer_lowered;
	s7 =	simm.s32 $_tile_overlayer_lowered  }
0x9c: {  	s22 =	simm.s32 $0x1BFF;
	s21 =	sshll.u32 s7, $0x1;
	s4 =	sadd.s32 s5, s19  }
0x9d: {  	s8 =	simm.s32 $0x0;
	s20 =	sshll.u32 s6, $0x1;
	s6 =	sadd.s32 s21, s4  }
0x9e: {  	[timem:s8], [sflag:s22] =	dma.local [hbm:s6], s20  }
0x9f: {  	_ =	swait.ge [sflag:s22], s20  }
0xa0: {  	s5 =	ssub.s32 $0x0, s20;
	[sflag:s22] =	ssyncset.done $0x0  }
0xa1: {  	[sflag:s22] =	ssyncadd.s32 s5;
	_ =	sdelay $0x1  }
0xa2: {  	s23 =	simm.s32 $0x1B8B  }
0xa3: {  	_ =	swait.ge [sflag:s23], $0x1  }
0xa4: {  	[sflag:s23] =	ssyncset.done $0x0  }
0xa5: {  	s25 =	simm.s32 $0x1B8E;
	s24 =	sld [smem:$0x3FFE];
	[sflag:s23] =	ssyncadd.s32 $0xFFFFFFFF  }
0xa6: {  	s26 =	simm.s32 $execute0_lowered;
	[smem:$0x3FD2] =	sst s25  }
0xa7: {  	s6 =	sshll.u32 s26, $0x1;
	_ =	strace $0x80000046;
	[dreg:$0x1] =	wrdreg $0xFFFFFFFF  }
0xa8: {  	s28 =	simm.s32 $_size_execute0_lowered;
	s4 =	sadd.s32 s4, s6;
	[dreg:$0x0] =	wrdreg $0x0  }
0xa9: {  	s6 =	sshll.u32 s28, $0x1;
	[dreg:$0x2] =	wrdreg s4  }
0xaa: {  	[dreg:$0x3] =	wrdreg s6  }
0xab: {  	[dreg:$0x4] =	wrdreg $0xC0  }
0xac: {  	_ =	task [dreg:s8], $0x5FFFF  }
0xad: {  	[dreg:$0x1] =	wrdreg $0xFFFFFFFF  }
0xae: {  	[dreg:$0x0] =	wrdreg $0x60  }
0xaf: {  	[dreg:$0x2] =	wrdreg s2  }
0xb0: {  	[dreg:$0x3] =	wrdreg s18  }
0xb1: {  	[dreg:$0x4] =	wrdreg s24  }
0xb2: {  	[dreg:$0x5] =	wrdreg $0x9  }
0xb3: {  	_ =	task.clear_ibuf [dreg:s8], $0x6FFFF;
	_ =	strace $0x90000046  }
0xb4: {  	s29 =	simm.s32 $0x9;
	_ =	strace $0x80000048  }
0xb5: {  	_ =	swait.ge [sflag:s29], $0x1  }
0xb6: {  	[sflag:s29] =	ssyncadd.s32 $0xFFFFFFFF  }
0xb7: {  	_ =	strace $0x90000048  }
0xb8: {  	_ =	sfence  }
0xb9: {  	s30 =	sld [smem:$0x0];
	_ =	sdelay $0x2  }
0xba: {  	s31 =	sshll.u32 s1, $0xD;
	s1 =	sshrl.u32 s1, $0x2  }
0xbb: {  	s3 =	sand.u32 $0x4000, s31;
	s1 =	sadd.s32 s1, s30  }
0xbc: {  	s0 =	sor.u32 s3, s0;
	s1 =	sshll.u32 s1, $0x11  }
0xbd: {  	s0 =	sor.u32 s1, s0  }
0xbe: {  	s0 =	sadd.s32 $0x8F2B, s0  }
0xbf: {  	[sflag:s0] =	ssyncadd.remote.s32 $0x1  }
0xc0: {  	_ =	sfence.sel $0xFFFF  }
0xc1: {  	[dreg:$0x0] =	wrdreg $0xFFFFFFFF;
	(pc) =	sbr.abs _section_cstart, $3  }
0xc2: {  	[dreg:$0x1] =	wrdreg $0xFFFFFFFF  }
0xc3: {  	_ =	task.clear_ibuf [dreg:s8], $0x2FFFF;
	_ =	strace $0x9FFFFFFF  }
0xc4: {  	(tm) =	ssettm $0x7FFFFFFF  }
0xc5: {  	_ =	shalt  }
tec
execute0_lowered:
.L_overlay_start_1:
0x0: {  	(tag) =	ssettag $0x1  }
0x1: {  	s1 =	rddreg [dreg:$0x0]  }
0x2: {  	s2 =	rddreg [dreg:$0x1];
	s3 =	srdreg.scid  }
0x3: {  	s0 =	stileid.u32;
	s4 =	rddreg [dreg:$0x2];
	s15 =	simm.s32 $0x80  }
0x4: {  	s16 =	simm.s32 $0x880;
	s17 =	simm.s32 $0x1080;
	s18 =	simm.s32 $0x1880  }
0x5: {  	s28 =	simm.s32 $0x6080;
	s29 =	simm.s32 $0x6880;
	s30 =	simm.s32 $0x7080  }
0x6: {  	s31 =	simm.s32 $0x7880;
	s5 =	sand.u32 $0x1, s3;
	s6 =	sshll.u32 s0, $0x1  }
0x7: {  	s3 =	simm.s32 $0x0;
	s12 =	sadd.s32 $0x200, s4;
	s6 =	sor.u32 s5, s6  }
0x8: {  	[smem:$0x7FF] =	sst s3;
	s19 =	ssub.s32 $0x2, s5;
	s10 =	smul.u32 $0x280, s6  }
0x9: {  	_ =	strace $0x80000047;
	s7 =	sshrl.u32 s19, $0x1;
	s6 =	smul.u32 $0x5000, s6  }
0xa: {  	s13 =	ssub.s32 s19, s7;
	s19 =	simm.s32 $0x2080;
	s20 =	sshrl.u32 s10, $0x3  }
0xb: {  	s21 =	sadd.s32 $0x80, s10;
	s4 =	sadd.s32 s12, s6;
	s24 =	sadd.s32 $0x100, s10  }
0xc: {  	s11 =	sadd.s32 $0x180, s10;
	s14 =	sadd.s32 $0x200, s10;
	s13 =	smax.u32 s13, $0x1  }
0xd: {  	s5 =	sadd.s32 s2, s20;
	s22 =	sshrl.u32 s21, $0x3;
	s23 =	sshll.u32 s21, $0x5  }
0xe: {  	s8 =	sshrl.u32 s24, $0x3;
	s9 =	sshll.u32 s24, $0x5;
	s25 =	sshrl.u32 s11, $0x3  }
0xf: {  	s11 =	sshll.u32 s11, $0x5;
	s26 =	sshrl.u32 s14, $0x3;
	s14 =	sshll.u32 s14, $0x5  }
0x10: {  	s20 =	simm.s32 $0x2880;
	s21 =	simm.s32 $0x3080;
	s24 =	simm.s32 $0x4880  }
0x11: {  	[dreg:$0x4] =	wrdreg s5;
	s5 =	sadd.s32 s2, s22;
	s6 =	sadd.s32 s12, s23  }
0x12: {  	s7 =	sadd.s32 s2, s8;
	s8 =	sadd.s32 s12, s9;
	s9 =	sadd.s32 s2, s25  }
0x13: {  	v2 =	vlaneseq.u32;
	s10 =	sadd.s32 s12, s11;
	s11 =	sadd.s32 s2, s26;
	s12 =	sadd.s32 s12, s14  }
0x14: {  	vm0 =	vmmov $0xffff;
	v1 =	vshrl.u32 v2, $0x3;
	s14 =	simm.s32 $0x2;
	s22 =	simm.s32 $0x3880;
	s23 =	simm.s32 $0x4080  }
0x15: {  	v0 =	vand.u32 $0x7, v2;
	v2 =	vor.u32 $0x8, v2;
	v1 =	vmul.u32 $0x8, v1;
	s25 =	simm.s32 $0x5080;
	s26 =	simm.s32 $0x5880;
	s2 =	simm.s32 $0x1  }
.LBB2_1:
0x16: {  	s0 =	rddreg [dreg:$0x4]  }
0x17: {  	[tilespmem:s3], [sflag:$0x2] =	stream.linear.gather [hbm4b:s0+s3], $0x80, $0x38;
	[tilespmem:$0x8080] =	vst v63  }
0x18: {  	_ =	swait.ge [sflag:s14], $0x80  }
0x19: {  	[sflag:s14] =	ssyncset.done $0x0  }
0x1a: {  	[sflag:s14] =	ssyncadd.s32 $0xFFFFFF80  }
0x1b: {  	v3 =	vld [tilespmem:$0x0];
	_ =	sdelay $0x4  }
0x1c: {  	v4 =	vshll.u32 v3, $0x1  }
0x1d: {  	v3 =	vand.u32 $0x7, v3;
	v4 =	vand.u32 $0xFFFFFFF0, v4  }
0x1e: {  	v3 =	vor.u32 v3, v4  }
0x1f: {  	v4 =	vperm.xlane v3, v0;
	_ =	sdelay $0x1  }
0x20: {  	v3 =	vperm.xlane v3, v2;
	v4 =	vadd.s32 v1, v4;
	_ =	sdelay $0x1  }
0x21: {  	v3 =	vadd.s32 v1, v3;
	_ =	sdelay $0x2  }
0x22: {  	[tilespmem:s15], [sflag:$0x1] =	stream.indirect_vreg.gather [hbm4b:s1+s3], $0x80, v4, vm0, $0xb8;
	[tilespmem:$0x8080] =	vst v63  }
0x23: {  	_ = 	snop  }
0x24: {  	[tilespmem:s16], [sflag:$0x1] =	stream.indirect_vreg.gather [hbm4b:s1+s3], $0x80, v3, vm0, $0xb8;
	[tilespmem:$0x8080] =	vst v63  }
0x25: {  	v3 =	vld [tilespmem:$0x10];
	_ =	sdelay $0x4  }
0x26: {  	v25 =	vshll.u32 v3, $0x1  }
0x27: {  	v3 =	vand.u32 $0x7, v3;
	v4 =	vand.u32 $0xFFFFFFF0, v25  }
0x28: {  	v3 =	vor.u32 v3, v4  }
0x29: {  	v4 =	vperm.xlane v3, v0;
	_ =	sdelay $0x1  }
0x2a: {  	v3 =	vperm.xlane v3, v2;
	v4 =	vadd.s32 v1, v4;
	_ =	sdelay $0x1  }
0x2b: {  	v3 =	vadd.s32 v1, v3;
	_ =	sdelay $0x2  }
0x2c: {  	[tilespmem:s17], [sflag:$0x1] =	stream.indirect_vreg.gather [hbm4b:s1+s3], $0x80, v4, vm0, $0xb8;
	[tilespmem:$0x8080] =	vst v63  }
0x2d: {  	_ = 	snop  }
0x2e: {  	[tilespmem:s18], [sflag:$0x1] =	stream.indirect_vreg.gather [hbm4b:s1+s3], $0x80, v3, vm0, $0xb8;
	[tilespmem:$0x8080] =	vst v63  }
0x2f: {  	v3 =	vld [tilespmem:$0x20];
	_ =	sdelay $0x4  }
0x30: {  	v26 =	vshll.u32 v3, $0x1  }
0x31: {  	v3 =	vand.u32 $0x7, v3;
	v4 =	vand.u32 $0xFFFFFFF0, v26  }
0x32: {  	v3 =	vor.u32 v3, v4  }
0x33: {  	v4 =	vperm.xlane v3, v0;
	_ =	sdelay $0x1  }
0x34: {  	v3 =	vperm.xlane v3, v2;
	v4 =	vadd.s32 v1, v4;
	_ =	sdelay $0x1  }
0x35: {  	v3 =	vadd.s32 v1, v3;
	_ =	sdelay $0x2  }
0x36: {  	[tilespmem:s19], [sflag:$0x1] =	stream.indirect_vreg.gather [hbm4b:s1+s3], $0x80, v4, vm0, $0xb8;
	[tilespmem:$0x8080] =	vst v63  }
0x37: {  	_ = 	snop  }
0x38: {  	[tilespmem:s20], [sflag:$0x1] =	stream.indirect_vreg.gather [hbm4b:s1+s3], $0x80, v3, vm0, $0xb8;
	[tilespmem:$0x8080] =	vst v63  }
0x39: {  	v3 =	vld [tilespmem:$0x30];
	_ =	sdelay $0x4  }
0x3a: {  	v27 =	vshll.u32 v3, $0x1  }
0x3b: {  	v3 =	vand.u32 $0x7, v3;
	v4 =	vand.u32 $0xFFFFFFF0, v27  }
0x3c: {  	v3 =	vor.u32 v3, v4  }
0x3d: {  	v4 =	vperm.xlane v3, v0;
	_ =	sdelay $0x1  }
0x3e: {  	v3 =	vperm.xlane v3, v2;
	v4 =	vadd.s32 v1, v4;
	_ =	sdelay $0x1  }
0x3f: {  	v3 =	vadd.s32 v1, v3;
	_ =	sdelay $0x2  }
0x40: {  	[tilespmem:s21], [sflag:$0x1] =	stream.indirect_vreg.gather [hbm4b:s1+s3], $0x80, v4, vm0, $0xb8;
	[tilespmem:$0x8080] =	vst v63  }
0x41: {  	_ = 	snop  }
0x42: {  	[tilespmem:s22], [sflag:$0x1] =	stream.indirect_vreg.gather [hbm4b:s1+s3], $0x80, v3, vm0, $0xb8;
	[tilespmem:$0x8080] =	vst v63  }
0x43: {  	v3 =	vld [tilespmem:$0x40];
	_ =	sdelay $0x4  }
0x44: {  	v28 =	vshll.u32 v3, $0x1  }
0x45: {  	v3 =	vand.u32 $0x7, v3;
	v4 =	vand.u32 $0xFFFFFFF0, v28  }
0x46: {  	v3 =	vor.u32 v3, v4  }
0x47: {  	v4 =	vperm.xlane v3, v0;
	_ =	sdelay $0x1  }
0x48: {  	v3 =	vperm.xlane v3, v2;
	v4 =	vadd.s32 v1, v4;
	_ =	sdelay $0x1  }
0x49: {  	v3 =	vadd.s32 v1, v3;
	_ =	sdelay $0x2  }
0x4a: {  	[tilespmem:s23], [sflag:$0x1] =	stream.indirect_vreg.gather [hbm4b:s1+s3], $0x80, v4, vm0, $0xb8;
	[tilespmem:$0x8080] =	vst v63  }
0x4b: {  	_ = 	snop  }
0x4c: {  	[tilespmem:s24], [sflag:$0x1] =	stream.indirect_vreg.gather [hbm4b:s1+s3], $0x80, v3, vm0, $0xb8;
	[tilespmem:$0x8080] =	vst v63  }
0x4d: {  	v3 =	vld [tilespmem:$0x50];
	_ =	sdelay $0x4  }
0x4e: {  	v29 =	vshll.u32 v3, $0x1  }
0x4f: {  	v3 =	vand.u32 $0x7, v3;
	v4 =	vand.u32 $0xFFFFFFF0, v29  }
0x50: {  	v3 =	vor.u32 v3, v4  }
0x51: {  	v4 =	vperm.xlane v3, v0;
	_ =	sdelay $0x1  }
0x52: {  	v3 =	vperm.xlane v3, v2;
	v4 =	vadd.s32 v1, v4;
	_ =	sdelay $0x1  }
0x53: {  	v3 =	vadd.s32 v1, v3;
	_ =	sdelay $0x2  }
0x54: {  	[tilespmem:s25], [sflag:$0x1] =	stream.indirect_vreg.gather [hbm4b:s1+s3], $0x80, v4, vm0, $0xb8;
	[tilespmem:$0x8080] =	vst v63  }
0x55: {  	_ = 	snop  }
0x56: {  	[tilespmem:s26], [sflag:$0x1] =	stream.indirect_vreg.gather [hbm4b:s1+s3], $0x80, v3, vm0, $0xb8;
	[tilespmem:$0x8080] =	vst v63  }
0x57: {  	v3 =	vld [tilespmem:$0x60];
	_ =	sdelay $0x4  }
0x58: {  	v30 =	vshll.u32 v3, $0x1  }
0x59: {  	v3 =	vand.u32 $0x7, v3;
	v4 =	vand.u32 $0xFFFFFFF0, v30  }
0x5a: {  	v3 =	vor.u32 v3, v4  }
0x5b: {  	v4 =	vperm.xlane v3, v0;
	_ =	sdelay $0x1  }
0x5c: {  	v3 =	vperm.xlane v3, v2;
	v4 =	vadd.s32 v1, v4;
	_ =	sdelay $0x1  }
0x5d: {  	v3 =	vadd.s32 v1, v3;
	_ =	sdelay $0x2  }
0x5e: {  	[tilespmem:s28], [sflag:$0x1] =	stream.indirect_vreg.gather [hbm4b:s1+s3], $0x80, v4, vm0, $0xb8;
	[tilespmem:$0x8080] =	vst v63  }
0x5f: {  	_ = 	snop  }
0x60: {  	[tilespmem:s29], [sflag:$0x1] =	stream.indirect_vreg.gather [hbm4b:s1+s3], $0x80, v3, vm0, $0xb8;
	[tilespmem:$0x8080] =	vst v63  }
0x61: {  	v3 =	vld [tilespmem:$0x70];
	_ =	sdelay $0x4  }
0x62: {  	v31 =	vshll.u32 v3, $0x1  }
0x63: {  	v3 =	vand.u32 $0x7, v3;
	v4 =	vand.u32 $0xFFFFFFF0, v31  }
0x64: {  	v3 =	vor.u32 v3, v4  }
0x65: {  	v4 =	vperm.xlane v3, v0;
	_ =	sdelay $0x1  }
0x66: {  	v3 =	vperm.xlane v3, v2;
	v4 =	vadd.s32 v1, v4;
	_ =	sdelay $0x1  }
0x67: {  	v3 =	vadd.s32 v1, v3;
	_ =	sdelay $0x2  }
0x68: {  	[tilespmem:s30], [sflag:$0x1] =	stream.indirect_vreg.gather [hbm4b:s1+s3], $0x80, v4, vm0, $0xb8;
	[tilespmem:$0x8080] =	vst v63  }
0x69: {  	_ = 	snop  }
0x6a: {  	[tilespmem:s31], [sflag:$0x1] =	stream.indirect_vreg.gather [hbm4b:s1+s3], $0x80, v3, vm0, $0xb8;
	[tilespmem:$0x8080] =	vst v63  }
0x6b: {  	_ =	swait.ge [sflag:s2], $0x8000  }
0x6c: {  	[sflag:s2] =	ssyncset.done $0x0  }
0x6d: {  	[sflag:s2] =	ssyncadd.s32 $0xFFFF8000  }
0x6e: {  	[hbm4b:s4+s3] =	stream.linear.scatter [tilespmem:s15], [sflag:$0x2], $0x8000, $0x38;
	[tilespmem:$0x8080] =	vst v63  }
0x6f: {  	_ =	swait.ge [sflag:s14], $0x8000  }
0x70: {  	[sflag:s14] =	ssyncset.done $0x0  }
0x71: {  	[sflag:s14] =	ssyncadd.s32 $0xFFFF8000  }
0x72: {  	[tilespmem:s3], [sflag:$0x2] =	stream.linear.gather [hbm4b:s5+s3], $0x80, $0x38;
	[tilespmem:$0x8080] =	vst v63  }
0x73: {  	_ =	swait.ge [sflag:s14], $0x80  }
0x74: {  	[sflag:s14] =	ssyncset.done $0x0  }
0x75: {  	[sflag:s14] =	ssyncadd.s32 $0xFFFFFF80  }
0x76: {  	v3 =	vld [tilespmem:$0x0];
	_ =	sdelay $0x4  }
0x77: {  	v32 =	vshll.u32 v3, $0x1  }
0x78: {  	v3 =	vand.u32 $0x7, v3;
	v4 =	vand.u32 $0xFFFFFFF0, v32  }
0x79: {  	v3 =	vor.u32 v3, v4  }
0x7a: {  	v4 =	vperm.xlane v3, v0;
	_ =	sdelay $0x1  }
0x7b: {  	v3 =	vperm.xlane v3, v2;
	v4 =	vadd.s32 v1, v4;
	_ =	sdelay $0x1  }
0x7c: {  	v3 =	vadd.s32 v1, v3;
	_ =	sdelay $0x2  }
0x7d: {  	[tilespmem:s15], [sflag:$0x1] =	stream.indirect_vreg.gather [hbm4b:s1+s3], $0x80, v4, vm0, $0xb8;
	[tilespmem:$0x8080] =	vst v63  }
0x7e: {  	_ = 	snop  }
0x7f: {  	[tilespmem:s16], [sflag:$0x1] =	stream.indirect_vreg.gather [hbm4b:s1+s3], $0x80, v3, vm0, $0xb8;
	[tilespmem:$0x8080] =	vst v63  }
0x80: {  	v3 =	vld [tilespmem:$0x10];
	_ =	sdelay $0x4  }
0x81: {  	v33 =	vshll.u32 v3, $0x1  }
0x82: {  	v3 =	vand.u32 $0x7, v3;
	v4 =	vand.u32 $0xFFFFFFF0, v33  }
0x83: {  	v3 =	vor.u32 v3, v4  }
0x84: {  	v4 =	vperm.xlane v3, v0;
	_ =	sdelay $0x1  }
0x85: {  	v3 =	vperm.xlane v3, v2;
	v4 =	vadd.s32 v1, v4;
	_ =	sdelay $0x1  }
0x86: {  	v3 =	vadd.s32 v1, v3;
	_ =	sdelay $0x2  }
0x87: {  	[tilespmem:s17], [sflag:$0x1] =	stream.indirect_vreg.gather [hbm4b:s1+s3], $0x80, v4, vm0, $0xb8;
	[tilespmem:$0x8080] =	vst v63  }
0x88: {  	_ = 	snop  }
0x89: {  	[tilespmem:s18], [sflag:$0x1] =	stream.indirect_vreg.gather [hbm4b:s1+s3], $0x80, v3, vm0, $0xb8;
	[tilespmem:$0x8080] =	vst v63  }
0x8a: {  	v3 =	vld [tilespmem:$0x20];
	_ =	sdelay $0x4  }
0x8b: {  	v34 =	vshll.u32 v3, $0x1  }
0x8c: {  	v3 =	vand.u32 $0x7, v3;
	v4 =	vand.u32 $0xFFFFFFF0, v34  }
0x8d: {  	v3 =	vor.u32 v3, v4  }
0x8e: {  	v4 =	vperm.xlane v3, v0;
	_ =	sdelay $0x1  }
0x8f: {  	v3 =	vperm.xlane v3, v2;
	v4 =	vadd.s32 v1, v4;
	_ =	sdelay $0x1  }
0x90: {  	v3 =	vadd.s32 v1, v3;
	_ =	sdelay $0x2  }
0x91: {  	[tilespmem:s19], [sflag:$0x1] =	stream.indirect_vreg.gather [hbm4b:s1+s3], $0x80, v4, vm0, $0xb8;
	[tilespmem:$0x8080] =	vst v63  }
0x92: {  	_ = 	snop  }
0x93: {  	[tilespmem:s20], [sflag:$0x1] =	stream.indirect_vreg.gather [hbm4b:s1+s3], $0x80, v3, vm0, $0xb8;
	[tilespmem:$0x8080] =	vst v63  }
0x94: {  	v3 =	vld [tilespmem:$0x30];
	_ =	sdelay $0x4  }
0x95: {  	v35 =	vshll.u32 v3, $0x1  }
0x96: {  	v3 =	vand.u32 $0x7, v3;
	v4 =	vand.u32 $0xFFFFFFF0, v35  }
0x97: {  	v3 =	vor.u32 v3, v4  }
0x98: {  	v4 =	vperm.xlane v3, v0;
	_ =	sdelay $0x1  }
0x99: {  	v3 =	vperm.xlane v3, v2;
	v4 =	vadd.s32 v1, v4;
	_ =	sdelay $0x1  }
0x9a: {  	v3 =	vadd.s32 v1, v3;
	_ =	sdelay $0x2  }
0x9b: {  	[tilespmem:s21], [sflag:$0x1] =	stream.indirect_vreg.gather [hbm4b:s1+s3], $0x80, v4, vm0, $0xb8;
	[tilespmem:$0x8080] =	vst v63  }
0x9c: {  	_ = 	snop  }
0x9d: {  	[tilespmem:s22], [sflag:$0x1] =	stream.indirect_vreg.gather [hbm4b:s1+s3], $0x80, v3, vm0, $0xb8;
	[tilespmem:$0x8080] =	vst v63  }
0x9e: {  	v3 =	vld [tilespmem:$0x40];
	_ =	sdelay $0x4  }
0x9f: {  	v36 =	vshll.u32 v3, $0x1  }
0xa0: {  	v3 =	vand.u32 $0x7, v3;
	v4 =	vand.u32 $0xFFFFFFF0, v36  }
0xa1: {  	v3 =	vor.u32 v3, v4  }
0xa2: {  	v4 =	vperm.xlane v3, v0;
	_ =	sdelay $0x1  }
0xa3: {  	v3 =	vperm.xlane v3, v2;
	v4 =	vadd.s32 v1, v4;
	_ =	sdelay $0x1  }
0xa4: {  	v3 =	vadd.s32 v1, v3;
	_ =	sdelay $0x2  }
0xa5: {  	[tilespmem:s23], [sflag:$0x1] =	stream.indirect_vreg.gather [hbm4b:s1+s3], $0x80, v4, vm0, $0xb8;
	[tilespmem:$0x8080] =	vst v63  }
0xa6: {  	_ = 	snop  }
0xa7: {  	[tilespmem:s24], [sflag:$0x1] =	stream.indirect_vreg.gather [hbm4b:s1+s3], $0x80, v3, vm0, $0xb8;
	[tilespmem:$0x8080] =	vst v63  }
0xa8: {  	v3 =	vld [tilespmem:$0x50];
	_ =	sdelay $0x4  }
0xa9: {  	v37 =	vshll.u32 v3, $0x1  }
0xaa: {  	v3 =	vand.u32 $0x7, v3;
	v4 =	vand.u32 $0xFFFFFFF0, v37  }
0xab: {  	v3 =	vor.u32 v3, v4  }
0xac: {  	v4 =	vperm.xlane v3, v0;
	_ =	sdelay $0x1  }
0xad: {  	v3 =	vperm.xlane v3, v2;
	v4 =	vadd.s32 v1, v4;
	_ =	sdelay $0x1  }
0xae: {  	v3 =	vadd.s32 v1, v3;
	_ =	sdelay $0x2  }
0xaf: {  	[tilespmem:s25], [sflag:$0x1] =	stream.indirect_vreg.gather [hbm4b:s1+s3], $0x80, v4, vm0, $0xb8;
	[tilespmem:$0x8080] =	vst v63  }
0xb0: {  	_ = 	snop  }
0xb1: {  	[tilespmem:s26], [sflag:$0x1] =	stream.indirect_vreg.gather [hbm4b:s1+s3], $0x80, v3, vm0, $0xb8;
	[tilespmem:$0x8080] =	vst v63  }
0xb2: {  	v3 =	vld [tilespmem:$0x60];
	_ =	sdelay $0x4  }
0xb3: {  	v38 =	vshll.u32 v3, $0x1  }
0xb4: {  	v3 =	vand.u32 $0x7, v3;
	v4 =	vand.u32 $0xFFFFFFF0, v38  }
0xb5: {  	v3 =	vor.u32 v3, v4  }
0xb6: {  	v4 =	vperm.xlane v3, v0;
	_ =	sdelay $0x1  }
0xb7: {  	v3 =	vperm.xlane v3, v2;
	v4 =	vadd.s32 v1, v4;
	_ =	sdelay $0x1  }
0xb8: {  	v3 =	vadd.s32 v1, v3;
	_ =	sdelay $0x2  }
0xb9: {  	[tilespmem:s28], [sflag:$0x1] =	stream.indirect_vreg.gather [hbm4b:s1+s3], $0x80, v4, vm0, $0xb8;
	[tilespmem:$0x8080] =	vst v63  }
0xba: {  	_ = 	snop  }
0xbb: {  	[tilespmem:s29], [sflag:$0x1] =	stream.indirect_vreg.gather [hbm4b:s1+s3], $0x80, v3, vm0, $0xb8;
	[tilespmem:$0x8080] =	vst v63  }
0xbc: {  	v3 =	vld [tilespmem:$0x70];
	_ =	sdelay $0x4  }
0xbd: {  	v39 =	vshll.u32 v3, $0x1  }
0xbe: {  	v3 =	vand.u32 $0x7, v3;
	v4 =	vand.u32 $0xFFFFFFF0, v39  }
0xbf: {  	v3 =	vor.u32 v3, v4  }
0xc0: {  	v4 =	vperm.xlane v3, v0;
	_ =	sdelay $0x1  }
0xc1: {  	v3 =	vperm.xlane v3, v2;
	v4 =	vadd.s32 v1, v4;
	_ =	sdelay $0x1  }
0xc2: {  	v3 =	vadd.s32 v1, v3;
	_ =	sdelay $0x2  }
0xc3: {  	[tilespmem:s30], [sflag:$0x1] =	stream.indirect_vreg.gather [hbm4b:s1+s3], $0x80, v4, vm0, $0xb8;
	[tilespmem:$0x8080] =	vst v63  }
0xc4: {  	_ = 	snop  }
0xc5: {  	[tilespmem:s31], [sflag:$0x1] =	stream.indirect_vreg.gather [hbm4b:s1+s3], $0x80, v3, vm0, $0xb8;
	[tilespmem:$0x8080] =	vst v63  }
0xc6: {  	_ =	swait.ge [sflag:s2], $0x8000  }
0xc7: {  	[sflag:s2] =	ssyncset.done $0x0  }
0xc8: {  	[sflag:s2] =	ssyncadd.s32 $0xFFFF8000  }
0xc9: {  	[hbm4b:s6+s3] =	stream.linear.scatter [tilespmem:s15], [sflag:$0x2], $0x8000, $0x38;
	[tilespmem:$0x8080] =	vst v63  }
0xca: {  	_ =	swait.ge [sflag:s14], $0x8000  }
0xcb: {  	[sflag:s14] =	ssyncset.done $0x0  }
0xcc: {  	[sflag:s14] =	ssyncadd.s32 $0xFFFF8000  }
0xcd: {  	[tilespmem:s3], [sflag:$0x2] =	stream.linear.gather [hbm4b:s7+s3], $0x80, $0x38;
	[tilespmem:$0x8080] =	vst v63  }
0xce: {  	_ =	swait.ge [sflag:s14], $0x80  }
0xcf: {  	[sflag:s14] =	ssyncset.done $0x0  }
0xd0: {  	[sflag:s14] =	ssyncadd.s32 $0xFFFFFF80  }
0xd1: {  	v3 =	vld [tilespmem:$0x0];
	_ =	sdelay $0x4  }
0xd2: {  	v40 =	vshll.u32 v3, $0x1  }
0xd3: {  	v3 =	vand.u32 $0x7, v3;
	v4 =	vand.u32 $0xFFFFFFF0, v40  }
0xd4: {  	v3 =	vor.u32 v3, v4  }
0xd5: {  	v4 =	vperm.xlane v3, v0;
	_ =	sdelay $0x1  }
0xd6: {  	v3 =	vperm.xlane v3, v2;
	v4 =	vadd.s32 v1, v4;
	_ =	sdelay $0x1  }
0xd7: {  	v3 =	vadd.s32 v1, v3;
	_ =	sdelay $0x2  }
0xd8: {  	[tilespmem:s15], [sflag:$0x1] =	stream.indirect_vreg.gather [hbm4b:s1+s3], $0x80, v4, vm0, $0xb8;
	[tilespmem:$0x8080] =	vst v63  }
0xd9: {  	_ = 	snop  }
0xda: {  	[tilespmem:s16], [sflag:$0x1] =	stream.indirect_vreg.gather [hbm4b:s1+s3], $0x80, v3, vm0, $0xb8;
	[tilespmem:$0x8080] =	vst v63  }
0xdb: {  	v3 =	vld [tilespmem:$0x10];
	_ =	sdelay $0x4  }
0xdc: {  	v41 =	vshll.u32 v3, $0x1  }
0xdd: {  	v3 =	vand.u32 $0x7, v3;
	v4 =	vand.u32 $0xFFFFFFF0, v41  }
0xde: {  	v3 =	vor.u32 v3, v4  }
0xdf: {  	v4 =	vperm.xlane v3, v0;
	_ =	sdelay $0x1  }
0xe0: {  	v3 =	vperm.xlane v3, v2;
	v4 =	vadd.s32 v1, v4;
	_ =	sdelay $0x1  }
0xe1: {  	v3 =	vadd.s32 v1, v3;
	_ =	sdelay $0x2  }
0xe2: {  	[tilespmem:s17], [sflag:$0x1] =	stream.indirect_vreg.gather [hbm4b:s1+s3], $0x80, v4, vm0, $0xb8;
	[tilespmem:$0x8080] =	vst v63  }
0xe3: {  	_ = 	snop  }
0xe4: {  	[tilespmem:s18], [sflag:$0x1] =	stream.indirect_vreg.gather [hbm4b:s1+s3], $0x80, v3, vm0, $0xb8;
	[tilespmem:$0x8080] =	vst v63  }
0xe5: {  	v3 =	vld [tilespmem:$0x20];
	_ =	sdelay $0x4  }
0xe6: {  	v42 =	vshll.u32 v3, $0x1  }
0xe7: {  	v3 =	vand.u32 $0x7, v3;
	v4 =	vand.u32 $0xFFFFFFF0, v42  }
0xe8: {  	v3 =	vor.u32 v3, v4  }
0xe9: {  	v4 =	vperm.xlane v3, v0;
	_ =	sdelay $0x1  }
0xea: {  	v3 =	vperm.xlane v3, v2;
	v4 =	vadd.s32 v1, v4;
	_ =	sdelay $0x1  }
0xeb: {  	v3 =	vadd.s32 v1, v3;
	_ =	sdelay $0x2  }
0xec: {  	[tilespmem:s19], [sflag:$0x1] =	stream.indirect_vreg.gather [hbm4b:s1+s3], $0x80, v4, vm0, $0xb8;
	[tilespmem:$0x8080] =	vst v63  }
0xed: {  	_ = 	snop  }
0xee: {  	[tilespmem:s20], [sflag:$0x1] =	stream.indirect_vreg.gather [hbm4b:s1+s3], $0x80, v3, vm0, $0xb8;
	[tilespmem:$0x8080] =	vst v63  }
0xef: {  	v3 =	vld [tilespmem:$0x30];
	_ =	sdelay $0x4  }
0xf0: {  	v43 =	vshll.u32 v3, $0x1  }
0xf1: {  	v3 =	vand.u32 $0x7, v3;
	v4 =	vand.u32 $0xFFFFFFF0, v43  }
0xf2: {  	v3 =	vor.u32 v3, v4  }
0xf3: {  	v4 =	vperm.xlane v3, v0;
	_ =	sdelay $0x1  }
0xf4: {  	v3 =	vperm.xlane v3, v2;
	v4 =	vadd.s32 v1, v4;
	_ =	sdelay $0x1  }
0xf5: {  	v3 =	vadd.s32 v1, v3;
	_ =	sdelay $0x2  }
0xf6: {  	[tilespmem:s21], [sflag:$0x1] =	stream.indirect_vreg.gather [hbm4b:s1+s3], $0x80, v4, vm0, $0xb8;
	[tilespmem:$0x8080] =	vst v63  }
0xf7: {  	_ = 	snop  }
0xf8: {  	[tilespmem:s22], [sflag:$0x1] =	stream.indirect_vreg.gather [hbm4b:s1+s3], $0x80, v3, vm0, $0xb8;
	[tilespmem:$0x8080] =	vst v63  }
0xf9: {  	v3 =	vld [tilespmem:$0x40];
	_ =	sdelay $0x4  }
0xfa: {  	v44 =	vshll.u32 v3, $0x1  }
0xfb: {  	v3 =	vand.u32 $0x7, v3;
	v4 =	vand.u32 $0xFFFFFFF0, v44  }
0xfc: {  	v3 =	vor.u32 v3, v4  }
0xfd: {  	v4 =	vperm.xlane v3, v0;
	_ =	sdelay $0x1  }
0xfe: {  	v3 =	vperm.xlane v3, v2;
	v4 =	vadd.s32 v1, v4;
	_ =	sdelay $0x1  }
0xff: {  	v3 =	vadd.s32 v1, v3;
	_ =	sdelay $0x2  }
0x100: {  	[tilespmem:s23], [sflag:$0x1] =	stream.indirect_vreg.gather [hbm4b:s1+s3], $0x80, v4, vm0, $0xb8;
	[tilespmem:$0x8080] =	vst v63  }
0x101: {  	_ = 	snop  }
0x102: {  	[tilespmem:s24], [sflag:$0x1] =	stream.indirect_vreg.gather [hbm4b:s1+s3], $0x80, v3, vm0, $0xb8;
	[tilespmem:$0x8080] =	vst v63  }
0x103: {  	v3 =	vld [tilespmem:$0x50];
	_ =	sdelay $0x4  }
0x104: {  	v45 =	vshll.u32 v3, $0x1  }
0x105: {  	v3 =	vand.u32 $0x7, v3;
	v4 =	vand.u32 $0xFFFFFFF0, v45  }
0x106: {  	v3 =	vor.u32 v3, v4  }
0x107: {  	v4 =	vperm.xlane v3, v0;
	_ =	sdelay $0x1  }
0x108: {  	v3 =	vperm.xlane v3, v2;
	v4 =	vadd.s32 v1, v4;
	_ =	sdelay $0x1  }
0x109: {  	v3 =	vadd.s32 v1, v3;
	_ =	sdelay $0x2  }
0x10a: {  	[tilespmem:s25], [sflag:$0x1] =	stream.indirect_vreg.gather [hbm4b:s1+s3], $0x80, v4, vm0, $0xb8;
	[tilespmem:$0x8080] =	vst v63  }
0x10b: {  	_ = 	snop  }
0x10c: {  	[tilespmem:s26], [sflag:$0x1] =	stream.indirect_vreg.gather [hbm4b:s1+s3], $0x80, v3, vm0, $0xb8;
	[tilespmem:$0x8080] =	vst v63  }
0x10d: {  	v3 =	vld [tilespmem:$0x60];
	_ =	sdelay $0x4  }
0x10e: {  	v46 =	vshll.u32 v3, $0x1  }
0x10f: {  	v3 =	vand.u32 $0x7, v3;
	v4 =	vand.u32 $0xFFFFFFF0, v46  }
0x110: {  	v3 =	vor.u32 v3, v4  }
0x111: {  	v4 =	vperm.xlane v3, v0;
	_ =	sdelay $0x1  }
0x112: {  	v3 =	vperm.xlane v3, v2;
	v4 =	vadd.s32 v1, v4;
	_ =	sdelay $0x1  }
0x113: {  	v3 =	vadd.s32 v1, v3;
	_ =	sdelay $0x2  }
0x114: {  	[tilespmem:s28], [sflag:$0x1] =	stream.indirect_vreg.gather [hbm4b:s1+s3], $0x80, v4, vm0, $0xb8;
	[tilespmem:$0x8080] =	vst v63  }
0x115: {  	_ = 	snop  }
0x116: {  	[tilespmem:s29], [sflag:$0x1] =	stream.indirect_vreg.gather [hbm4b:s1+s3], $0x80, v3, vm0, $0xb8;
	[tilespmem:$0x8080] =	vst v63  }
0x117: {  	v3 =	vld [tilespmem:$0x70];
	_ =	sdelay $0x4  }
0x118: {  	v47 =	vshll.u32 v3, $0x1  }
0x119: {  	v3 =	vand.u32 $0x7, v3;
	v4 =	vand.u32 $0xFFFFFFF0, v47  }
0x11a: {  	v3 =	vor.u32 v3, v4  }
0x11b: {  	v4 =	vperm.xlane v3, v0;
	_ =	sdelay $0x1  }
0x11c: {  	v3 =	vperm.xlane v3, v2;
	v4 =	vadd.s32 v1, v4;
	_ =	sdelay $0x1  }
0x11d: {  	v3 =	vadd.s32 v1, v3;
	_ =	sdelay $0x2  }
0x11e: {  	[tilespmem:s30], [sflag:$0x1] =	stream.indirect_vreg.gather [hbm4b:s1+s3], $0x80, v4, vm0, $0xb8;
	[tilespmem:$0x8080] =	vst v63  }
0x11f: {  	_ = 	snop  }
0x120: {  	[tilespmem:s31], [sflag:$0x1] =	stream.indirect_vreg.gather [hbm4b:s1+s3], $0x80, v3, vm0, $0xb8;
	[tilespmem:$0x8080] =	vst v63  }
0x121: {  	_ =	swait.ge [sflag:s2], $0x8000  }
0x122: {  	[sflag:s2] =	ssyncset.done $0x0  }
0x123: {  	[sflag:s2] =	ssyncadd.s32 $0xFFFF8000  }
0x124: {  	[hbm4b:s8+s3] =	stream.linear.scatter [tilespmem:s15], [sflag:$0x2], $0x8000, $0x38;
	[tilespmem:$0x8080] =	vst v63  }
0x125: {  	_ =	swait.ge [sflag:s14], $0x8000  }
0x126: {  	[sflag:s14] =	ssyncset.done $0x0  }
0x127: {  	[sflag:s14] =	ssyncadd.s32 $0xFFFF8000  }
0x128: {  	[tilespmem:s3], [sflag:$0x2] =	stream.linear.gather [hbm4b:s9+s3], $0x80, $0x38;
	[tilespmem:$0x8080] =	vst v63  }
0x129: {  	_ =	swait.ge [sflag:s14], $0x80  }
0x12a: {  	[sflag:s14] =	ssyncset.done $0x0  }
0x12b: {  	[sflag:s14] =	ssyncadd.s32 $0xFFFFFF80  }
0x12c: {  	v3 =	vld [tilespmem:$0x0];
	_ =	sdelay $0x4  }
0x12d: {  	v48 =	vshll.u32 v3, $0x1  }
0x12e: {  	v3 =	vand.u32 $0x7, v3;
	v4 =	vand.u32 $0xFFFFFFF0, v48  }
0x12f: {  	v3 =	vor.u32 v3, v4  }
0x130: {  	v4 =	vperm.xlane v3, v0;
	_ =	sdelay $0x1  }
0x131: {  	v3 =	vperm.xlane v3, v2;
	v4 =	vadd.s32 v1, v4;
	_ =	sdelay $0x1  }
0x132: {  	v3 =	vadd.s32 v1, v3;
	_ =	sdelay $0x2  }
0x133: {  	[tilespmem:s15], [sflag:$0x1] =	stream.indirect_vreg.gather [hbm4b:s1+s3], $0x80, v4, vm0, $0xb8;
	[tilespmem:$0x8080] =	vst v63  }
0x134: {  	_ = 	snop  }
0x135: {  	[tilespmem:s16], [sflag:$0x1] =	stream.indirect_vreg.gather [hbm4b:s1+s3], $0x80, v3, vm0, $0xb8;
	[tilespmem:$0x8080] =	vst v63  }
0x136: {  	v3 =	vld [tilespmem:$0x10];
	_ =	sdelay $0x4  }
0x137: {  	v49 =	vshll.u32 v3, $0x1  }
0x138: {  	v3 =	vand.u32 $0x7, v3;
	v4 =	vand.u32 $0xFFFFFFF0, v49  }
0x139: {  	v3 =	vor.u32 v3, v4  }
0x13a: {  	v4 =	vperm.xlane v3, v0;
	_ =	sdelay $0x1  }
0x13b: {  	v3 =	vperm.xlane v3, v2;
	v4 =	vadd.s32 v1, v4;
	_ =	sdelay $0x1  }
0x13c: {  	v3 =	vadd.s32 v1, v3;
	_ =	sdelay $0x2  }
0x13d: {  	[tilespmem:s17], [sflag:$0x1] =	stream.indirect_vreg.gather [hbm4b:s1+s3], $0x80, v4, vm0, $0xb8;
	[tilespmem:$0x8080] =	vst v63  }
0x13e: {  	_ = 	snop  }
0x13f: {  	[tilespmem:s18], [sflag:$0x1] =	stream.indirect_vreg.gather [hbm4b:s1+s3], $0x80, v3, vm0, $0xb8;
	[tilespmem:$0x8080] =	vst v63  }
0x140: {  	v3 =	vld [tilespmem:$0x20];
	_ =	sdelay $0x4  }
0x141: {  	v50 =	vshll.u32 v3, $0x1  }
0x142: {  	v3 =	vand.u32 $0x7, v3;
	v4 =	vand.u32 $0xFFFFFFF0, v50  }
0x143: {  	v3 =	vor.u32 v3, v4  }
0x144: {  	v4 =	vperm.xlane v3, v0;
	_ =	sdelay $0x1  }
0x145: {  	v3 =	vperm.xlane v3, v2;
	v4 =	vadd.s32 v1, v4;
	_ =	sdelay $0x1  }
0x146: {  	v3 =	vadd.s32 v1, v3;
	_ =	sdelay $0x2  }
0x147: {  	[tilespmem:s19], [sflag:$0x1] =	stream.indirect_vreg.gather [hbm4b:s1+s3], $0x80, v4, vm0, $0xb8;
	[tilespmem:$0x8080] =	vst v63  }
0x148: {  	_ = 	snop  }
0x149: {  	[tilespmem:s20], [sflag:$0x1] =	stream.indirect_vreg.gather [hbm4b:s1+s3], $0x80, v3, vm0, $0xb8;
	[tilespmem:$0x8080] =	vst v63  }
0x14a: {  	v3 =	vld [tilespmem:$0x30];
	_ =	sdelay $0x4  }
0x14b: {  	v51 =	vshll.u32 v3, $0x1  }
0x14c: {  	v3 =	vand.u32 $0x7, v3;
	v4 =	vand.u32 $0xFFFFFFF0, v51  }
0x14d: {  	v3 =	vor.u32 v3, v4  }
0x14e: {  	v4 =	vperm.xlane v3, v0;
	_ =	sdelay $0x1  }
0x14f: {  	v3 =	vperm.xlane v3, v2;
	v4 =	vadd.s32 v1, v4;
	_ =	sdelay $0x1  }
0x150: {  	v3 =	vadd.s32 v1, v3;
	_ =	sdelay $0x2  }
0x151: {  	[tilespmem:s21], [sflag:$0x1] =	stream.indirect_vreg.gather [hbm4b:s1+s3], $0x80, v4, vm0, $0xb8;
	[tilespmem:$0x8080] =	vst v63  }
0x152: {  	_ = 	snop  }
0x153: {  	[tilespmem:s22], [sflag:$0x1] =	stream.indirect_vreg.gather [hbm4b:s1+s3], $0x80, v3, vm0, $0xb8;
	[tilespmem:$0x8080] =	vst v63  }
0x154: {  	v3 =	vld [tilespmem:$0x40];
	_ =	sdelay $0x4  }
0x155: {  	v52 =	vshll.u32 v3, $0x1  }
0x156: {  	v3 =	vand.u32 $0x7, v3;
	v4 =	vand.u32 $0xFFFFFFF0, v52  }
0x157: {  	v3 =	vor.u32 v3, v4  }
0x158: {  	v4 =	vperm.xlane v3, v0;
	_ =	sdelay $0x1  }
0x159: {  	v3 =	vperm.xlane v3, v2;
	v4 =	vadd.s32 v1, v4;
	_ =	sdelay $0x1  }
0x15a: {  	v3 =	vadd.s32 v1, v3;
	_ =	sdelay $0x2  }
0x15b: {  	[tilespmem:s23], [sflag:$0x1] =	stream.indirect_vreg.gather [hbm4b:s1+s3], $0x80, v4, vm0, $0xb8;
	[tilespmem:$0x8080] =	vst v63  }
0x15c: {  	_ = 	snop  }
0x15d: {  	[tilespmem:s24], [sflag:$0x1] =	stream.indirect_vreg.gather [hbm4b:s1+s3], $0x80, v3, vm0, $0xb8;
	[tilespmem:$0x8080] =	vst v63  }
0x15e: {  	v3 =	vld [tilespmem:$0x50];
	_ =	sdelay $0x4  }
0x15f: {  	v53 =	vshll.u32 v3, $0x1  }
0x160: {  	v3 =	vand.u32 $0x7, v3;
	v4 =	vand.u32 $0xFFFFFFF0, v53  }
0x161: {  	v3 =	vor.u32 v3, v4  }
0x162: {  	v4 =	vperm.xlane v3, v0;
	_ =	sdelay $0x1  }
0x163: {  	v3 =	vperm.xlane v3, v2;
	v4 =	vadd.s32 v1, v4;
	_ =	sdelay $0x1  }
0x164: {  	v3 =	vadd.s32 v1, v3;
	_ =	sdelay $0x2  }
0x165: {  	[tilespmem:s25], [sflag:$0x1] =	stream.indirect_vreg.gather [hbm4b:s1+s3], $0x80, v4, vm0, $0xb8;
	[tilespmem:$0x8080] =	vst v63  }
0x166: {  	_ = 	snop  }
0x167: {  	[tilespmem:s26], [sflag:$0x1] =	stream.indirect_vreg.gather [hbm4b:s1+s3], $0x80, v3, vm0, $0xb8;
	[tilespmem:$0x8080] =	vst v63  }
0x168: {  	v3 =	vld [tilespmem:$0x60];
	_ =	sdelay $0x4  }
0x169: {  	v54 =	vshll.u32 v3, $0x1  }
0x16a: {  	v3 =	vand.u32 $0x7, v3;
	v4 =	vand.u32 $0xFFFFFFF0, v54  }
0x16b: {  	v3 =	vor.u32 v3, v4  }
0x16c: {  	v4 =	vperm.xlane v3, v0;
	_ =	sdelay $0x1  }
0x16d: {  	v3 =	vperm.xlane v3, v2;
	v4 =	vadd.s32 v1, v4;
	_ =	sdelay $0x1  }
0x16e: {  	v3 =	vadd.s32 v1, v3;
	_ =	sdelay $0x2  }
0x16f: {  	[tilespmem:s28], [sflag:$0x1] =	stream.indirect_vreg.gather [hbm4b:s1+s3], $0x80, v4, vm0, $0xb8;
	[tilespmem:$0x8080] =	vst v63  }
0x170: {  	_ = 	snop  }
0x171: {  	[tilespmem:s29], [sflag:$0x1] =	stream.indirect_vreg.gather [hbm4b:s1+s3], $0x80, v3, vm0, $0xb8;
	[tilespmem:$0x8080] =	vst v63  }
0x172: {  	v3 =	vld [tilespmem:$0x70];
	_ =	sdelay $0x4  }
0x173: {  	v55 =	vshll.u32 v3, $0x1  }
0x174: {  	v3 =	vand.u32 $0x7, v3;
	v4 =	vand.u32 $0xFFFFFFF0, v55  }
0x175: {  	v3 =	vor.u32 v3, v4  }
0x176: {  	v4 =	vperm.xlane v3, v0;
	_ =	sdelay $0x1  }
0x177: {  	v3 =	vperm.xlane v3, v2;
	v4 =	vadd.s32 v1, v4;
	_ =	sdelay $0x1  }
0x178: {  	v3 =	vadd.s32 v1, v3;
	_ =	sdelay $0x2  }
0x179: {  	[tilespmem:s30], [sflag:$0x1] =	stream.indirect_vreg.gather [hbm4b:s1+s3], $0x80, v4, vm0, $0xb8;
	[tilespmem:$0x8080] =	vst v63  }
0x17a: {  	_ = 	snop  }
0x17b: {  	[tilespmem:s31], [sflag:$0x1] =	stream.indirect_vreg.gather [hbm4b:s1+s3], $0x80, v3, vm0, $0xb8;
	[tilespmem:$0x8080] =	vst v63  }
0x17c: {  	_ =	swait.ge [sflag:s2], $0x8000  }
0x17d: {  	[sflag:s2] =	ssyncset.done $0x0  }
0x17e: {  	[sflag:s2] =	ssyncadd.s32 $0xFFFF8000  }
0x17f: {  	[hbm4b:s10+s3] =	stream.linear.scatter [tilespmem:s15], [sflag:$0x2], $0x8000, $0x38;
	[tilespmem:$0x8080] =	vst v63  }
0x180: {  	_ =	swait.ge [sflag:s14], $0x8000  }
0x181: {  	[sflag:s14] =	ssyncset.done $0x0  }
0x182: {  	[sflag:s14] =	ssyncadd.s32 $0xFFFF8000  }
0x183: {  	[tilespmem:s3], [sflag:$0x2] =	stream.linear.gather [hbm4b:s11+s3], $0x80, $0x38;
	[tilespmem:$0x8080] =	vst v63  }
0x184: {  	_ =	swait.ge [sflag:s14], $0x80  }
0x185: {  	[sflag:s14] =	ssyncset.done $0x0  }
0x186: {  	[sflag:s14] =	ssyncadd.s32 $0xFFFFFF80  }
0x187: {  	v3 =	vld [tilespmem:$0x0];
	_ =	sdelay $0x4  }
0x188: {  	v56 =	vshll.u32 v3, $0x1  }
0x189: {  	v3 =	vand.u32 $0x7, v3;
	v4 =	vand.u32 $0xFFFFFFF0, v56  }
0x18a: {  	v3 =	vor.u32 v3, v4  }
0x18b: {  	v4 =	vperm.xlane v3, v0;
	_ =	sdelay $0x1  }
0x18c: {  	v3 =	vperm.xlane v3, v2;
	v4 =	vadd.s32 v1, v4;
	_ =	sdelay $0x1  }
0x18d: {  	v3 =	vadd.s32 v1, v3;
	_ =	sdelay $0x2  }
0x18e: {  	[tilespmem:s15], [sflag:$0x1] =	stream.indirect_vreg.gather [hbm4b:s1+s3], $0x80, v4, vm0, $0xb8;
	[tilespmem:$0x8080] =	vst v63  }
0x18f: {  	_ = 	snop  }
0x190: {  	[tilespmem:s16], [sflag:$0x1] =	stream.indirect_vreg.gather [hbm4b:s1+s3], $0x80, v3, vm0, $0xb8;
	[tilespmem:$0x8080] =	vst v63  }
0x191: {  	v3 =	vld [tilespmem:$0x10];
	_ =	sdelay $0x4  }
0x192: {  	v57 =	vshll.u32 v3, $0x1  }
0x193: {  	v3 =	vand.u32 $0x7, v3;
	v4 =	vand.u32 $0xFFFFFFF0, v57  }
0x194: {  	v3 =	vor.u32 v3, v4  }
0x195: {  	v4 =	vperm.xlane v3, v0;
	_ =	sdelay $0x1  }
0x196: {  	v3 =	vperm.xlane v3, v2;
	v4 =	vadd.s32 v1, v4;
	_ =	sdelay $0x1  }
0x197: {  	v3 =	vadd.s32 v1, v3;
	_ =	sdelay $0x2  }
0x198: {  	[tilespmem:s17], [sflag:$0x1] =	stream.indirect_vreg.gather [hbm4b:s1+s3], $0x80, v4, vm0, $0xb8;
	[tilespmem:$0x8080] =	vst v63  }
0x199: {  	_ = 	snop  }
0x19a: {  	[tilespmem:s18], [sflag:$0x1] =	stream.indirect_vreg.gather [hbm4b:s1+s3], $0x80, v3, vm0, $0xb8;
	[tilespmem:$0x8080] =	vst v63  }
0x19b: {  	v3 =	vld [tilespmem:$0x20];
	_ =	sdelay $0x4  }
0x19c: {  	v58 =	vshll.u32 v3, $0x1  }
0x19d: {  	v3 =	vand.u32 $0x7, v3;
	v4 =	vand.u32 $0xFFFFFFF0, v58  }
0x19e: {  	v3 =	vor.u32 v3, v4  }
0x19f: {  	v4 =	vperm.xlane v3, v0;
	_ =	sdelay $0x1  }
0x1a0: {  	v3 =	vperm.xlane v3, v2;
	v4 =	vadd.s32 v1, v4;
	_ =	sdelay $0x1  }
0x1a1: {  	v3 =	vadd.s32 v1, v3;
	_ =	sdelay $0x2  }
0x1a2: {  	[tilespmem:s19], [sflag:$0x1] =	stream.indirect_vreg.gather [hbm4b:s1+s3], $0x80, v4, vm0, $0xb8;
	[tilespmem:$0x8080] =	vst v63  }
0x1a3: {  	_ = 	snop  }
0x1a4: {  	[tilespmem:s20], [sflag:$0x1] =	stream.indirect_vreg.gather [hbm4b:s1+s3], $0x80, v3, vm0, $0xb8;
	[tilespmem:$0x8080] =	vst v63  }
0x1a5: {  	v3 =	vld [tilespmem:$0x30];
	_ =	sdelay $0x4  }
0x1a6: {  	v59 =	vshll.u32 v3, $0x1  }
0x1a7: {  	v3 =	vand.u32 $0x7, v3;
	v4 =	vand.u32 $0xFFFFFFF0, v59  }
0x1a8: {  	v3 =	vor.u32 v3, v4  }
0x1a9: {  	v4 =	vperm.xlane v3, v0;
	_ =	sdelay $0x1  }
0x1aa: {  	v3 =	vperm.xlane v3, v2;
	v4 =	vadd.s32 v1, v4;
	_ =	sdelay $0x1  }
0x1ab: {  	v3 =	vadd.s32 v1, v3;
	_ =	sdelay $0x2  }
0x1ac: {  	[tilespmem:s21], [sflag:$0x1] =	stream.indirect_vreg.gather [hbm4b:s1+s3], $0x80, v4, vm0, $0xb8;
	[tilespmem:$0x8080] =	vst v63  }
0x1ad: {  	_ = 	snop  }
0x1ae: {  	[tilespmem:s22], [sflag:$0x1] =	stream.indirect_vreg.gather [hbm4b:s1+s3], $0x80, v3, vm0, $0xb8;
	[tilespmem:$0x8080] =	vst v63  }
0x1af: {  	v3 =	vld [tilespmem:$0x40];
	_ =	sdelay $0x4  }
0x1b0: {  	v60 =	vshll.u32 v3, $0x1  }
0x1b1: {  	v3 =	vand.u32 $0x7, v3;
	v4 =	vand.u32 $0xFFFFFFF0, v60  }
0x1b2: {  	v3 =	vor.u32 v3, v4  }
0x1b3: {  	v4 =	vperm.xlane v3, v0;
	_ =	sdelay $0x1  }
0x1b4: {  	v3 =	vperm.xlane v3, v2;
	v4 =	vadd.s32 v1, v4;
	_ =	sdelay $0x1  }
0x1b5: {  	v3 =	vadd.s32 v1, v3;
	_ =	sdelay $0x2  }
0x1b6: {  	[tilespmem:s23], [sflag:$0x1] =	stream.indirect_vreg.gather [hbm4b:s1+s3], $0x80, v4, vm0, $0xb8;
	[tilespmem:$0x8080] =	vst v63  }
0x1b7: {  	_ = 	snop  }
0x1b8: {  	[tilespmem:s24], [sflag:$0x1] =	stream.indirect_vreg.gather [hbm4b:s1+s3], $0x80, v3, vm0, $0xb8;
	[tilespmem:$0x8080] =	vst v63  }
0x1b9: {  	v3 =	vld [tilespmem:$0x50];
	_ =	sdelay $0x4  }
0x1ba: {  	v61 =	vshll.u32 v3, $0x1  }
0x1bb: {  	v3 =	vand.u32 $0x7, v3;
	v4 =	vand.u32 $0xFFFFFFF0, v61  }
0x1bc: {  	v3 =	vor.u32 v3, v4  }
0x1bd: {  	v4 =	vperm.xlane v3, v0;
	_ =	sdelay $0x1  }
0x1be: {  	v3 =	vperm.xlane v3, v2;
	v4 =	vadd.s32 v1, v4;
	_ =	sdelay $0x1  }
0x1bf: {  	v3 =	vadd.s32 v1, v3;
	_ =	sdelay $0x2  }
0x1c0: {  	[tilespmem:s25], [sflag:$0x1] =	stream.indirect_vreg.gather [hbm4b:s1+s3], $0x80, v4, vm0, $0xb8;
	[tilespmem:$0x8080] =	vst v63  }
0x1c1: {  	_ = 	snop  }
0x1c2: {  	[tilespmem:s26], [sflag:$0x1] =	stream.indirect_vreg.gather [hbm4b:s1+s3], $0x80, v3, vm0, $0xb8;
	[tilespmem:$0x8080] =	vst v63  }
0x1c3: {  	v3 =	vld [tilespmem:$0x60];
	_ =	sdelay $0x4  }
0x1c4: {  	v62 =	vshll.u32 v3, $0x1  }
0x1c5: {  	v3 =	vand.u32 $0x7, v3;
	v4 =	vand.u32 $0xFFFFFFF0, v62  }
0x1c6: {  	v3 =	vor.u32 v3, v4  }
0x1c7: {  	v4 =	vperm.xlane v3, v0;
	_ =	sdelay $0x1  }
0x1c8: {  	v3 =	vperm.xlane v3, v2;
	v4 =	vadd.s32 v1, v4;
	_ =	sdelay $0x1  }
0x1c9: {  	v3 =	vadd.s32 v1, v3;
	_ =	sdelay $0x2  }
0x1ca: {  	[tilespmem:s28], [sflag:$0x1] =	stream.indirect_vreg.gather [hbm4b:s1+s3], $0x80, v4, vm0, $0xb8;
	[tilespmem:$0x8080] =	vst v63  }
0x1cb: {  	_ = 	snop  }
0x1cc: {  	[tilespmem:s29], [sflag:$0x1] =	stream.indirect_vreg.gather [hbm4b:s1+s3], $0x80, v3, vm0, $0xb8;
	[tilespmem:$0x8080] =	vst v63  }
0x1cd: {  	v3 =	vld [tilespmem:$0x70];
	_ =	sdelay $0x4  }
0x1ce: {  	v63 =	vshll.u32 v3, $0x1  }
0x1cf: {  	v3 =	vand.u32 $0x7, v3;
	v4 =	vand.u32 $0xFFFFFFF0, v63  }
0x1d0: {  	v3 =	vor.u32 v3, v4  }
0x1d1: {  	v4 =	vperm.xlane v3, v0;
	_ =	sdelay $0x1  }
0x1d2: {  	v3 =	vperm.xlane v3, v2;
	v4 =	vadd.s32 v1, v4;
	_ =	sdelay $0x1  }
0x1d3: {  	v3 =	vadd.s32 v1, v3;
	_ =	sdelay $0x2  }
0x1d4: {  	[tilespmem:s30], [sflag:$0x1] =	stream.indirect_vreg.gather [hbm4b:s1+s3], $0x80, v4, vm0, $0xb8;
	[tilespmem:$0x8080] =	vst v63  }
0x1d5: {  	_ = 	snop  }
0x1d6: {  	[tilespmem:s31], [sflag:$0x1] =	stream.indirect_vreg.gather [hbm4b:s1+s3], $0x80, v3, vm0, $0xb8;
	[tilespmem:$0x8080] =	vst v63  }
0x1d7: {  	_ =	swait.ge [sflag:s2], $0x8000  }
0x1d8: {  	p0 =	sne.s32 s13, $0x1;
	[sflag:s2] =	ssyncset.done $0x0  }
.Ltmp0:
0x1d9: {  	[sflag:s2] =	ssyncadd.s32 $0xFFFF8000;
	(pc) =	sbr.rel @p0 .LBB2_1-.Ltmp0, $4  }
0x1da: {  	[hbm4b:s12+s3] =	stream.linear.scatter [tilespmem:s15], [sflag:$0x2], $0x8000, $0x38;
	[tilespmem:$0x8080] =	vst v63  }
0x1db: {  	_ =	swait.ge [sflag:s14], $0x8000  }
0x1dc: {  	[sflag:s14] =	ssyncset.done $0x0  }
0x1dd: {  	s13 =	sadd.s32 $0xFFFFFFFF, s13;
	[sflag:s14] =	ssyncadd.s32 $0xFFFF8000  }
0x1de: {  	_ =	sfence.sel $0x180000  }
0x1df: {  	[bflag:$0x0] =	sbarrier.arrive $0xFFFF  }
0x1e0: {  	_ =	strace $0x90000047  }
0x1e1: {  	s0 =	stileid.u32;
	[bflag:$0x2] =	sbarrier.arrive $0xFFFF  }
0x1e2: {  	p0 =	sne.s32 s0, $0x0;
	s0 =	rddreg [dreg:$0x3]  }
0x1e3: {  	s0 =	sadd.s32 @!p0 $0x100000, s0  }
0x1e4: {  	[sflag:s0] =	ssyncadd.tile.s32 @!p0 $0x1;
	_ =	shalt  }
.Lfunc_end2:
_tile_overlayer_lowered:
.L_overlay_start_2:
0x1e5: {  	(tag) =	ssettag $0x2  }
0x1e6: {  	s0 =	rddreg [dreg:$0x0];
	s2 =	stileid.u32  }
0x1e7: {  	s1 =	rddreg [dreg:$0x1];
	p0 =	sne.s32 s2, $0x0  }
0x1e8: {  	s3 =	rddreg [dreg:$0x2];
	[bflag:$0x3] =	sbarrier.arrive $0xFFFF;
	s2 =	simm.s32 @!p0 $0x1C02  }
0x1e9: {  	[timem:s3], [sflag:s2] =	dma.local @!p0 [hbm:s0], s1  }
0x1ea: {  	s0 =	simm.s32 @!p0 $0x2  }
0x1eb: {  	_ =	swait.ge @!p0 [sflag:s0], s1  }
0x1ec: {  	s1 =	ssub.s32 @!p0 $0x0, s1;
	[sflag:s0] =	ssyncset.done @!p0 $0x0  }
0x1ed: {  	[sflag:s0] =	ssyncadd.s32 @!p0 s1  }
0x1ee: {  	[bflag:$0x3] =	sbarrier.arrive $0xFFFF  }
0x1ef: {  	_ =	shalt  }

</sc_bundles>
